<compile_context>
chip_gen: v7x
topology: tpu7x:2x2x1
jax: 0.10.2.dev20260603
libtpu: 0.0.44.dev20260713+nightly
codegen_flags: <defaults>
</compile_context>

<pallas_src>
import functools

import jax
import jax.numpy as jnp
from jax import lax
from jax.experimental import pallas as pl
from jax.experimental.pallas import tpu as pltpu
from jax.experimental.pallas import tpu_sc as plsc

NC = 2
NS = 16
CHUNK = 128


def _mesh():
  return plsc.VectorSubcoreMesh(core_axis_name="c", subcore_axis_name="s")


def _make_deg_kernel(NP, EP):
  ch_per_tile = EP // (NC * NS * CHUNK)
  rows_per_tile = NP // NS

  @functools.partial(
      pl.kernel,
      out_type=jax.ShapeDtypeStruct((NC, NP, 128), jnp.float32),
      mesh=_mesh(),
      scratch_types=[
          pltpu.VMEM_SHARED((NP, 128), jnp.float32),
          pltpu.VMEM((CHUNK,), jnp.int32),
          pltpu.VMEM((CHUNK, 128), jnp.float32),
      ],
  )
  def deg_kernel(dst_hbm, ones_hbm, zeros_hbm, out_hbm, acc_sh, dst_v,
                 ones_v):
    c = lax.axis_index("c")
    s = lax.axis_index("s")
    pltpu.sync_copy(zeros_hbm,
                    acc_sh.at[pl.ds(s * rows_per_tile, rows_per_tile)])
    pltpu.sync_copy(ones_hbm, ones_v)
    plsc.subcore_barrier()

    wid = c * NS + s
    base0 = wid * (ch_per_tile * CHUNK)

    def body(j, carry):
      base = base0 + j * CHUNK
      pltpu.sync_copy(dst_hbm.at[pl.ds(base, CHUNK)], dst_v)
      pltpu.sync_copy(ones_v, acc_sh.at[dst_v], add=True)
      return carry

    lax.fori_loop(0, ch_per_tile, body, 0)
    plsc.subcore_barrier()
    pltpu.sync_copy(acc_sh.at[pl.ds(s * rows_per_tile, rows_per_tile)],
                    out_hbm.at[c].at[pl.ds(s * rows_per_tile, rows_per_tile)])

  return deg_kernel


def _make_agg_kernel(N, NP, EP, D, ch0, ch1):
  rows_per_tile = NP // NS

  @functools.partial(
      pl.kernel,
      out_type=jax.ShapeDtypeStruct((NC, NP, D), jnp.float32),
      mesh=_mesh(),
      scratch_types=[
          pltpu.VMEM_SHARED((NP, D), jnp.float32),
          pltpu.VMEM((CHUNK,), jnp.int32),
          pltpu.VMEM((CHUNK,), jnp.int32),
          pltpu.VMEM((CHUNK,), jnp.int32),
          pltpu.VMEM((CHUNK,), jnp.int32),
          pltpu.VMEM((CHUNK, D), jnp.float32),
          pltpu.VMEM((CHUNK, D), jnp.float32),
          pltpu.SemaphoreType.DMA,
          pltpu.SemaphoreType.DMA,
      ],
  )
  def agg_kernel(u_hbm, src_hbm, dst_hbm, zeros_hbm, out_hbm, acc_sh, src0,
                 src1, dst0, dst1, rows0, rows1, sem0, sem1):
    c = lax.axis_index("c")
    s = lax.axis_index("s")
    pltpu.sync_copy(zeros_hbm,
                    acc_sh.at[pl.ds(s * rows_per_tile, rows_per_tile)])
    plsc.subcore_barrier()

    base0 = jnp.where(c == 0, s * ch0, NS * ch0 + s * ch1) * CHUNK
    srcs = (src0, src1)
    dsts = (dst0, dst1)
    rows = (rows0, rows1)
    sems = (sem0, sem1)
    G = jnp.where(c == 0, ch0, ch1)

    pltpu.sync_copy(src_hbm.at[pl.ds(base0, CHUNK)], src0)
    pltpu.sync_copy(dst_hbm.at[pl.ds(base0, CHUNK)], dst0)
    pltpu.make_async_copy(u_hbm.at[src0], rows0, sem0).start()

    def body(g, carry):
      for b in (0, 1):
        j = 2 * g + b
        nb = 1 - b
        nxt = j + 1 < G

        @pl.when(nxt)
        def _stage():
          base = base0 + (j + 1) * CHUNK
          pltpu.sync_copy(src_hbm.at[pl.ds(base, CHUNK)], srcs[nb])
          pltpu.sync_copy(dst_hbm.at[pl.ds(base, CHUNK)], dsts[nb])

        pltpu.make_async_copy(u_hbm.at[srcs[b]], rows[b], sems[b]).wait()

        @pl.when(nxt)
        def _fire():
          pltpu.make_async_copy(u_hbm.at[srcs[nb]], rows[nb], sems[nb]).start()

        pltpu.sync_copy(rows[b], acc_sh.at[dsts[b]], add=True)
      return carry

    lax.fori_loop(0, G // 2, body, 0)
    plsc.subcore_barrier()
    pltpu.sync_copy(acc_sh.at[pl.ds(s * rows_per_tile, rows_per_tile)],
                    out_hbm.at[c].at[pl.ds(s * rows_per_tile, rows_per_tile)])

  return agg_kernel


def _tc_pre(deg2, x, W1, N):
  def body(d_ref, x_ref, w_ref, dinv_ref, u_ref):
    deg = d_ref[0, 0:N, 0:1] + d_ref[1, 0:N, 0:1] + 1.0
    dinv = lax.rsqrt(deg)
    dinv_ref[...] = dinv
    h = jnp.dot(x_ref[...], w_ref[...], preferred_element_type=jnp.float32)
    u_ref[...] = h * dinv

  return pl.pallas_call(
      body,
      out_shape=(
          jax.ShapeDtypeStruct((N, 1), jnp.float32),
          jax.ShapeDtypeStruct((N, x.shape[1]), jnp.float32),
      ),
  )(deg2, x, W1)


def _tc_layer(s2, u, dinv, b, g, be, Wn, N, D):
  def body(s_ref, u_ref, dinv_ref, b_ref, g_ref, be_ref, w_ref, out_ref):
    conv = (s_ref[0, 0:N, :] + s_ref[1, 0:N, :] + u_ref[...]) * dinv_ref[...]
    conv = conv + b_ref[...]
    mu = jnp.mean(conv, axis=0, keepdims=True)
    d = conv - mu
    var = jnp.mean(d * d, axis=0, keepdims=True)
    z = g_ref[...] * d * lax.rsqrt(var + 1e-5) + be_ref[...]
    z = jnp.maximum(z, 0.0)
    out_ref[...] = (
        jnp.dot(z, w_ref[...], preferred_element_type=jnp.float32)
        * dinv_ref[...])

  return pl.pallas_call(
      body,
      out_shape=jax.ShapeDtypeStruct((N, Wn.shape[1]), jnp.float32),
  )(s2, u, dinv, b.reshape(1, -1), g.reshape(1, -1), be.reshape(1, -1), Wn)


def _tc_final(s2, u, dinv, b, g, be, Wout, bout, N):
  def body(s_ref, u_ref, dinv_ref, b_ref, g_ref, be_ref, w_ref, bo_ref,
           out_ref):
    conv = (s_ref[0, 0:N, :] + s_ref[1, 0:N, :] + u_ref[...]) * dinv_ref[...]
    conv = conv + b_ref[...]
    mu = jnp.mean(conv, axis=0, keepdims=True)
    d = conv - mu
    var = jnp.mean(d * d, axis=0, keepdims=True)
    z = g_ref[...] * d * lax.rsqrt(var + 1e-5) + be_ref[...]
    z = jnp.maximum(z, 0.0)
    out_ref[...] = (
        jnp.dot(z, w_ref[...], preferred_element_type=jnp.float32)
        + bo_ref[...])

  return pl.pallas_call(
      body,
      out_shape=jax.ShapeDtypeStruct((N, Wout.shape[1]), jnp.float32),
  )(s2, u, dinv, b.reshape(1, -1), g.reshape(1, -1), be.reshape(1, -1), Wout,
    bout.reshape(1, -1))


def kernel(x, edge_index, W1, b1, g1, be1, W2, b2, g2, be2, W3, b3, g3, be3,
           Wout, bout):
  N, D = x.shape
  E = edge_index.shape[1]
  NP = ((N + 1 + NS * 8 - 1) // (NS * 8)) * (NS * 8)
  chunks = (E + CHUNK - 1) // CHUNK
  chpp = (chunks + NS - 1) // NS
  ch0 = max(2, 2 * int(chpp * 0.44 / 2 + 0.5))
  ch1 = max(2, 2 * ((chpp - ch0 + 1) // 2))
  EP = NS * (ch0 + ch1) * CHUNK

  src = edge_index[0]
  dst = edge_index[1]
  pad = EP - E
  srcp = jnp.concatenate([src, jnp.zeros((pad,), jnp.int32)])
  dstp = jnp.concatenate([dst, jnp.full((pad,), N, jnp.int32)])

  rows_per_tile = NP // NS
  ones128 = jnp.ones((CHUNK, 128), jnp.float32)
  zerosD = jnp.zeros((rows_per_tile, D), jnp.float32)

  deg_kernel = _make_deg_kernel(NP, EP)
  agg_kernel = _make_agg_kernel(N, NP, EP, D, ch0, ch1)

  deg2 = deg_kernel(dstp, ones128, zerosD)
  dinv, u1 = _tc_pre(deg2, x, W1, N)

  s1 = agg_kernel(u1, srcp, dstp, zerosD)
  u2 = _tc_layer(s1, u1, dinv, b1, g1, be1, W2, N, D)

  s2 = agg_kernel(u2, srcp, dstp, zerosD)
  u3 = _tc_layer(s2, u2, dinv, b2, g2, be2, W3, N, D)

  s3 = agg_kernel(u3, srcp, dstp, zerosD)
  out = _tc_final(s3, u3, dinv, b3, g3, be3, Wout, bout, N)
  return out

# --- scband reference (transcript-rebuilt; emitter-appended) ---
"""Pipeline reference for scband-gcnids-29480655519935 (READ-ONLY COPY).

The authoritative reference and input builder live on the scoring server;
editing this copy changes nothing except your own understanding.
"""

import jax, jax.numpy as jnp
import numpy as np

N = 10000
E = 320000
D_IN = 128
D_HID = 128
D_OUT = 128
N_CLS = 16


def _p(key, shape, scale=0.05):
    return jax.random.normal(key, shape, dtype=jnp.float32) * scale


def setup_inputs(seed: int = 0):
    key = jax.random.key(seed)
    ks = jax.random.split(key, 8)
    inp = {}
    inp["x"] = jax.random.normal(ks[0], (N, D_IN), dtype=jnp.float32)
    inp["edge_index"] = jax.random.randint(ks[1], (2, E), 0, N, dtype=jnp.int32)
    inp["W1"] = _p(ks[2], (D_IN, D_HID))
    inp["b1"] = jnp.zeros((D_HID,), jnp.float32)
    inp["g1"] = jnp.ones((D_HID,), jnp.float32)
    inp["be1"] = jnp.zeros((D_HID,), jnp.float32)
    inp["W2"] = _p(ks[3], (D_HID, D_HID))
    inp["b2"] = jnp.zeros((D_HID,), jnp.float32)
    inp["g2"] = jnp.ones((D_HID,), jnp.float32)
    inp["be2"] = jnp.zeros((D_HID,), jnp.float32)
    inp["W3"] = _p(ks[4], (D_HID, D_OUT))
    inp["b3"] = jnp.zeros((D_OUT,), jnp.float32)
    inp["g3"] = jnp.ones((D_OUT,), jnp.float32)
    inp["be3"] = jnp.zeros((D_OUT,), jnp.float32)
    inp["Wout"] = _p(ks[5], (D_OUT, N_CLS))
    inp["bout"] = jnp.zeros((N_CLS,), jnp.float32)
    return inp


def gcn_conv(x, edge_index, W, b):
    # GCNConv: add self loops, symmetric deg normalization, x @ W, scatter-add to dst, + bias
    n = x.shape[0]
    loop = jnp.arange(n, dtype=edge_index.dtype)
    src = jnp.concatenate([edge_index[0], loop])
    dst = jnp.concatenate([edge_index[1], loop])
    deg = jnp.zeros((n,), x.dtype).at[dst].add(1.0)
    dinv = jnp.where(deg > 0, 1.0 / jnp.sqrt(deg), 0.0)
    norm = dinv[src] * dinv[dst]
    h = x @ W
    msg = h[src] * norm[:, None]
    out = jnp.zeros((n, W.shape[1]), x.dtype).at[dst].add(msg)
    return out + b


def bn(x, gamma, beta, eps=1e-5):
    # BatchNorm1d training-mode forward (batch statistics, biased variance)
    mu = jnp.mean(x, axis=0)
    var = jnp.mean((x - mu) ** 2, axis=0)
    return gamma * (x - mu) / jnp.sqrt(var + eps) + beta


def reference(x, edge_index, W1, b1, g1, be1, W2, b2, g2, be2, W3, b3, g3, be3, Wout, bout):
    h = gcn_conv(x, edge_index, W1, b1)
    h = bn(h, g1, be1)
    h = jax.nn.relu(h)
    # dropout is identity in deterministic reference (eval semantics)
    h = gcn_conv(h, edge_index, W2, b2)
    h = bn(h, g2, be2)
    h = jax.nn.relu(h)
    h = gcn_conv(h, edge_index, W3, b3)
    h = bn(h, g3, be3)
    h = jax.nn.relu(h)
    return h @ Wout + bout

if __name__ == "__main__":
    import jax
    _d = setup_inputs()
    print(jax.jit(kernel)(*tuple(_d.values())))

</pallas_src>

<mosaic_0001>
#map = affine_map<(d0, d1) -> (0)>
#map1 = affine_map<(d0, d1) -> (0, 0)>
#map2 = affine_map<(d0, d1) -> (0, 0, 0)>
module attributes {stable_mosaic.version = 14 : i64} {
  func.func @deg_kernel(%arg0: i32, %arg1: i32, %arg2: memref<323584xi32, #tpu.memory_space<hbm>>, %arg3: memref<128x128xf32, #tpu.memory_space<hbm>>, %arg4: memref<632x128xf32, #tpu.memory_space<hbm>>, %arg5: memref<2x10112x128xf32, #tpu.memory_space<hbm>>, %arg6: memref<10112x128xf32, #tpu.memory_space<vmem_shared>>, %arg7: memref<128xi32, #tpu.memory_space<vmem>>, %arg8: memref<128x128xf32, #tpu.memory_space<vmem>>) attributes {dimension_semantics = [#tpu.dimension_semantics<core_parallel>, #tpu.dimension_semantics<subcore_parallel>], iteration_bounds = array<i64: 2, 16>, scalar_prefetch = 0 : i64, scratch_operands = 3 : i64, tpu.core_type = #tpu.core_type<sc_vector_subcore>, window_params = [{transform_indices = #map}, {transform_indices = #map1}, {transform_indices = #map1}, {transform_indices = #map2}]} {
    %mul3A = arith.constant 632 : i32
    %mul3A_0 = arith.muli %arg1, %mul3A : i32
    "tpu.region"() ({
      %run_scoped3A = tpu.sem_alloc : memref<!tpu.dma_semaphore, #tpu.memory_space<semaphore_mem>>
      %dma_start3A = arith.constant 0 : i32
      %dma_start3A_15 = tpu.memref_slice %arg6[%mul3A_0, %dma_start3A] : memref<10112x128xf32, #tpu.memory_space<vmem_shared>> -> memref<632x128xf32, #tpu.memory_space<vmem_shared>>
      tpu.enqueue_dma source(%arg4 : memref<632x128xf32, #tpu.memory_space<hbm>>) target(%dma_start3A_15 : memref<632x128xf32, #tpu.memory_space<vmem_shared>>) target_semaphore(%run_scoped3A : memref<!tpu.dma_semaphore, #tpu.memory_space<semaphore_mem>>)
      %dma_wait3A = arith.constant 0 : i32
      %dma_wait3A_16 = tpu.memref_slice %arg6[%mul3A_0, %dma_wait3A] : memref<10112x128xf32, #tpu.memory_space<vmem_shared>> -> memref<632x128xf32, #tpu.memory_space<vmem_shared>>
      tpu.wait_dma2 semaphore(%run_scoped3A : memref<!tpu.dma_semaphore, #tpu.memory_space<semaphore_mem>>) src(%arg4 : memref<632x128xf32, #tpu.memory_space<hbm>>) dst(%dma_wait3A_16 : memref<632x128xf32, #tpu.memory_space<vmem_shared>>)
      tpu.yield
    }) : () -> ()
    "tpu.region"() ({
      %run_scoped3A = tpu.sem_alloc : memref<!tpu.dma_semaphore, #tpu.memory_space<semaphore_mem>>
      tpu.enqueue_dma source(%arg3 : memref<128x128xf32, #tpu.memory_space<hbm>>) target(%arg8 : memref<128x128xf32, #tpu.memory_space<vmem>>) target_semaphore(%run_scoped3A : memref<!tpu.dma_semaphore, #tpu.memory_space<semaphore_mem>>)
      tpu.wait_dma2 semaphore(%run_scoped3A : memref<!tpu.dma_semaphore, #tpu.memory_space<semaphore_mem>>) src(%arg3 : memref<128x128xf32, #tpu.memory_space<hbm>>) dst(%arg8 : memref<128x128xf32, #tpu.memory_space<vmem>>)
      tpu.yield
    }) : () -> ()
    %barrier3A = arith.constant 0 : index
    tpu.barrier barrier_id(%barrier3A)
    %mul3A_1 = arith.constant 16 : i32
    %mul3A_2 = arith.muli %arg0, %mul3A_1 : i32
    %add3A = arith.addi %mul3A_2, %arg1 : i32
    %mul3A_3 = arith.constant 10112 : i32
    %mul3A_4 = arith.muli %add3A, %mul3A_3 : i32
    %scan3A = arith.constant 0 : i32
    %scan3A_5 = arith.constant 0 : i32
    %scan3A_6 = arith.constant 79 : i32
    %scan3A_7 = arith.addi %scan3A_5, %scan3A_6 : i32
    %scan3A_8 = arith.constant 1 : i32
    scf.for %scan3A_15 = %scan3A_5 to %scan3A_7 step %scan3A_8  : i32 {
      %mul3A_16 = arith.constant 128 : i32
      %mul3A_17 = arith.muli %scan3A_15, %mul3A_16 : i32
      %add3A_18 = arith.addi %mul3A_4, %mul3A_17 : i32
      "tpu.region"() ({
        %run_scoped3A = tpu.sem_alloc : memref<!tpu.dma_semaphore, #tpu.memory_space<semaphore_mem>>
        %dma_start3A = tpu.memref_slice %arg2[%add3A_18] : memref<323584xi32, #tpu.memory_space<hbm>> -> memref<128xi32, #tpu.memory_space<hbm>>
        %dma_start3A_19 = tpu.memref_slice %arg2[%add3A_18] : memref<323584xi32, #tpu.memory_space<hbm>> -> memref<128xi32, #tpu.memory_space<hbm>>
        tpu.enqueue_dma source(%dma_start3A_19 : memref<128xi32, #tpu.memory_space<hbm>>) target(%arg7 : memref<128xi32, #tpu.memory_space<vmem>>) target_semaphore(%run_scoped3A : memref<!tpu.dma_semaphore, #tpu.memory_space<semaphore_mem>>)
        %dma_wait3A = tpu.memref_slice %arg2[%add3A_18] : memref<323584xi32, #tpu.memory_space<hbm>> -> memref<128xi32, #tpu.memory_space<hbm>>
        %dma_wait3A_20 = tpu.memref_slice %arg2[%add3A_18] : memref<323584xi32, #tpu.memory_space<hbm>> -> memref<128xi32, #tpu.memory_space<hbm>>
        tpu.wait_dma2 semaphore(%run_scoped3A : memref<!tpu.dma_semaphore, #tpu.memory_space<semaphore_mem>>) src(%dma_wait3A_20 : memref<128xi32, #tpu.memory_space<hbm>>) dst(%arg7 : memref<128xi32, #tpu.memory_space<vmem>>)
        tpu.yield
      }) : () -> ()
      "tpu.region"() ({
        %run_scoped3A = tpu.sem_alloc : memref<!tpu.dma_semaphore, #tpu.memory_space<semaphore_mem>>
        %dma_start3A = arith.constant 0 : i32
        %dma_start3A_19 = arith.constant 0 : i32
        %dma_start3A_20 = tpu.memref_slice %arg6[%dma_start3A, %dma_start3A_19] : memref<10112x128xf32, #tpu.memory_space<vmem_shared>> -> memref<10112x128xf32, #tpu.memory_space<vmem_shared>>
        tpu.enqueue_indirect_dma source(%arg8 : memref<128x128xf32, #tpu.memory_space<vmem>>) target(%dma_start3A_20 : memref<10112x128xf32, #tpu.memory_space<vmem_shared>>) offsets(%arg7 : memref<128xi32, #tpu.memory_space<vmem>>) semaphore(%run_scoped3A : memref<!tpu.dma_semaphore, #tpu.memory_space<semaphore_mem>>) {add = true}
        %dma_wait3A = arith.constant 0 : i32
        %dma_wait3A_21 = arith.constant 0 : i32
        %dma_wait3A_22 = tpu.memref_slice %arg6[%dma_wait3A, %dma_wait3A_21] : memref<10112x128xf32, #tpu.memory_space<vmem_shared>> -> memref<10112x128xf32, #tpu.memory_space<vmem_shared>>
        tpu.wait_indirect_dma semaphore(%run_scoped3A : memref<!tpu.dma_semaphore, #tpu.memory_space<semaphore_mem>>) src(%arg8 : memref<128x128xf32, #tpu.memory_space<vmem>>) dst(%dma_wait3A_22 : memref<10112x128xf32, #tpu.memory_space<vmem_shared>>)
        tpu.yield
      }) : () -> ()
    }
    %scan3A_9 = arith.constant 79 : i32
    %barrier3A_10 = arith.constant 0 : index
    tpu.barrier barrier_id(%barrier3A_10)
    %mul3A_11 = arith.constant 632 : i32
    %mul3A_12 = arith.muli %arg1, %mul3A_11 : i32
    %mul3A_13 = arith.constant 632 : i32
    %mul3A_14 = arith.muli %arg1, %mul3A_13 : i32
    "tpu.region"() ({
      %run_scoped3A = tpu.sem_alloc : memref<!tpu.dma_semaphore, #tpu.memory_space<semaphore_mem>>
      %dma_start3A = arith.constant 0 : i32
      %dma_start3A_15 = arith.constant 0 : i32
      %dma_start3A_16 = tpu.memref_slice %arg5[%arg0, %dma_start3A, %dma_start3A_15] : memref<2x10112x128xf32, #tpu.memory_space<hbm>> -> memref<1x10112x128xf32, #tpu.memory_space<hbm>>
      %dma_start3A_17 = tpu.memref_squeeze %dma_start3A_16 : memref<1x10112x128xf32, #tpu.memory_space<hbm>> -> memref<10112x128xf32, #tpu.memory_space<hbm>>
      %dma_start3A_18 = arith.constant 0 : i32
      %dma_start3A_19 = tpu.memref_slice %dma_start3A_17[%mul3A_14, %dma_start3A_18] : memref<10112x128xf32, #tpu.memory_space<hbm>> -> memref<632x128xf32, #tpu.memory_space<hbm>>
      %dma_start3A_20 = arith.constant 0 : i32
      %dma_start3A_21 = tpu.memref_slice %arg6[%mul3A_12, %dma_start3A_20] : memref<10112x128xf32, #tpu.memory_space<vmem_shared>> -> memref<632x128xf32, #tpu.memory_space<vmem_shared>>
      tpu.enqueue_dma source(%dma_start3A_21 : memref<632x128xf32, #tpu.memory_space<vmem_shared>>) target(%dma_start3A_19 : memref<632x128xf32, #tpu.memory_space<hbm>>) target_semaphore(%run_scoped3A : memref<!tpu.dma_semaphore, #tpu.memory_space<semaphore_mem>>)
      %dma_wait3A = arith.constant 0 : i32
      %dma_wait3A_22 = arith.constant 0 : i32
      %dma_wait3A_23 = tpu.memref_slice %arg5[%arg0, %dma_wait3A, %dma_wait3A_22] : memref<2x10112x128xf32, #tpu.memory_space<hbm>> -> memref<1x10112x128xf32, #tpu.memory_space<hbm>>
      %dma_wait3A_24 = tpu.memref_squeeze %dma_wait3A_23 : memref<1x10112x128xf32, #tpu.memory_space<hbm>> -> memref<10112x128xf32, #tpu.memory_space<hbm>>
      %dma_wait3A_25 = arith.constant 0 : i32
      %dma_wait3A_26 = tpu.memref_slice %dma_wait3A_24[%mul3A_14, %dma_wait3A_25] : memref<10112x128xf32, #tpu.memory_space<hbm>> -> memref<632x128xf32, #tpu.memory_space<hbm>>
      %dma_wait3A_27 = arith.constant 0 : i32
      %dma_wait3A_28 = tpu.memref_slice %arg6[%mul3A_12, %dma_wait3A_27] : memref<10112x128xf32, #tpu.memory_space<vmem_shared>> -> memref<632x128xf32, #tpu.memory_space<vmem_shared>>
      tpu.wait_dma2 semaphore(%run_scoped3A : memref<!tpu.dma_semaphore, #tpu.memory_space<semaphore_mem>>) src(%dma_wait3A_28 : memref<632x128xf32, #tpu.memory_space<vmem_shared>>) dst(%dma_wait3A_26 : memref<632x128xf32, #tpu.memory_space<hbm>>)
      tpu.yield
    }) : () -> ()
    return
  }
}

#map = affine_map<(d0, d1) -> (0, 0)>
#map1 = affine_map<(d0, d1) -> (0)>
#map2 = affine_map<(d0, d1) -> (0, 0, 0)>
module attributes {stable_mosaic.version = 14 : i64} {
  func.func @agg_kernel(%arg0: i32, %arg1: i32, %arg2: memref<10000x128xf32, #tpu.memory_space<hbm>>, %arg3: memref<323584xi32, #tpu.memory_space<hbm>>, %arg4: memref<323584xi32, #tpu.memory_space<hbm>>, %arg5: memref<632x128xf32, #tpu.memory_space<hbm>>, %arg6: memref<2x10112x128xf32, #tpu.memory_space<hbm>>, %arg7: memref<10112x128xf32, #tpu.memory_space<vmem_shared>>, %arg8: memref<128xi32, #tpu.memory_space<vmem>>, %arg9: memref<128xi32, #tpu.memory_space<vmem>>, %arg10: memref<128xi32, #tpu.memory_space<vmem>>, %arg11: memref<128xi32, #tpu.memory_space<vmem>>, %arg12: memref<128x128xf32, #tpu.memory_space<vmem>>, %arg13: memref<128x128xf32, #tpu.memory_space<vmem>>, %arg14: memref<!tpu.dma_semaphore, #tpu.memory_space<semaphore_mem>>, %arg15: memref<!tpu.dma_semaphore, #tpu.memory_space<semaphore_mem>>) attributes {dimension_semantics = [#tpu.dimension_semantics<core_parallel>, #tpu.dimension_semantics<subcore_parallel>], iteration_bounds = array<i64: 2, 16>, scalar_prefetch = 0 : i64, scratch_operands = 9 : i64, tpu.core_type = #tpu.core_type<sc_vector_subcore>, window_params = [{transform_indices = #map}, {transform_indices = #map1}, {transform_indices = #map1}, {transform_indices = #map}, {transform_indices = #map2}]} {
    %mul3A = arith.constant 632 : i32
    %mul3A_0 = arith.muli %arg1, %mul3A : i32
    "tpu.region"() ({
      %run_scoped3A = tpu.sem_alloc : memref<!tpu.dma_semaphore, #tpu.memory_space<semaphore_mem>>
      %dma_start3A_47 = arith.constant 0 : i32
      %dma_start3A_48 = tpu.memref_slice %arg7[%mul3A_0, %dma_start3A_47] : memref<10112x128xf32, #tpu.memory_space<vmem_shared>> -> memref<632x128xf32, #tpu.memory_space<vmem_shared>>
      tpu.enqueue_dma source(%arg5 : memref<632x128xf32, #tpu.memory_space<hbm>>) target(%dma_start3A_48 : memref<632x128xf32, #tpu.memory_space<vmem_shared>>) target_semaphore(%run_scoped3A : memref<!tpu.dma_semaphore, #tpu.memory_space<semaphore_mem>>)
      %dma_wait3A = arith.constant 0 : i32
      %dma_wait3A_49 = tpu.memref_slice %arg7[%mul3A_0, %dma_wait3A] : memref<10112x128xf32, #tpu.memory_space<vmem_shared>> -> memref<632x128xf32, #tpu.memory_space<vmem_shared>>
      tpu.wait_dma2 semaphore(%run_scoped3A : memref<!tpu.dma_semaphore, #tpu.memory_space<semaphore_mem>>) src(%arg5 : memref<632x128xf32, #tpu.memory_space<hbm>>) dst(%dma_wait3A_49 : memref<632x128xf32, #tpu.memory_space<vmem_shared>>)
      tpu.yield
    }) : () -> ()
    %barrier3A = arith.constant 0 : index
    tpu.barrier barrier_id(%barrier3A)
    %eq3A = arith.constant 0 : i32
    %eq3A_1 = arith.cmpi eq, %arg0, %eq3A : i32
    %mul3A_2 = arith.constant 70 : i32
    %mul3A_3 = arith.muli %arg1, %mul3A_2 : i32
    %mul3A_4 = arith.constant 88 : i32
    %mul3A_5 = arith.muli %arg1, %mul3A_4 : i32
    %add3A = arith.constant 1120 : i32
    %add3A_6 = arith.addi %add3A, %mul3A_5 : i32
    %select_n3A = arith.select %eq3A_1, %mul3A_3, %add3A_6 : i32
    %mul3A_7 = arith.constant 128 : i32
    %mul3A_8 = arith.muli %select_n3A, %mul3A_7 : i32
    %eq3A_9 = arith.constant 0 : i32
    %eq3A_10 = arith.cmpi eq, %arg0, %eq3A_9 : i32
    %jit3A = arith.constant 70 : i32
    %jit3A_11 = arith.constant 88 : i32
    %select_n3A_12 = arith.select %eq3A_10, %jit3A, %jit3A_11 : i32
    "tpu.region"() ({
      %run_scoped3A = tpu.sem_alloc : memref<!tpu.dma_semaphore, #tpu.memory_space<semaphore_mem>>
      %dma_start3A_47 = tpu.memref_slice %arg3[%mul3A_8] : memref<323584xi32, #tpu.memory_space<hbm>> -> memref<128xi32, #tpu.memory_space<hbm>>
      %dma_start3A_48 = tpu.memref_slice %arg3[%mul3A_8] : memref<323584xi32, #tpu.memory_space<hbm>> -> memref<128xi32, #tpu.memory_space<hbm>>
      tpu.enqueue_dma source(%dma_start3A_48 : memref<128xi32, #tpu.memory_space<hbm>>) target(%arg8 : memref<128xi32, #tpu.memory_space<vmem>>) target_semaphore(%run_scoped3A : memref<!tpu.dma_semaphore, #tpu.memory_space<semaphore_mem>>)
      %dma_wait3A = tpu.memref_slice %arg3[%mul3A_8] : memref<323584xi32, #tpu.memory_space<hbm>> -> memref<128xi32, #tpu.memory_space<hbm>>
      %dma_wait3A_49 = tpu.memref_slice %arg3[%mul3A_8] : memref<323584xi32, #tpu.memory_space<hbm>> -> memref<128xi32, #tpu.memory_space<hbm>>
      tpu.wait_dma2 semaphore(%run_scoped3A : memref<!tpu.dma_semaphore, #tpu.memory_space<semaphore_mem>>) src(%dma_wait3A_49 : memref<128xi32, #tpu.memory_space<hbm>>) dst(%arg8 : memref<128xi32, #tpu.memory_space<vmem>>)
      tpu.yield
    }) : () -> ()
    "tpu.region"() ({
      %run_scoped3A = tpu.sem_alloc : memref<!tpu.dma_semaphore, #tpu.memory_space<semaphore_mem>>
      %dma_start3A_47 = tpu.memref_slice %arg4[%mul3A_8] : memref<323584xi32, #tpu.memory_space<hbm>> -> memref<128xi32, #tpu.memory_space<hbm>>
      %dma_start3A_48 = tpu.memref_slice %arg4[%mul3A_8] : memref<323584xi32, #tpu.memory_space<hbm>> -> memref<128xi32, #tpu.memory_space<hbm>>
      tpu.enqueue_dma source(%dma_start3A_48 : memref<128xi32, #tpu.memory_space<hbm>>) target(%arg10 : memref<128xi32, #tpu.memory_space<vmem>>) target_semaphore(%run_scoped3A : memref<!tpu.dma_semaphore, #tpu.memory_space<semaphore_mem>>)
      %dma_wait3A = tpu.memref_slice %arg4[%mul3A_8] : memref<323584xi32, #tpu.memory_space<hbm>> -> memref<128xi32, #tpu.memory_space<hbm>>
      %dma_wait3A_49 = tpu.memref_slice %arg4[%mul3A_8] : memref<323584xi32, #tpu.memory_space<hbm>> -> memref<128xi32, #tpu.memory_space<hbm>>
      tpu.wait_dma2 semaphore(%run_scoped3A : memref<!tpu.dma_semaphore, #tpu.memory_space<semaphore_mem>>) src(%dma_wait3A_49 : memref<128xi32, #tpu.memory_space<hbm>>) dst(%arg10 : memref<128xi32, #tpu.memory_space<vmem>>)
      tpu.yield
    }) : () -> ()
    %dma_start3A = arith.constant 0 : i32
    %dma_start3A_13 = arith.constant 0 : i32
    %dma_start3A_14 = tpu.memref_slice %arg2[%dma_start3A, %dma_start3A_13] : memref<10000x128xf32, #tpu.memory_space<hbm>> -> memref<10000x128xf32, #tpu.memory_space<hbm>>
    tpu.enqueue_indirect_dma source(%dma_start3A_14 : memref<10000x128xf32, #tpu.memory_space<hbm>>) target(%arg12 : memref<128x128xf32, #tpu.memory_space<vmem>>) offsets(%arg8 : memref<128xi32, #tpu.memory_space<vmem>>) semaphore(%arg14 : memref<!tpu.dma_semaphore, #tpu.memory_space<semaphore_mem>>)
    %jit3A_15 = arith.constant 2 : i32
    %div3A = arith.divsi %select_n3A_12, %jit3A_15 : i32
    %sign3A = arith.constant 0 : i32
    %sign3A_16 = arith.cmpi sgt, %select_n3A_12, %sign3A : i32
    %sign3A_17 = arith.extui %sign3A_16 : i1 to i32
    %sign3A_18 = arith.constant 0 : i32
    %sign3A_19 = arith.cmpi slt, %select_n3A_12, %sign3A_18 : i32
    %sign3A_20 = arith.extui %sign3A_19 : i1 to i32
    %sign3A_21 = arith.subi %sign3A_17, %sign3A_20 : i32
    %sign3A_22 = arith.constant 0 : i32
    %sign3A_23 = arith.cmpi sgt, %jit3A_15, %sign3A_22 : i32
    %sign3A_24 = arith.extui %sign3A_23 : i1 to i32
    %sign3A_25 = arith.constant 0 : i32
    %sign3A_26 = arith.cmpi slt, %jit3A_15, %sign3A_25 : i32
    %sign3A_27 = arith.extui %sign3A_26 : i1 to i32
    %sign3A_28 = arith.subi %sign3A_24, %sign3A_27 : i32
    %ne3A = arith.cmpi ne, %sign3A_21, %sign3A_28 : i32
    %rem3A = arith.remsi %select_n3A_12, %jit3A_15 : i32
    %ne3A_29 = arith.constant 0 : i32
    %ne3A_30 = arith.cmpi ne, %rem3A, %ne3A_29 : i32
    %and3A = arith.andi %ne3A, %ne3A_30 : i1
    %sub3A = arith.constant 1 : i32
    %sub3A_31 = arith.subi %div3A, %sub3A : i32
    %select_n3A_32 = arith.select %and3A, %sub3A_31, %div3A : i32
    %while3A = arith.constant 0 : i32
    %while3A_33 = arith.constant 0 : i32
    %while3A_34 = arith.subi %select_n3A_32, %while3A_33 : i32
    %while3A_35 = arith.addi %while3A_33, %while3A_34 : i32
    %while3A_36 = arith.constant 1 : i32
    %while3A_37 = arith.divsi %while3A_34, %while3A_36 : i32
    %while3A_38 = arith.muli %while3A_37, %while3A_36 : i32
    %while3A_39 = arith.addi %while3A_33, %while3A_38 : i32
    %while3A_40 = arith.constant 1 : i32
    scf.for %while3A_47 = %while3A_33 to %while3A_39 step %while3A_40  : i32 {
      %mul3A_48 = arith.constant 2 : i32
      %mul3A_49 = arith.muli %mul3A_48, %while3A_47 : i32
      %add3A_50 = arith.constant 0 : i32
      %add3A_51 = arith.addi %mul3A_49, %add3A_50 : i32
      %add3A_52 = arith.constant 1 : i32
      %add3A_53 = arith.addi %add3A_51, %add3A_52 : i32
      %lt3A = arith.cmpi slt, %add3A_53, %select_n3A_12 : i32
      %convert_element_type3A = arith.extui %lt3A : i1 to i32
      %cond3A = arith.constant 0 : i32
      %cond3A_54 = arith.cmpi ne, %convert_element_type3A, %cond3A : i32
      scf.if %cond3A_54 {
        %add3A_76 = arith.constant 1 : i32
        %add3A_77 = arith.addi %add3A_51, %add3A_76 : i32
        %mul3A_78 = arith.constant 128 : i32
        %mul3A_79 = arith.muli %add3A_77, %mul3A_78 : i32
        %add3A_80 = arith.addi %mul3A_8, %mul3A_79 : i32
        "tpu.region"() ({
          %run_scoped3A = tpu.sem_alloc : memref<!tpu.dma_semaphore, #tpu.memory_space<semaphore_mem>>
          %dma_start3A_81 = tpu.memref_slice %arg3[%add3A_80] : memref<323584xi32, #tpu.memory_space<hbm>> -> memref<128xi32, #tpu.memory_space<hbm>>
          %dma_start3A_82 = tpu.memref_slice %arg3[%add3A_80] : memref<323584xi32, #tpu.memory_space<hbm>> -> memref<128xi32, #tpu.memory_space<hbm>>
          tpu.enqueue_dma source(%dma_start3A_82 : memref<128xi32, #tpu.memory_space<hbm>>) target(%arg9 : memref<128xi32, #tpu.memory_space<vmem>>) target_semaphore(%run_scoped3A : memref<!tpu.dma_semaphore, #tpu.memory_space<semaphore_mem>>)
          %dma_wait3A_83 = tpu.memref_slice %arg3[%add3A_80] : memref<323584xi32, #tpu.memory_space<hbm>> -> memref<128xi32, #tpu.memory_space<hbm>>
          %dma_wait3A_84 = tpu.memref_slice %arg3[%add3A_80] : memref<323584xi32, #tpu.memory_space<hbm>> -> memref<128xi32, #tpu.memory_space<hbm>>
          tpu.wait_dma2 semaphore(%run_scoped3A : memref<!tpu.dma_semaphore, #tpu.memory_space<semaphore_mem>>) src(%dma_wait3A_84 : memref<128xi32, #tpu.memory_space<hbm>>) dst(%arg9 : memref<128xi32, #tpu.memory_space<vmem>>)
          tpu.yield
        }) : () -> ()
        "tpu.region"() ({
          %run_scoped3A = tpu.sem_alloc : memref<!tpu.dma_semaphore, #tpu.memory_space<semaphore_mem>>
          %dma_start3A_81 = tpu.memref_slice %arg4[%add3A_80] : memref<323584xi32, #tpu.memory_space<hbm>> -> memref<128xi32, #tpu.memory_space<hbm>>
          %dma_start3A_82 = tpu.memref_slice %arg4[%add3A_80] : memref<323584xi32, #tpu.memory_space<hbm>> -> memref<128xi32, #tpu.memory_space<hbm>>
          tpu.enqueue_dma source(%dma_start3A_82 : memref<128xi32, #tpu.memory_space<hbm>>) target(%arg11 : memref<128xi32, #tpu.memory_space<vmem>>) target_semaphore(%run_scoped3A : memref<!tpu.dma_semaphore, #tpu.memory_space<semaphore_mem>>)
          %dma_wait3A_83 = tpu.memref_slice %arg4[%add3A_80] : memref<323584xi32, #tpu.memory_space<hbm>> -> memref<128xi32, #tpu.memory_space<hbm>>
          %dma_wait3A_84 = tpu.memref_slice %arg4[%add3A_80] : memref<323584xi32, #tpu.memory_space<hbm>> -> memref<128xi32, #tpu.memory_space<hbm>>
          tpu.wait_dma2 semaphore(%run_scoped3A : memref<!tpu.dma_semaphore, #tpu.memory_space<semaphore_mem>>) src(%dma_wait3A_84 : memref<128xi32, #tpu.memory_space<hbm>>) dst(%arg11 : memref<128xi32, #tpu.memory_space<vmem>>)
          tpu.yield
        }) : () -> ()
      } else {
      }
      %dma_wait3A = arith.constant 0 : i32
      %dma_wait3A_55 = arith.constant 0 : i32
      %dma_wait3A_56 = tpu.memref_slice %arg2[%dma_wait3A, %dma_wait3A_55] : memref<10000x128xf32, #tpu.memory_space<hbm>> -> memref<10000x128xf32, #tpu.memory_space<hbm>>
      tpu.wait_indirect_dma semaphore(%arg14 : memref<!tpu.dma_semaphore, #tpu.memory_space<semaphore_mem>>) src(%dma_wait3A_56 : memref<10000x128xf32, #tpu.memory_space<hbm>>) dst(%arg12 : memref<128x128xf32, #tpu.memory_space<vmem>>)
      %convert_element_type3A_57 = arith.extui %lt3A : i1 to i32
      %cond3A_58 = arith.constant 0 : i32
      %cond3A_59 = arith.cmpi ne, %convert_element_type3A_57, %cond3A_58 : i32
      scf.if %cond3A_59 {
        %dma_start3A_76 = arith.constant 0 : i32
        %dma_start3A_77 = arith.constant 0 : i32
        %dma_start3A_78 = tpu.memref_slice %arg2[%dma_start3A_76, %dma_start3A_77] : memref<10000x128xf32, #tpu.memory_space<hbm>> -> memref<10000x128xf32, #tpu.memory_space<hbm>>
        tpu.enqueue_indirect_dma source(%dma_start3A_78 : memref<10000x128xf32, #tpu.memory_space<hbm>>) target(%arg13 : memref<128x128xf32, #tpu.memory_space<vmem>>) offsets(%arg9 : memref<128xi32, #tpu.memory_space<vmem>>) semaphore(%arg15 : memref<!tpu.dma_semaphore, #tpu.memory_space<semaphore_mem>>)
      } else {
      }
      "tpu.region"() ({
        %run_scoped3A = tpu.sem_alloc : memref<!tpu.dma_semaphore, #tpu.memory_space<semaphore_mem>>
        %dma_start3A_76 = arith.constant 0 : i32
        %dma_start3A_77 = arith.constant 0 : i32
        %dma_start3A_78 = tpu.memref_slice %arg7[%dma_start3A_76, %dma_start3A_77] : memref<10112x128xf32, #tpu.memory_space<vmem_shared>> -> memref<10112x128xf32, #tpu.memory_space<vmem_shared>>
        tpu.enqueue_indirect_dma source(%arg12 : memref<128x128xf32, #tpu.memory_space<vmem>>) target(%dma_start3A_78 : memref<10112x128xf32, #tpu.memory_space<vmem_shared>>) offsets(%arg10 : memref<128xi32, #tpu.memory_space<vmem>>) semaphore(%run_scoped3A : memref<!tpu.dma_semaphore, #tpu.memory_space<semaphore_mem>>) {add = true}
        %dma_wait3A_79 = arith.constant 0 : i32
        %dma_wait3A_80 = arith.constant 0 : i32
        %dma_wait3A_81 = tpu.memref_slice %arg7[%dma_wait3A_79, %dma_wait3A_80] : memref<10112x128xf32, #tpu.memory_space<vmem_shared>> -> memref<10112x128xf32, #tpu.memory_space<vmem_shared>>
        tpu.wait_indirect_dma semaphore(%run_scoped3A : memref<!tpu.dma_semaphore, #tpu.memory_space<semaphore_mem>>) src(%arg12 : memref<128x128xf32, #tpu.memory_space<vmem>>) dst(%dma_wait3A_81 : memref<10112x128xf32, #tpu.memory_space<vmem_shared>>)
        tpu.yield
      }) : () -> ()
      %mul3A_60 = arith.constant 2 : i32
      %mul3A_61 = arith.muli %mul3A_60, %while3A_47 : i32
      %add3A_62 = arith.constant 1 : i32
      %add3A_63 = arith.addi %mul3A_61, %add3A_62 : i32
      %add3A_64 = arith.constant 1 : i32
      %add3A_65 = arith.addi %add3A_63, %add3A_64 : i32
      %lt3A_66 = arith.cmpi slt, %add3A_65, %select_n3A_12 : i32
      %convert_element_type3A_67 = arith.extui %lt3A_66 : i1 to i32
      %cond3A_68 = arith.constant 0 : i32
      %cond3A_69 = arith.cmpi ne, %convert_element_type3A_67, %cond3A_68 : i32
      scf.if %cond3A_69 {
        %add3A_76 = arith.constant 1 : i32
        %add3A_77 = arith.addi %add3A_63, %add3A_76 : i32
        %mul3A_78 = arith.constant 128 : i32
        %mul3A_79 = arith.muli %add3A_77, %mul3A_78 : i32
        %add3A_80 = arith.addi %mul3A_8, %mul3A_79 : i32
        "tpu.region"() ({
          %run_scoped3A = tpu.sem_alloc : memref<!tpu.dma_semaphore, #tpu.memory_space<semaphore_mem>>
          %dma_start3A_81 = tpu.memref_slice %arg3[%add3A_80] : memref<323584xi32, #tpu.memory_space<hbm>> -> memref<128xi32, #tpu.memory_space<hbm>>
          %dma_start3A_82 = tpu.memref_slice %arg3[%add3A_80] : memref<323584xi32, #tpu.memory_space<hbm>> -> memref<128xi32, #tpu.memory_space<hbm>>
          tpu.enqueue_dma source(%dma_start3A_82 : memref<128xi32, #tpu.memory_space<hbm>>) target(%arg8 : memref<128xi32, #tpu.memory_space<vmem>>) target_semaphore(%run_scoped3A : memref<!tpu.dma_semaphore, #tpu.memory_space<semaphore_mem>>)
          %dma_wait3A_83 = tpu.memref_slice %arg3[%add3A_80] : memref<323584xi32, #tpu.memory_space<hbm>> -> memref<128xi32, #tpu.memory_space<hbm>>
          %dma_wait3A_84 = tpu.memref_slice %arg3[%add3A_80] : memref<323584xi32, #tpu.memory_space<hbm>> -> memref<128xi32, #tpu.memory_space<hbm>>
          tpu.wait_dma2 semaphore(%run_scoped3A : memref<!tpu.dma_semaphore, #tpu.memory_space<semaphore_mem>>) src(%dma_wait3A_84 : memref<128xi32, #tpu.memory_space<hbm>>) dst(%arg8 : memref<128xi32, #tpu.memory_space<vmem>>)
          tpu.yield
        }) : () -> ()
        "tpu.region"() ({
          %run_scoped3A = tpu.sem_alloc : memref<!tpu.dma_semaphore, #tpu.memory_space<semaphore_mem>>
          %dma_start3A_81 = tpu.memref_slice %arg4[%add3A_80] : memref<323584xi32, #tpu.memory_space<hbm>> -> memref<128xi32, #tpu.memory_space<hbm>>
          %dma_start3A_82 = tpu.memref_slice %arg4[%add3A_80] : memref<323584xi32, #tpu.memory_space<hbm>> -> memref<128xi32, #tpu.memory_space<hbm>>
          tpu.enqueue_dma source(%dma_start3A_82 : memref<128xi32, #tpu.memory_space<hbm>>) target(%arg10 : memref<128xi32, #tpu.memory_space<vmem>>) target_semaphore(%run_scoped3A : memref<!tpu.dma_semaphore, #tpu.memory_space<semaphore_mem>>)
          %dma_wait3A_83 = tpu.memref_slice %arg4[%add3A_80] : memref<323584xi32, #tpu.memory_space<hbm>> -> memref<128xi32, #tpu.memory_space<hbm>>
          %dma_wait3A_84 = tpu.memref_slice %arg4[%add3A_80] : memref<323584xi32, #tpu.memory_space<hbm>> -> memref<128xi32, #tpu.memory_space<hbm>>
          tpu.wait_dma2 semaphore(%run_scoped3A : memref<!tpu.dma_semaphore, #tpu.memory_space<semaphore_mem>>) src(%dma_wait3A_84 : memref<128xi32, #tpu.memory_space<hbm>>) dst(%arg10 : memref<128xi32, #tpu.memory_space<vmem>>)
          tpu.yield
        }) : () -> ()
      } else {
      }
      %dma_wait3A_70 = arith.constant 0 : i32
      %dma_wait3A_71 = arith.constant 0 : i32
      %dma_wait3A_72 = tpu.memref_slice %arg2[%dma_wait3A_70, %dma_wait3A_71] : memref<10000x128xf32, #tpu.memory_space<hbm>> -> memref<10000x128xf32, #tpu.memory_space<hbm>>
      tpu.wait_indirect_dma semaphore(%arg15 : memref<!tpu.dma_semaphore, #tpu.memory_space<semaphore_mem>>) src(%dma_wait3A_72 : memref<10000x128xf32, #tpu.memory_space<hbm>>) dst(%arg13 : memref<128x128xf32, #tpu.memory_space<vmem>>)
      %convert_element_type3A_73 = arith.extui %lt3A_66 : i1 to i32
      %cond3A_74 = arith.constant 0 : i32
      %cond3A_75 = arith.cmpi ne, %convert_element_type3A_73, %cond3A_74 : i32
      scf.if %cond3A_75 {
        %dma_start3A_76 = arith.constant 0 : i32
        %dma_start3A_77 = arith.constant 0 : i32
        %dma_start3A_78 = tpu.memref_slice %arg2[%dma_start3A_76, %dma_start3A_77] : memref<10000x128xf32, #tpu.memory_space<hbm>> -> memref<10000x128xf32, #tpu.memory_space<hbm>>
        tpu.enqueue_indirect_dma source(%dma_start3A_78 : memref<10000x128xf32, #tpu.memory_space<hbm>>) target(%arg12 : memref<128x128xf32, #tpu.memory_space<vmem>>) offsets(%arg8 : memref<128xi32, #tpu.memory_space<vmem>>) semaphore(%arg14 : memref<!tpu.dma_semaphore, #tpu.memory_space<semaphore_mem>>)
      } else {
      }
      "tpu.region"() ({
        %run_scoped3A = tpu.sem_alloc : memref<!tpu.dma_semaphore, #tpu.memory_space<semaphore_mem>>
        %dma_start3A_76 = arith.constant 0 : i32
        %dma_start3A_77 = arith.constant 0 : i32
        %dma_start3A_78 = tpu.memref_slice %arg7[%dma_start3A_76, %dma_start3A_77] : memref<10112x128xf32, #tpu.memory_space<vmem_shared>> -> memref<10112x128xf32, #tpu.memory_space<vmem_shared>>
        tpu.enqueue_indirect_dma source(%arg13 : memref<128x128xf32, #tpu.memory_space<vmem>>) target(%dma_start3A_78 : memref<10112x128xf32, #tpu.memory_space<vmem_shared>>) offsets(%arg11 : memref<128xi32, #tpu.memory_space<vmem>>) semaphore(%run_scoped3A : memref<!tpu.dma_semaphore, #tpu.memory_space<semaphore_mem>>) {add = true}
        %dma_wait3A_79 = arith.constant 0 : i32
        %dma_wait3A_80 = arith.constant 0 : i32
        %dma_wait3A_81 = tpu.memref_slice %arg7[%dma_wait3A_79, %dma_wait3A_80] : memref<10112x128xf32, #tpu.memory_space<vmem_shared>> -> memref<10112x128xf32, #tpu.memory_space<vmem_shared>>
        tpu.wait_indirect_dma semaphore(%run_scoped3A : memref<!tpu.dma_semaphore, #tpu.memory_space<semaphore_mem>>) src(%arg13 : memref<128x128xf32, #tpu.memory_space<vmem>>) dst(%dma_wait3A_81 : memref<10112x128xf32, #tpu.memory_space<vmem_shared>>)
        tpu.yield
      }) : () -> ()
    }
    %while3A_41 = arith.constant 1 : i32
    scf.for %while3A_47 = %while3A_39 to %while3A_35 step %while3A_41  : i32 {
      %mul3A_48 = arith.constant 2 : i32
      %mul3A_49 = arith.muli %mul3A_48, %while3A_47 : i32
      %add3A_50 = arith.constant 0 : i32
      %add3A_51 = arith.addi %mul3A_49, %add3A_50 : i32
      %add3A_52 = arith.constant 1 : i32
      %add3A_53 = arith.addi %add3A_51, %add3A_52 : i32
      %lt3A = arith.cmpi slt, %add3A_53, %select_n3A_12 : i32
      %convert_element_type3A = arith.extui %lt3A : i1 to i32
      %cond3A = arith.constant 0 : i32
      %cond3A_54 = arith.cmpi ne, %convert_element_type3A, %cond3A : i32
      scf.if %cond3A_54 {
        %add3A_76 = arith.constant 1 : i32
        %add3A_77 = arith.addi %add3A_51, %add3A_76 : i32
        %mul3A_78 = arith.constant 128 : i32
        %mul3A_79 = arith.muli %add3A_77, %mul3A_78 : i32
        %add3A_80 = arith.addi %mul3A_8, %mul3A_79 : i32
        "tpu.region"() ({
          %run_scoped3A = tpu.sem_alloc : memref<!tpu.dma_semaphore, #tpu.memory_space<semaphore_mem>>
          %dma_start3A_81 = tpu.memref_slice %arg3[%add3A_80] : memref<323584xi32, #tpu.memory_space<hbm>> -> memref<128xi32, #tpu.memory_space<hbm>>
          %dma_start3A_82 = tpu.memref_slice %arg3[%add3A_80] : memref<323584xi32, #tpu.memory_space<hbm>> -> memref<128xi32, #tpu.memory_space<hbm>>
          tpu.enqueue_dma source(%dma_start3A_82 : memref<128xi32, #tpu.memory_space<hbm>>) target(%arg9 : memref<128xi32, #tpu.memory_space<vmem>>) target_semaphore(%run_scoped3A : memref<!tpu.dma_semaphore, #tpu.memory_space<semaphore_mem>>)
          %dma_wait3A_83 = tpu.memref_slice %arg3[%add3A_80] : memref<323584xi32, #tpu.memory_space<hbm>> -> memref<128xi32, #tpu.memory_space<hbm>>
          %dma_wait3A_84 = tpu.memref_slice %arg3[%add3A_80] : memref<323584xi32, #tpu.memory_space<hbm>> -> memref<128xi32, #tpu.memory_space<hbm>>
          tpu.wait_dma2 semaphore(%run_scoped3A : memref<!tpu.dma_semaphore, #tpu.memory_space<semaphore_mem>>) src(%dma_wait3A_84 : memref<128xi32, #tpu.memory_space<hbm>>) dst(%arg9 : memref<128xi32, #tpu.memory_space<vmem>>)
          tpu.yield
        }) : () -> ()
        "tpu.region"() ({
          %run_scoped3A = tpu.sem_alloc : memref<!tpu.dma_semaphore, #tpu.memory_space<semaphore_mem>>
          %dma_start3A_81 = tpu.memref_slice %arg4[%add3A_80] : memref<323584xi32, #tpu.memory_space<hbm>> -> memref<128xi32, #tpu.memory_space<hbm>>
          %dma_start3A_82 = tpu.memref_slice %arg4[%add3A_80] : memref<323584xi32, #tpu.memory_space<hbm>> -> memref<128xi32, #tpu.memory_space<hbm>>
          tpu.enqueue_dma source(%dma_start3A_82 : memref<128xi32, #tpu.memory_space<hbm>>) target(%arg11 : memref<128xi32, #tpu.memory_space<vmem>>) target_semaphore(%run_scoped3A : memref<!tpu.dma_semaphore, #tpu.memory_space<semaphore_mem>>)
          %dma_wait3A_83 = tpu.memref_slice %arg4[%add3A_80] : memref<323584xi32, #tpu.memory_space<hbm>> -> memref<128xi32, #tpu.memory_space<hbm>>
          %dma_wait3A_84 = tpu.memref_slice %arg4[%add3A_80] : memref<323584xi32, #tpu.memory_space<hbm>> -> memref<128xi32, #tpu.memory_space<hbm>>
          tpu.wait_dma2 semaphore(%run_scoped3A : memref<!tpu.dma_semaphore, #tpu.memory_space<semaphore_mem>>) src(%dma_wait3A_84 : memref<128xi32, #tpu.memory_space<hbm>>) dst(%arg11 : memref<128xi32, #tpu.memory_space<vmem>>)
          tpu.yield
        }) : () -> ()
      } else {
      }
      %dma_wait3A = arith.constant 0 : i32
      %dma_wait3A_55 = arith.constant 0 : i32
      %dma_wait3A_56 = tpu.memref_slice %arg2[%dma_wait3A, %dma_wait3A_55] : memref<10000x128xf32, #tpu.memory_space<hbm>> -> memref<10000x128xf32, #tpu.memory_space<hbm>>
      tpu.wait_indirect_dma semaphore(%arg14 : memref<!tpu.dma_semaphore, #tpu.memory_space<semaphore_mem>>) src(%dma_wait3A_56 : memref<10000x128xf32, #tpu.memory_space<hbm>>) dst(%arg12 : memref<128x128xf32, #tpu.memory_space<vmem>>)
      %convert_element_type3A_57 = arith.extui %lt3A : i1 to i32
      %cond3A_58 = arith.constant 0 : i32
      %cond3A_59 = arith.cmpi ne, %convert_element_type3A_57, %cond3A_58 : i32
      scf.if %cond3A_59 {
        %dma_start3A_76 = arith.constant 0 : i32
        %dma_start3A_77 = arith.constant 0 : i32
        %dma_start3A_78 = tpu.memref_slice %arg2[%dma_start3A_76, %dma_start3A_77] : memref<10000x128xf32, #tpu.memory_space<hbm>> -> memref<10000x128xf32, #tpu.memory_space<hbm>>
        tpu.enqueue_indirect_dma source(%dma_start3A_78 : memref<10000x128xf32, #tpu.memory_space<hbm>>) target(%arg13 : memref<128x128xf32, #tpu.memory_space<vmem>>) offsets(%arg9 : memref<128xi32, #tpu.memory_space<vmem>>) semaphore(%arg15 : memref<!tpu.dma_semaphore, #tpu.memory_space<semaphore_mem>>)
      } else {
      }
      "tpu.region"() ({
        %run_scoped3A = tpu.sem_alloc : memref<!tpu.dma_semaphore, #tpu.memory_space<semaphore_mem>>
        %dma_start3A_76 = arith.constant 0 : i32
        %dma_start3A_77 = arith.constant 0 : i32
        %dma_start3A_78 = tpu.memref_slice %arg7[%dma_start3A_76, %dma_start3A_77] : memref<10112x128xf32, #tpu.memory_space<vmem_shared>> -> memref<10112x128xf32, #tpu.memory_space<vmem_shared>>
        tpu.enqueue_indirect_dma source(%arg12 : memref<128x128xf32, #tpu.memory_space<vmem>>) target(%dma_start3A_78 : memref<10112x128xf32, #tpu.memory_space<vmem_shared>>) offsets(%arg10 : memref<128xi32, #tpu.memory_space<vmem>>) semaphore(%run_scoped3A : memref<!tpu.dma_semaphore, #tpu.memory_space<semaphore_mem>>) {add = true}
        %dma_wait3A_79 = arith.constant 0 : i32
        %dma_wait3A_80 = arith.constant 0 : i32
        %dma_wait3A_81 = tpu.memref_slice %arg7[%dma_wait3A_79, %dma_wait3A_80] : memref<10112x128xf32, #tpu.memory_space<vmem_shared>> -> memref<10112x128xf32, #tpu.memory_space<vmem_shared>>
        tpu.wait_indirect_dma semaphore(%run_scoped3A : memref<!tpu.dma_semaphore, #tpu.memory_space<semaphore_mem>>) src(%arg12 : memref<128x128xf32, #tpu.memory_space<vmem>>) dst(%dma_wait3A_81 : memref<10112x128xf32, #tpu.memory_space<vmem_shared>>)
        tpu.yield
      }) : () -> ()
      %mul3A_60 = arith.constant 2 : i32
      %mul3A_61 = arith.muli %mul3A_60, %while3A_47 : i32
      %add3A_62 = arith.constant 1 : i32
      %add3A_63 = arith.addi %mul3A_61, %add3A_62 : i32
      %add3A_64 = arith.constant 1 : i32
      %add3A_65 = arith.addi %add3A_63, %add3A_64 : i32
      %lt3A_66 = arith.cmpi slt, %add3A_65, %select_n3A_12 : i32
      %convert_element_type3A_67 = arith.extui %lt3A_66 : i1 to i32
      %cond3A_68 = arith.constant 0 : i32
      %cond3A_69 = arith.cmpi ne, %convert_element_type3A_67, %cond3A_68 : i32
      scf.if %cond3A_69 {
        %add3A_76 = arith.constant 1 : i32
        %add3A_77 = arith.addi %add3A_63, %add3A_76 : i32
        %mul3A_78 = arith.constant 128 : i32
        %mul3A_79 = arith.muli %add3A_77, %mul3A_78 : i32
        %add3A_80 = arith.addi %mul3A_8, %mul3A_79 : i32
        "tpu.region"() ({
          %run_scoped3A = tpu.sem_alloc : memref<!tpu.dma_semaphore, #tpu.memory_space<semaphore_mem>>
          %dma_start3A_81 = tpu.memref_slice %arg3[%add3A_80] : memref<323584xi32, #tpu.memory_space<hbm>> -> memref<128xi32, #tpu.memory_space<hbm>>
          %dma_start3A_82 = tpu.memref_slice %arg3[%add3A_80] : memref<323584xi32, #tpu.memory_space<hbm>> -> memref<128xi32, #tpu.memory_space<hbm>>
          tpu.enqueue_dma source(%dma_start3A_82 : memref<128xi32, #tpu.memory_space<hbm>>) target(%arg8 : memref<128xi32, #tpu.memory_space<vmem>>) target_semaphore(%run_scoped3A : memref<!tpu.dma_semaphore, #tpu.memory_space<semaphore_mem>>)
          %dma_wait3A_83 = tpu.memref_slice %arg3[%add3A_80] : memref<323584xi32, #tpu.memory_space<hbm>> -> memref<128xi32, #tpu.memory_space<hbm>>
          %dma_wait3A_84 = tpu.memref_slice %arg3[%add3A_80] : memref<323584xi32, #tpu.memory_space<hbm>> -> memref<128xi32, #tpu.memory_space<hbm>>
          tpu.wait_dma2 semaphore(%run_scoped3A : memref<!tpu.dma_semaphore, #tpu.memory_space<semaphore_mem>>) src(%dma_wait3A_84 : memref<128xi32, #tpu.memory_space<hbm>>) dst(%arg8 : memref<128xi32, #tpu.memory_space<vmem>>)
          tpu.yield
        }) : () -> ()
        "tpu.region"() ({
          %run_scoped3A = tpu.sem_alloc : memref<!tpu.dma_semaphore, #tpu.memory_space<semaphore_mem>>
          %dma_start3A_81 = tpu.memref_slice %arg4[%add3A_80] : memref<323584xi32, #tpu.memory_space<hbm>> -> memref<128xi32, #tpu.memory_space<hbm>>
          %dma_start3A_82 = tpu.memref_slice %arg4[%add3A_80] : memref<323584xi32, #tpu.memory_space<hbm>> -> memref<128xi32, #tpu.memory_space<hbm>>
          tpu.enqueue_dma source(%dma_start3A_82 : memref<128xi32, #tpu.memory_space<hbm>>) target(%arg10 : memref<128xi32, #tpu.memory_space<vmem>>) target_semaphore(%run_scoped3A : memref<!tpu.dma_semaphore, #tpu.memory_space<semaphore_mem>>)
          %dma_wait3A_83 = tpu.memref_slice %arg4[%add3A_80] : memref<323584xi32, #tpu.memory_space<hbm>> -> memref<128xi32, #tpu.memory_space<hbm>>
          %dma_wait3A_84 = tpu.memref_slice %arg4[%add3A_80] : memref<323584xi32, #tpu.memory_space<hbm>> -> memref<128xi32, #tpu.memory_space<hbm>>
          tpu.wait_dma2 semaphore(%run_scoped3A : memref<!tpu.dma_semaphore, #tpu.memory_space<semaphore_mem>>) src(%dma_wait3A_84 : memref<128xi32, #tpu.memory_space<hbm>>) dst(%arg10 : memref<128xi32, #tpu.memory_space<vmem>>)
          tpu.yield
        }) : () -> ()
      } else {
      }
      %dma_wait3A_70 = arith.constant 0 : i32
      %dma_wait3A_71 = arith.constant 0 : i32
      %dma_wait3A_72 = tpu.memref_slice %arg2[%dma_wait3A_70, %dma_wait3A_71] : memref<10000x128xf32, #tpu.memory_space<hbm>> -> memref<10000x128xf32, #tpu.memory_space<hbm>>
      tpu.wait_indirect_dma semaphore(%arg15 : memref<!tpu.dma_semaphore, #tpu.memory_space<semaphore_mem>>) src(%dma_wait3A_72 : memref<10000x128xf32, #tpu.memory_space<hbm>>) dst(%arg13 : memref<128x128xf32, #tpu.memory_space<vmem>>)
      %convert_element_type3A_73 = arith.extui %lt3A_66 : i1 to i32
      %cond3A_74 = arith.constant 0 : i32
      %cond3A_75 = arith.cmpi ne, %convert_element_type3A_73, %cond3A_74 : i32
      scf.if %cond3A_75 {
        %dma_start3A_76 = arith.constant 0 : i32
        %dma_start3A_77 = arith.constant 0 : i32
        %dma_start3A_78 = tpu.memref_slice %arg2[%dma_start3A_76, %dma_start3A_77] : memref<10000x128xf32, #tpu.memory_space<hbm>> -> memref<10000x128xf32, #tpu.memory_space<hbm>>
        tpu.enqueue_indirect_dma source(%dma_start3A_78 : memref<10000x128xf32, #tpu.memory_space<hbm>>) target(%arg12 : memref<128x128xf32, #tpu.memory_space<vmem>>) offsets(%arg8 : memref<128xi32, #tpu.memory_space<vmem>>) semaphore(%arg14 : memref<!tpu.dma_semaphore, #tpu.memory_space<semaphore_mem>>)
      } else {
      }
      "tpu.region"() ({
        %run_scoped3A = tpu.sem_alloc : memref<!tpu.dma_semaphore, #tpu.memory_space<semaphore_mem>>
        %dma_start3A_76 = arith.constant 0 : i32
        %dma_start3A_77 = arith.constant 0 : i32
        %dma_start3A_78 = tpu.memref_slice %arg7[%dma_start3A_76, %dma_start3A_77] : memref<10112x128xf32, #tpu.memory_space<vmem_shared>> -> memref<10112x128xf32, #tpu.memory_space<vmem_shared>>
        tpu.enqueue_indirect_dma source(%arg13 : memref<128x128xf32, #tpu.memory_space<vmem>>) target(%dma_start3A_78 : memref<10112x128xf32, #tpu.memory_space<vmem_shared>>) offsets(%arg11 : memref<128xi32, #tpu.memory_space<vmem>>) semaphore(%run_scoped3A : memref<!tpu.dma_semaphore, #tpu.memory_space<semaphore_mem>>) {add = true}
        %dma_wait3A_79 = arith.constant 0 : i32
        %dma_wait3A_80 = arith.constant 0 : i32
        %dma_wait3A_81 = tpu.memref_slice %arg7[%dma_wait3A_79, %dma_wait3A_80] : memref<10112x128xf32, #tpu.memory_space<vmem_shared>> -> memref<10112x128xf32, #tpu.memory_space<vmem_shared>>
        tpu.wait_indirect_dma semaphore(%run_scoped3A : memref<!tpu.dma_semaphore, #tpu.memory_space<semaphore_mem>>) src(%arg13 : memref<128x128xf32, #tpu.memory_space<vmem>>) dst(%dma_wait3A_81 : memref<10112x128xf32, #tpu.memory_space<vmem_shared>>)
        tpu.yield
      }) : () -> ()
    }
    %barrier3A_42 = arith.constant 0 : index
    tpu.barrier barrier_id(%barrier3A_42)
    %mul3A_43 = arith.constant 632 : i32
    %mul3A_44 = arith.muli %arg1, %mul3A_43 : i32
    %mul3A_45 = arith.constant 632 : i32
    %mul3A_46 = arith.muli %arg1, %mul3A_45 : i32
    "tpu.region"() ({
      %run_scoped3A = tpu.sem_alloc : memref<!tpu.dma_semaphore, #tpu.memory_space<semaphore_mem>>
      %dma_start3A_47 = arith.constant 0 : i32
      %dma_start3A_48 = arith.constant 0 : i32
      %dma_start3A_49 = tpu.memref_slice %arg6[%arg0, %dma_start3A_47, %dma_start3A_48] : memref<2x10112x128xf32, #tpu.memory_space<hbm>> -> memref<1x10112x128xf32, #tpu.memory_space<hbm>>
      %dma_start3A_50 = tpu.memref_squeeze %dma_start3A_49 : memref<1x10112x128xf32, #tpu.memory_space<hbm>> -> memref<10112x128xf32, #tpu.memory_space<hbm>>
      %dma_start3A_51 = arith.constant 0 : i32
      %dma_start3A_52 = tpu.memref_slice %dma_start3A_50[%mul3A_46, %dma_start3A_51] : memref<10112x128xf32, #tpu.memory_space<hbm>> -> memref<632x128xf32, #tpu.memory_space<hbm>>
      %dma_start3A_53 = arith.constant 0 : i32
      %dma_start3A_54 = tpu.memref_slice %arg7[%mul3A_44, %dma_start3A_53] : memref<10112x128xf32, #tpu.memory_space<vmem_shared>> -> memref<632x128xf32, #tpu.memory_space<vmem_shared>>
      tpu.enqueue_dma source(%dma_start3A_54 : memref<632x128xf32, #tpu.memory_space<vmem_shared>>) target(%dma_start3A_52 : memref<632x128xf32, #tpu.memory_space<hbm>>) target_semaphore(%run_scoped3A : memref<!tpu.dma_semaphore, #tpu.memory_space<semaphore_mem>>)
      %dma_wait3A = arith.constant 0 : i32
      %dma_wait3A_55 = arith.constant 0 : i32
      %dma_wait3A_56 = tpu.memref_slice %arg6[%arg0, %dma_wait3A, %dma_wait3A_55] : memref<2x10112x128xf32, #tpu.memory_space<hbm>> -> memref<1x10112x128xf32, #tpu.memory_space<hbm>>
      %dma_wait3A_57 = tpu.memref_squeeze %dma_wait3A_56 : memref<1x10112x128xf32, #tpu.memory_space<hbm>> -> memref<10112x128xf32, #tpu.memory_space<hbm>>
      %dma_wait3A_58 = arith.constant 0 : i32
      %dma_wait3A_59 = tpu.memref_slice %dma_wait3A_57[%mul3A_46, %dma_wait3A_58] : memref<10112x128xf32, #tpu.memory_space<hbm>> -> memref<632x128xf32, #tpu.memory_space<hbm>>
      %dma_wait3A_60 = arith.constant 0 : i32
      %dma_wait3A_61 = tpu.memref_slice %arg7[%mul3A_44, %dma_wait3A_60] : memref<10112x128xf32, #tpu.memory_space<vmem_shared>> -> memref<632x128xf32, #tpu.memory_space<vmem_shared>>
      tpu.wait_dma2 semaphore(%run_scoped3A : memref<!tpu.dma_semaphore, #tpu.memory_space<semaphore_mem>>) src(%dma_wait3A_61 : memref<632x128xf32, #tpu.memory_space<vmem_shared>>) dst(%dma_wait3A_59 : memref<632x128xf32, #tpu.memory_space<hbm>>)
      tpu.yield
    }) : () -> ()
    return
  }
}

#map = affine_map<(d0, d1) -> (0, 0)>
#map1 = affine_map<(d0, d1) -> (0)>
#map2 = affine_map<(d0, d1) -> (0, 0, 0)>
module attributes {stable_mosaic.version = 14 : i64} {
  func.func @agg_kernel(%arg0: i32, %arg1: i32, %arg2: memref<10000x128xf32, #tpu.memory_space<hbm>>, %arg3: memref<323584xi32, #tpu.memory_space<hbm>>, %arg4: memref<323584xi32, #tpu.memory_space<hbm>>, %arg5: memref<632x128xf32, #tpu.memory_space<hbm>>, %arg6: memref<2x10112x128xf32, #tpu.memory_space<hbm>>, %arg7: memref<10112x128xf32, #tpu.memory_space<vmem_shared>>, %arg8: memref<128xi32, #tpu.memory_space<vmem>>, %arg9: memref<128xi32, #tpu.memory_space<vmem>>, %arg10: memref<128xi32, #tpu.memory_space<vmem>>, %arg11: memref<128xi32, #tpu.memory_space<vmem>>, %arg12: memref<128x128xf32, #tpu.memory_space<vmem>>, %arg13: memref<128x128xf32, #tpu.memory_space<vmem>>, %arg14: memref<!tpu.dma_semaphore, #tpu.memory_space<semaphore_mem>>, %arg15: memref<!tpu.dma_semaphore, #tpu.memory_space<semaphore_mem>>) attributes {dimension_semantics = [#tpu.dimension_semantics<core_parallel>, #tpu.dimension_semantics<subcore_parallel>], iteration_bounds = array<i64: 2, 16>, scalar_prefetch = 0 : i64, scratch_operands = 9 : i64, tpu.core_type = #tpu.core_type<sc_vector_subcore>, window_params = [{transform_indices = #map}, {transform_indices = #map1}, {transform_indices = #map1}, {transform_indices = #map}, {transform_indices = #map2}]} {
    %mul3A = arith.constant 632 : i32
    %mul3A_0 = arith.muli %arg1, %mul3A : i32
    "tpu.region"() ({
      %run_scoped3A = tpu.sem_alloc : memref<!tpu.dma_semaphore, #tpu.memory_space<semaphore_mem>>
      %dma_start3A_47 = arith.constant 0 : i32
      %dma_start3A_48 = tpu.memref_slice %arg7[%mul3A_0, %dma_start3A_47] : memref<10112x128xf32, #tpu.memory_space<vmem_shared>> -> memref<632x128xf32, #tpu.memory_space<vmem_shared>>
      tpu.enqueue_dma source(%arg5 : memref<632x128xf32, #tpu.memory_space<hbm>>) target(%dma_start3A_48 : memref<632x128xf32, #tpu.memory_space<vmem_shared>>) target_semaphore(%run_scoped3A : memref<!tpu.dma_semaphore, #tpu.memory_space<semaphore_mem>>)
      %dma_wait3A = arith.constant 0 : i32
      %dma_wait3A_49 = tpu.memref_slice %arg7[%mul3A_0, %dma_wait3A] : memref<10112x128xf32, #tpu.memory_space<vmem_shared>> -> memref<632x128xf32, #tpu.memory_space<vmem_shared>>
      tpu.wait_dma2 semaphore(%run_scoped3A : memref<!tpu.dma_semaphore, #tpu.memory_space<semaphore_mem>>) src(%arg5 : memref<632x128xf32, #tpu.memory_space<hbm>>) dst(%dma_wait3A_49 : memref<632x128xf32, #tpu.memory_space<vmem_shared>>)
      tpu.yield
    }) : () -> ()
    %barrier3A = arith.constant 0 : index
    tpu.barrier barrier_id(%barrier3A)
    %eq3A = arith.constant 0 : i32
    %eq3A_1 = arith.cmpi eq, %arg0, %eq3A : i32
    %mul3A_2 = arith.constant 70 : i32
    %mul3A_3 = arith.muli %arg1, %mul3A_2 : i32
    %mul3A_4 = arith.constant 88 : i32
    %mul3A_5 = arith.muli %arg1, %mul3A_4 : i32
    %add3A = arith.constant 1120 : i32
    %add3A_6 = arith.addi %add3A, %mul3A_5 : i32
    %select_n3A = arith.select %eq3A_1, %mul3A_3, %add3A_6 : i32
    %mul3A_7 = arith.constant 128 : i32
    %mul3A_8 = arith.muli %select_n3A, %mul3A_7 : i32
    %eq3A_9 = arith.constant 0 : i32
    %eq3A_10 = arith.cmpi eq, %arg0, %eq3A_9 : i32
    %jit3A = arith.constant 70 : i32
    %jit3A_11 = arith.constant 88 : i32
    %select_n3A_12 = arith.select %eq3A_10, %jit3A, %jit3A_11 : i32
    "tpu.region"() ({
      %run_scoped3A = tpu.sem_alloc : memref<!tpu.dma_semaphore, #tpu.memory_space<semaphore_mem>>
      %dma_start3A_47 = tpu.memref_slice %arg3[%mul3A_8] : memref<323584xi32, #tpu.memory_space<hbm>> -> memref<128xi32, #tpu.memory_space<hbm>>
      %dma_start3A_48 = tpu.memref_slice %arg3[%mul3A_8] : memref<323584xi32, #tpu.memory_space<hbm>> -> memref<128xi32, #tpu.memory_space<hbm>>
      tpu.enqueue_dma source(%dma_start3A_48 : memref<128xi32, #tpu.memory_space<hbm>>) target(%arg8 : memref<128xi32, #tpu.memory_space<vmem>>) target_semaphore(%run_scoped3A : memref<!tpu.dma_semaphore, #tpu.memory_space<semaphore_mem>>)
      %dma_wait3A = tpu.memref_slice %arg3[%mul3A_8] : memref<323584xi32, #tpu.memory_space<hbm>> -> memref<128xi32, #tpu.memory_space<hbm>>
      %dma_wait3A_49 = tpu.memref_slice %arg3[%mul3A_8] : memref<323584xi32, #tpu.memory_space<hbm>> -> memref<128xi32, #tpu.memory_space<hbm>>
      tpu.wait_dma2 semaphore(%run_scoped3A : memref<!tpu.dma_semaphore, #tpu.memory_space<semaphore_mem>>) src(%dma_wait3A_49 : memref<128xi32, #tpu.memory_space<hbm>>) dst(%arg8 : memref<128xi32, #tpu.memory_space<vmem>>)
      tpu.yield
    }) : () -> ()
    "tpu.region"() ({
      %run_scoped3A = tpu.sem_alloc : memref<!tpu.dma_semaphore, #tpu.memory_space<semaphore_mem>>
      %dma_start3A_47 = tpu.memref_slice %arg4[%mul3A_8] : memref<323584xi32, #tpu.memory_space<hbm>> -> memref<128xi32, #tpu.memory_space<hbm>>
      %dma_start3A_48 = tpu.memref_slice %arg4[%mul3A_8] : memref<323584xi32, #tpu.memory_space<hbm>> -> memref<128xi32, #tpu.memory_space<hbm>>
      tpu.enqueue_dma source(%dma_start3A_48 : memref<128xi32, #tpu.memory_space<hbm>>) target(%arg10 : memref<128xi32, #tpu.memory_space<vmem>>) target_semaphore(%run_scoped3A : memref<!tpu.dma_semaphore, #tpu.memory_space<semaphore_mem>>)
      %dma_wait3A = tpu.memref_slice %arg4[%mul3A_8] : memref<323584xi32, #tpu.memory_space<hbm>> -> memref<128xi32, #tpu.memory_space<hbm>>
      %dma_wait3A_49 = tpu.memref_slice %arg4[%mul3A_8] : memref<323584xi32, #tpu.memory_space<hbm>> -> memref<128xi32, #tpu.memory_space<hbm>>
      tpu.wait_dma2 semaphore(%run_scoped3A : memref<!tpu.dma_semaphore, #tpu.memory_space<semaphore_mem>>) src(%dma_wait3A_49 : memref<128xi32, #tpu.memory_space<hbm>>) dst(%arg10 : memref<128xi32, #tpu.memory_space<vmem>>)
      tpu.yield
    }) : () -> ()
    %dma_start3A = arith.constant 0 : i32
    %dma_start3A_13 = arith.constant 0 : i32
    %dma_start3A_14 = tpu.memref_slice %arg2[%dma_start3A, %dma_start3A_13] : memref<10000x128xf32, #tpu.memory_space<hbm>> -> memref<10000x128xf32, #tpu.memory_space<hbm>>
    tpu.enqueue_indirect_dma source(%dma_start3A_14 : memref<10000x128xf32, #tpu.memory_space<hbm>>) target(%arg12 : memref<128x128xf32, #tpu.memory_space<vmem>>) offsets(%arg8 : memref<128xi32, #tpu.memory_space<vmem>>) semaphore(%arg14 : memref<!tpu.dma_semaphore, #tpu.memory_space<semaphore_mem>>)
    %jit3A_15 = arith.constant 2 : i32
    %div3A = arith.divsi %select_n3A_12, %jit3A_15 : i32
    %sign3A = arith.constant 0 : i32
    %sign3A_16 = arith.cmpi sgt, %select_n3A_12, %sign3A : i32
    %sign3A_17 = arith.extui %sign3A_16 : i1 to i32
    %sign3A_18 = arith.constant 0 : i32
    %sign3A_19 = arith.cmpi slt, %select_n3A_12, %sign3A_18 : i32
    %sign3A_20 = arith.extui %sign3A_19 : i1 to i32
    %sign3A_21 = arith.subi %sign3A_17, %sign3A_20 : i32
    %sign3A_22 = arith.constant 0 : i32
    %sign3A_23 = arith.cmpi sgt, %jit3A_15, %sign3A_22 : i32
    %sign3A_24 = arith.extui %sign3A_23 : i1 to i32
    %sign3A_25 = arith.constant 0 : i32
    %sign3A_26 = arith.cmpi slt, %jit3A_15, %sign3A_25 : i32
    %sign3A_27 = arith.extui %sign3A_26 : i1 to i32
    %sign3A_28 = arith.subi %sign3A_24, %sign3A_27 : i32
    %ne3A = arith.cmpi ne, %sign3A_21, %sign3A_28 : i32
    %rem3A = arith.remsi %select_n3A_12, %jit3A_15 : i32
    %ne3A_29 = arith.constant 0 : i32
    %ne3A_30 = arith.cmpi ne, %rem3A, %ne3A_29 : i32
    %and3A = arith.andi %ne3A, %ne3A_30 : i1
    %sub3A = arith.constant 1 : i32
    %sub3A_31 = arith.subi %div3A, %sub3A : i32
    %select_n3A_32 = arith.select %and3A, %sub3A_31, %div3A : i32
    %while3A = arith.constant 0 : i32
    %while3A_33 = arith.constant 0 : i32
    %while3A_34 = arith.subi %select_n3A_32, %while3A_33 : i32
    %while3A_35 = arith.addi %while3A_33, %while3A_34 : i32
    %while3A_36 = arith.constant 1 : i32
    %while3A_37 = arith.divsi %while3A_34, %while3A_36 : i32
    %while3A_38 = arith.muli %while3A_37, %while3A_36 : i32
    %while3A_39 = arith.addi %while3A_33, %while3A_38 : i32
    %while3A_40 = arith.constant 1 : i32
    scf.for %while3A_47 = %while3A_33 to %while3A_39 step %while3A_40  : i32 {
      %mul3A_48 = arith.constant 2 : i32
      %mul3A_49 = arith.muli %mul3A_48, %while3A_47 : i32
      %add3A_50 = arith.constant 0 : i32
      %add3A_51 = arith.addi %mul3A_49, %add3A_50 : i32
      %add3A_52 = arith.constant 1 : i32
      %add3A_53 = arith.addi %add3A_51, %add3A_52 : i32
      %lt3A = arith.cmpi slt, %add3A_53, %select_n3A_12 : i32
      %convert_element_type3A = arith.extui %lt3A : i1 to i32
      %cond3A = arith.constant 0 : i32
      %cond3A_54 = arith.cmpi ne, %convert_element_type3A, %cond3A : i32
      scf.if %cond3A_54 {
        %add3A_76 = arith.constant 1 : i32
        %add3A_77 = arith.addi %add3A_51, %add3A_76 : i32
        %mul3A_78 = arith.constant 128 : i32
        %mul3A_79 = arith.muli %add3A_77, %mul3A_78 : i32
        %add3A_80 = arith.addi %mul3A_8, %mul3A_79 : i32
        "tpu.region"() ({
          %run_scoped3A = tpu.sem_alloc : memref<!tpu.dma_semaphore, #tpu.memory_space<semaphore_mem>>
          %dma_start3A_81 = tpu.memref_slice %arg3[%add3A_80] : memref<323584xi32, #tpu.memory_space<hbm>> -> memref<128xi32, #tpu.memory_space<hbm>>
          %dma_start3A_82 = tpu.memref_slice %arg3[%add3A_80] : memref<323584xi32, #tpu.memory_space<hbm>> -> memref<128xi32, #tpu.memory_space<hbm>>
          tpu.enqueue_dma source(%dma_start3A_82 : memref<128xi32, #tpu.memory_space<hbm>>) target(%arg9 : memref<128xi32, #tpu.memory_space<vmem>>) target_semaphore(%run_scoped3A : memref<!tpu.dma_semaphore, #tpu.memory_space<semaphore_mem>>)
          %dma_wait3A_83 = tpu.memref_slice %arg3[%add3A_80] : memref<323584xi32, #tpu.memory_space<hbm>> -> memref<128xi32, #tpu.memory_space<hbm>>
          %dma_wait3A_84 = tpu.memref_slice %arg3[%add3A_80] : memref<323584xi32, #tpu.memory_space<hbm>> -> memref<128xi32, #tpu.memory_space<hbm>>
          tpu.wait_dma2 semaphore(%run_scoped3A : memref<!tpu.dma_semaphore, #tpu.memory_space<semaphore_mem>>) src(%dma_wait3A_84 : memref<128xi32, #tpu.memory_space<hbm>>) dst(%arg9 : memref<128xi32, #tpu.memory_space<vmem>>)
          tpu.yield
        }) : () -> ()
        "tpu.region"() ({
          %run_scoped3A = tpu.sem_alloc : memref<!tpu.dma_semaphore, #tpu.memory_space<semaphore_mem>>
          %dma_start3A_81 = tpu.memref_slice %arg4[%add3A_80] : memref<323584xi32, #tpu.memory_space<hbm>> -> memref<128xi32, #tpu.memory_space<hbm>>
          %dma_start3A_82 = tpu.memref_slice %arg4[%add3A_80] : memref<323584xi32, #tpu.memory_space<hbm>> -> memref<128xi32, #tpu.memory_space<hbm>>
          tpu.enqueue_dma source(%dma_start3A_82 : memref<128xi32, #tpu.memory_space<hbm>>) target(%arg11 : memref<128xi32, #tpu.memory_space<vmem>>) target_semaphore(%run_scoped3A : memref<!tpu.dma_semaphore, #tpu.memory_space<semaphore_mem>>)
          %dma_wait3A_83 = tpu.memref_slice %arg4[%add3A_80] : memref<323584xi32, #tpu.memory_space<hbm>> -> memref<128xi32, #tpu.memory_space<hbm>>
          %dma_wait3A_84 = tpu.memref_slice %arg4[%add3A_80] : memref<323584xi32, #tpu.memory_space<hbm>> -> memref<128xi32, #tpu.memory_space<hbm>>
          tpu.wait_dma2 semaphore(%run_scoped3A : memref<!tpu.dma_semaphore, #tpu.memory_space<semaphore_mem>>) src(%dma_wait3A_84 : memref<128xi32, #tpu.memory_space<hbm>>) dst(%arg11 : memref<128xi32, #tpu.memory_space<vmem>>)
          tpu.yield
        }) : () -> ()
      } else {
      }
      %dma_wait3A = arith.constant 0 : i32
      %dma_wait3A_55 = arith.constant 0 : i32
      %dma_wait3A_56 = tpu.memref_slice %arg2[%dma_wait3A, %dma_wait3A_55] : memref<10000x128xf32, #tpu.memory_space<hbm>> -> memref<10000x128xf32, #tpu.memory_space<hbm>>
      tpu.wait_indirect_dma semaphore(%arg14 : memref<!tpu.dma_semaphore, #tpu.memory_space<semaphore_mem>>) src(%dma_wait3A_56 : memref<10000x128xf32, #tpu.memory_space<hbm>>) dst(%arg12 : memref<128x128xf32, #tpu.memory_space<vmem>>)
      %convert_element_type3A_57 = arith.extui %lt3A : i1 to i32
      %cond3A_58 = arith.constant 0 : i32
      %cond3A_59 = arith.cmpi ne, %convert_element_type3A_57, %cond3A_58 : i32
      scf.if %cond3A_59 {
        %dma_start3A_76 = arith.constant 0 : i32
        %dma_start3A_77 = arith.constant 0 : i32
        %dma_start3A_78 = tpu.memref_slice %arg2[%dma_start3A_76, %dma_start3A_77] : memref<10000x128xf32, #tpu.memory_space<hbm>> -> memref<10000x128xf32, #tpu.memory_space<hbm>>
        tpu.enqueue_indirect_dma source(%dma_start3A_78 : memref<10000x128xf32, #tpu.memory_space<hbm>>) target(%arg13 : memref<128x128xf32, #tpu.memory_space<vmem>>) offsets(%arg9 : memref<128xi32, #tpu.memory_space<vmem>>) semaphore(%arg15 : memref<!tpu.dma_semaphore, #tpu.memory_space<semaphore_mem>>)
      } else {
      }
      "tpu.region"() ({
        %run_scoped3A = tpu.sem_alloc : memref<!tpu.dma_semaphore, #tpu.memory_space<semaphore_mem>>
        %dma_start3A_76 = arith.constant 0 : i32
        %dma_start3A_77 = arith.constant 0 : i32
        %dma_start3A_78 = tpu.memref_slice %arg7[%dma_start3A_76, %dma_start3A_77] : memref<10112x128xf32, #tpu.memory_space<vmem_shared>> -> memref<10112x128xf32, #tpu.memory_space<vmem_shared>>
        tpu.enqueue_indirect_dma source(%arg12 : memref<128x128xf32, #tpu.memory_space<vmem>>) target(%dma_start3A_78 : memref<10112x128xf32, #tpu.memory_space<vmem_shared>>) offsets(%arg10 : memref<128xi32, #tpu.memory_space<vmem>>) semaphore(%run_scoped3A : memref<!tpu.dma_semaphore, #tpu.memory_space<semaphore_mem>>) {add = true}
        %dma_wait3A_79 = arith.constant 0 : i32
        %dma_wait3A_80 = arith.constant 0 : i32
        %dma_wait3A_81 = tpu.memref_slice %arg7[%dma_wait3A_79, %dma_wait3A_80] : memref<10112x128xf32, #tpu.memory_space<vmem_shared>> -> memref<10112x128xf32, #tpu.memory_space<vmem_shared>>
        tpu.wait_indirect_dma semaphore(%run_scoped3A : memref<!tpu.dma_semaphore, #tpu.memory_space<semaphore_mem>>) src(%arg12 : memref<128x128xf32, #tpu.memory_space<vmem>>) dst(%dma_wait3A_81 : memref<10112x128xf32, #tpu.memory_space<vmem_shared>>)
        tpu.yield
      }) : () -> ()
      %mul3A_60 = arith.constant 2 : i32
      %mul3A_61 = arith.muli %mul3A_60, %while3A_47 : i32
      %add3A_62 = arith.constant 1 : i32
      %add3A_63 = arith.addi %mul3A_61, %add3A_62 : i32
      %add3A_64 = arith.constant 1 : i32
      %add3A_65 = arith.addi %add3A_63, %add3A_64 : i32
      %lt3A_66 = arith.cmpi slt, %add3A_65, %select_n3A_12 : i32
      %convert_element_type3A_67 = arith.extui %lt3A_66 : i1 to i32
      %cond3A_68 = arith.constant 0 : i32
      %cond3A_69 = arith.cmpi ne, %convert_element_type3A_67, %cond3A_68 : i32
      scf.if %cond3A_69 {
        %add3A_76 = arith.constant 1 : i32
        %add3A_77 = arith.addi %add3A_63, %add3A_76 : i32
        %mul3A_78 = arith.constant 128 : i32
        %mul3A_79 = arith.muli %add3A_77, %mul3A_78 : i32
        %add3A_80 = arith.addi %mul3A_8, %mul3A_79 : i32
        "tpu.region"() ({
          %run_scoped3A = tpu.sem_alloc : memref<!tpu.dma_semaphore, #tpu.memory_space<semaphore_mem>>
          %dma_start3A_81 = tpu.memref_slice %arg3[%add3A_80] : memref<323584xi32, #tpu.memory_space<hbm>> -> memref<128xi32, #tpu.memory_space<hbm>>
          %dma_start3A_82 = tpu.memref_slice %arg3[%add3A_80] : memref<323584xi32, #tpu.memory_space<hbm>> -> memref<128xi32, #tpu.memory_space<hbm>>
          tpu.enqueue_dma source(%dma_start3A_82 : memref<128xi32, #tpu.memory_space<hbm>>) target(%arg8 : memref<128xi32, #tpu.memory_space<vmem>>) target_semaphore(%run_scoped3A : memref<!tpu.dma_semaphore, #tpu.memory_space<semaphore_mem>>)
          %dma_wait3A_83 = tpu.memref_slice %arg3[%add3A_80] : memref<323584xi32, #tpu.memory_space<hbm>> -> memref<128xi32, #tpu.memory_space<hbm>>
          %dma_wait3A_84 = tpu.memref_slice %arg3[%add3A_80] : memref<323584xi32, #tpu.memory_space<hbm>> -> memref<128xi32, #tpu.memory_space<hbm>>
          tpu.wait_dma2 semaphore(%run_scoped3A : memref<!tpu.dma_semaphore, #tpu.memory_space<semaphore_mem>>) src(%dma_wait3A_84 : memref<128xi32, #tpu.memory_space<hbm>>) dst(%arg8 : memref<128xi32, #tpu.memory_space<vmem>>)
          tpu.yield
        }) : () -> ()
        "tpu.region"() ({
          %run_scoped3A = tpu.sem_alloc : memref<!tpu.dma_semaphore, #tpu.memory_space<semaphore_mem>>
          %dma_start3A_81 = tpu.memref_slice %arg4[%add3A_80] : memref<323584xi32, #tpu.memory_space<hbm>> -> memref<128xi32, #tpu.memory_space<hbm>>
          %dma_start3A_82 = tpu.memref_slice %arg4[%add3A_80] : memref<323584xi32, #tpu.memory_space<hbm>> -> memref<128xi32, #tpu.memory_space<hbm>>
          tpu.enqueue_dma source(%dma_start3A_82 : memref<128xi32, #tpu.memory_space<hbm>>) target(%arg10 : memref<128xi32, #tpu.memory_space<vmem>>) target_semaphore(%run_scoped3A : memref<!tpu.dma_semaphore, #tpu.memory_space<semaphore_mem>>)
          %dma_wait3A_83 = tpu.memref_slice %arg4[%add3A_80] : memref<323584xi32, #tpu.memory_space<hbm>> -> memref<128xi32, #tpu.memory_space<hbm>>
          %dma_wait3A_84 = tpu.memref_slice %arg4[%add3A_80] : memref<323584xi32, #tpu.memory_space<hbm>> -> memref<128xi32, #tpu.memory_space<hbm>>
          tpu.wait_dma2 semaphore(%run_scoped3A : memref<!tpu.dma_semaphore, #tpu.memory_space<semaphore_mem>>) src(%dma_wait3A_84 : memref<128xi32, #tpu.memory_space<hbm>>) dst(%arg10 : memref<128xi32, #tpu.memory_space<vmem>>)
          tpu.yield
        }) : () -> ()
      } else {
      }
      %dma_wait3A_70 = arith.constant 0 : i32
      %dma_wait3A_71 = arith.constant 0 : i32
      %dma_wait3A_72 = tpu.memref_slice %arg2[%dma_wait3A_70, %dma_wait3A_71] : memref<10000x128xf32, #tpu.memory_space<hbm>> -> memref<10000x128xf32, #tpu.memory_space<hbm>>
      tpu.wait_indirect_dma semaphore(%arg15 : memref<!tpu.dma_semaphore, #tpu.memory_space<semaphore_mem>>) src(%dma_wait3A_72 : memref<10000x128xf32, #tpu.memory_space<hbm>>) dst(%arg13 : memref<128x128xf32, #tpu.memory_space<vmem>>)
      %convert_element_type3A_73 = arith.extui %lt3A_66 : i1 to i32
      %cond3A_74 = arith.constant 0 : i32
      %cond3A_75 = arith.cmpi ne, %convert_element_type3A_73, %cond3A_74 : i32
      scf.if %cond3A_75 {
        %dma_start3A_76 = arith.constant 0 : i32
        %dma_start3A_77 = arith.constant 0 : i32
        %dma_start3A_78 = tpu.memref_slice %arg2[%dma_start3A_76, %dma_start3A_77] : memref<10000x128xf32, #tpu.memory_space<hbm>> -> memref<10000x128xf32, #tpu.memory_space<hbm>>
        tpu.enqueue_indirect_dma source(%dma_start3A_78 : memref<10000x128xf32, #tpu.memory_space<hbm>>) target(%arg12 : memref<128x128xf32, #tpu.memory_space<vmem>>) offsets(%arg8 : memref<128xi32, #tpu.memory_space<vmem>>) semaphore(%arg14 : memref<!tpu.dma_semaphore, #tpu.memory_space<semaphore_mem>>)
      } else {
      }
      "tpu.region"() ({
        %run_scoped3A = tpu.sem_alloc : memref<!tpu.dma_semaphore, #tpu.memory_space<semaphore_mem>>
        %dma_start3A_76 = arith.constant 0 : i32
        %dma_start3A_77 = arith.constant 0 : i32
        %dma_start3A_78 = tpu.memref_slice %arg7[%dma_start3A_76, %dma_start3A_77] : memref<10112x128xf32, #tpu.memory_space<vmem_shared>> -> memref<10112x128xf32, #tpu.memory_space<vmem_shared>>
        tpu.enqueue_indirect_dma source(%arg13 : memref<128x128xf32, #tpu.memory_space<vmem>>) target(%dma_start3A_78 : memref<10112x128xf32, #tpu.memory_space<vmem_shared>>) offsets(%arg11 : memref<128xi32, #tpu.memory_space<vmem>>) semaphore(%run_scoped3A : memref<!tpu.dma_semaphore, #tpu.memory_space<semaphore_mem>>) {add = true}
        %dma_wait3A_79 = arith.constant 0 : i32
        %dma_wait3A_80 = arith.constant 0 : i32
        %dma_wait3A_81 = tpu.memref_slice %arg7[%dma_wait3A_79, %dma_wait3A_80] : memref<10112x128xf32, #tpu.memory_space<vmem_shared>> -> memref<10112x128xf32, #tpu.memory_space<vmem_shared>>
        tpu.wait_indirect_dma semaphore(%run_scoped3A : memref<!tpu.dma_semaphore, #tpu.memory_space<semaphore_mem>>) src(%arg13 : memref<128x128xf32, #tpu.memory_space<vmem>>) dst(%dma_wait3A_81 : memref<10112x128xf32, #tpu.memory_space<vmem_shared>>)
        tpu.yield
      }) : () -> ()
    }
    %while3A_41 = arith.constant 1 : i32
    scf.for %while3A_47 = %while3A_39 to %while3A_35 step %while3A_41  : i32 {
      %mul3A_48 = arith.constant 2 : i32
      %mul3A_49 = arith.muli %mul3A_48, %while3A_47 : i32
      %add3A_50 = arith.constant 0 : i32
      %add3A_51 = arith.addi %mul3A_49, %add3A_50 : i32
      %add3A_52 = arith.constant 1 : i32
      %add3A_53 = arith.addi %add3A_51, %add3A_52 : i32
      %lt3A = arith.cmpi slt, %add3A_53, %select_n3A_12 : i32
      %convert_element_type3A = arith.extui %lt3A : i1 to i32
      %cond3A = arith.constant 0 : i32
      %cond3A_54 = arith.cmpi ne, %convert_element_type3A, %cond3A : i32
      scf.if %cond3A_54 {
        %add3A_76 = arith.constant 1 : i32
        %add3A_77 = arith.addi %add3A_51, %add3A_76 : i32
        %mul3A_78 = arith.constant 128 : i32
        %mul3A_79 = arith.muli %add3A_77, %mul3A_78 : i32
        %add3A_80 = arith.addi %mul3A_8, %mul3A_79 : i32
        "tpu.region"() ({
          %run_scoped3A = tpu.sem_alloc : memref<!tpu.dma_semaphore, #tpu.memory_space<semaphore_mem>>
          %dma_start3A_81 = tpu.memref_slice %arg3[%add3A_80] : memref<323584xi32, #tpu.memory_space<hbm>> -> memref<128xi32, #tpu.memory_space<hbm>>
          %dma_start3A_82 = tpu.memref_slice %arg3[%add3A_80] : memref<323584xi32, #tpu.memory_space<hbm>> -> memref<128xi32, #tpu.memory_space<hbm>>
          tpu.enqueue_dma source(%dma_start3A_82 : memref<128xi32, #tpu.memory_space<hbm>>) target(%arg9 : memref<128xi32, #tpu.memory_space<vmem>>) target_semaphore(%run_scoped3A : memref<!tpu.dma_semaphore, #tpu.memory_space<semaphore_mem>>)
          %dma_wait3A_83 = tpu.memref_slice %arg3[%add3A_80] : memref<323584xi32, #tpu.memory_space<hbm>> -> memref<128xi32, #tpu.memory_space<hbm>>
          %dma_wait3A_84 = tpu.memref_slice %arg3[%add3A_80] : memref<323584xi32, #tpu.memory_space<hbm>> -> memref<128xi32, #tpu.memory_space<hbm>>
          tpu.wait_dma2 semaphore(%run_scoped3A : memref<!tpu.dma_semaphore, #tpu.memory_space<semaphore_mem>>) src(%dma_wait3A_84 : memref<128xi32, #tpu.memory_space<hbm>>) dst(%arg9 : memref<128xi32, #tpu.memory_space<vmem>>)
          tpu.yield
        }) : () -> ()
        "tpu.region"() ({
          %run_scoped3A = tpu.sem_alloc : memref<!tpu.dma_semaphore, #tpu.memory_space<semaphore_mem>>
          %dma_start3A_81 = tpu.memref_slice %arg4[%add3A_80] : memref<323584xi32, #tpu.memory_space<hbm>> -> memref<128xi32, #tpu.memory_space<hbm>>
          %dma_start3A_82 = tpu.memref_slice %arg4[%add3A_80] : memref<323584xi32, #tpu.memory_space<hbm>> -> memref<128xi32, #tpu.memory_space<hbm>>
          tpu.enqueue_dma source(%dma_start3A_82 : memref<128xi32, #tpu.memory_space<hbm>>) target(%arg11 : memref<128xi32, #tpu.memory_space<vmem>>) target_semaphore(%run_scoped3A : memref<!tpu.dma_semaphore, #tpu.memory_space<semaphore_mem>>)
          %dma_wait3A_83 = tpu.memref_slice %arg4[%add3A_80] : memref<323584xi32, #tpu.memory_space<hbm>> -> memref<128xi32, #tpu.memory_space<hbm>>
          %dma_wait3A_84 = tpu.memref_slice %arg4[%add3A_80] : memref<323584xi32, #tpu.memory_space<hbm>> -> memref<128xi32, #tpu.memory_space<hbm>>
          tpu.wait_dma2 semaphore(%run_scoped3A : memref<!tpu.dma_semaphore, #tpu.memory_space<semaphore_mem>>) src(%dma_wait3A_84 : memref<128xi32, #tpu.memory_space<hbm>>) dst(%arg11 : memref<128xi32, #tpu.memory_space<vmem>>)
          tpu.yield
        }) : () -> ()
      } else {
      }
      %dma_wait3A = arith.constant 0 : i32
      %dma_wait3A_55 = arith.constant 0 : i32
      %dma_wait3A_56 = tpu.memref_slice %arg2[%dma_wait3A, %dma_wait3A_55] : memref<10000x128xf32, #tpu.memory_space<hbm>> -> memref<10000x128xf32, #tpu.memory_space<hbm>>
      tpu.wait_indirect_dma semaphore(%arg14 : memref<!tpu.dma_semaphore, #tpu.memory_space<semaphore_mem>>) src(%dma_wait3A_56 : memref<10000x128xf32, #tpu.memory_space<hbm>>) dst(%arg12 : memref<128x128xf32, #tpu.memory_space<vmem>>)
      %convert_element_type3A_57 = arith.extui %lt3A : i1 to i32
      %cond3A_58 = arith.constant 0 : i32
      %cond3A_59 = arith.cmpi ne, %convert_element_type3A_57, %cond3A_58 : i32
      scf.if %cond3A_59 {
        %dma_start3A_76 = arith.constant 0 : i32
        %dma_start3A_77 = arith.constant 0 : i32
        %dma_start3A_78 = tpu.memref_slice %arg2[%dma_start3A_76, %dma_start3A_77] : memref<10000x128xf32, #tpu.memory_space<hbm>> -> memref<10000x128xf32, #tpu.memory_space<hbm>>
        tpu.enqueue_indirect_dma source(%dma_start3A_78 : memref<10000x128xf32, #tpu.memory_space<hbm>>) target(%arg13 : memref<128x128xf32, #tpu.memory_space<vmem>>) offsets(%arg9 : memref<128xi32, #tpu.memory_space<vmem>>) semaphore(%arg15 : memref<!tpu.dma_semaphore, #tpu.memory_space<semaphore_mem>>)
      } else {
      }
      "tpu.region"() ({
        %run_scoped3A = tpu.sem_alloc : memref<!tpu.dma_semaphore, #tpu.memory_space<semaphore_mem>>
        %dma_start3A_76 = arith.constant 0 : i32
        %dma_start3A_77 = arith.constant 0 : i32
        %dma_start3A_78 = tpu.memref_slice %arg7[%dma_start3A_76, %dma_start3A_77] : memref<10112x128xf32, #tpu.memory_space<vmem_shared>> -> memref<10112x128xf32, #tpu.memory_space<vmem_shared>>
        tpu.enqueue_indirect_dma source(%arg12 : memref<128x128xf32, #tpu.memory_space<vmem>>) target(%dma_start3A_78 : memref<10112x128xf32, #tpu.memory_space<vmem_shared>>) offsets(%arg10 : memref<128xi32, #tpu.memory_space<vmem>>) semaphore(%run_scoped3A : memref<!tpu.dma_semaphore, #tpu.memory_space<semaphore_mem>>) {add = true}
        %dma_wait3A_79 = arith.constant 0 : i32
        %dma_wait3A_80 = arith.constant 0 : i32
        %dma_wait3A_81 = tpu.memref_slice %arg7[%dma_wait3A_79, %dma_wait3A_80] : memref<10112x128xf32, #tpu.memory_space<vmem_shared>> -> memref<10112x128xf32, #tpu.memory_space<vmem_shared>>
        tpu.wait_indirect_dma semaphore(%run_scoped3A : memref<!tpu.dma_semaphore, #tpu.memory_space<semaphore_mem>>) src(%arg12 : memref<128x128xf32, #tpu.memory_space<vmem>>) dst(%dma_wait3A_81 : memref<10112x128xf32, #tpu.memory_space<vmem_shared>>)
        tpu.yield
      }) : () -> ()
      %mul3A_60 = arith.constant 2 : i32
      %mul3A_61 = arith.muli %mul3A_60, %while3A_47 : i32
      %add3A_62 = arith.constant 1 : i32
      %add3A_63 = arith.addi %mul3A_61, %add3A_62 : i32
      %add3A_64 = arith.constant 1 : i32
      %add3A_65 = arith.addi %add3A_63, %add3A_64 : i32
      %lt3A_66 = arith.cmpi slt, %add3A_65, %select_n3A_12 : i32
      %convert_element_type3A_67 = arith.extui %lt3A_66 : i1 to i32
      %cond3A_68 = arith.constant 0 : i32
      %cond3A_69 = arith.cmpi ne, %convert_element_type3A_67, %cond3A_68 : i32
      scf.if %cond3A_69 {
        %add3A_76 = arith.constant 1 : i32
        %add3A_77 = arith.addi %add3A_63, %add3A_76 : i32
        %mul3A_78 = arith.constant 128 : i32
        %mul3A_79 = arith.muli %add3A_77, %mul3A_78 : i32
        %add3A_80 = arith.addi %mul3A_8, %mul3A_79 : i32
        "tpu.region"() ({
          %run_scoped3A = tpu.sem_alloc : memref<!tpu.dma_semaphore, #tpu.memory_space<semaphore_mem>>
          %dma_start3A_81 = tpu.memref_slice %arg3[%add3A_80] : memref<323584xi32, #tpu.memory_space<hbm>> -> memref<128xi32, #tpu.memory_space<hbm>>
          %dma_start3A_82 = tpu.memref_slice %arg3[%add3A_80] : memref<323584xi32, #tpu.memory_space<hbm>> -> memref<128xi32, #tpu.memory_space<hbm>>
          tpu.enqueue_dma source(%dma_start3A_82 : memref<128xi32, #tpu.memory_space<hbm>>) target(%arg8 : memref<128xi32, #tpu.memory_space<vmem>>) target_semaphore(%run_scoped3A : memref<!tpu.dma_semaphore, #tpu.memory_space<semaphore_mem>>)
          %dma_wait3A_83 = tpu.memref_slice %arg3[%add3A_80] : memref<323584xi32, #tpu.memory_space<hbm>> -> memref<128xi32, #tpu.memory_space<hbm>>
          %dma_wait3A_84 = tpu.memref_slice %arg3[%add3A_80] : memref<323584xi32, #tpu.memory_space<hbm>> -> memref<128xi32, #tpu.memory_space<hbm>>
          tpu.wait_dma2 semaphore(%run_scoped3A : memref<!tpu.dma_semaphore, #tpu.memory_space<semaphore_mem>>) src(%dma_wait3A_84 : memref<128xi32, #tpu.memory_space<hbm>>) dst(%arg8 : memref<128xi32, #tpu.memory_space<vmem>>)
          tpu.yield
        }) : () -> ()
        "tpu.region"() ({
          %run_scoped3A = tpu.sem_alloc : memref<!tpu.dma_semaphore, #tpu.memory_space<semaphore_mem>>
          %dma_start3A_81 = tpu.memref_slice %arg4[%add3A_80] : memref<323584xi32, #tpu.memory_space<hbm>> -> memref<128xi32, #tpu.memory_space<hbm>>
          %dma_start3A_82 = tpu.memref_slice %arg4[%add3A_80] : memref<323584xi32, #tpu.memory_space<hbm>> -> memref<128xi32, #tpu.memory_space<hbm>>
          tpu.enqueue_dma source(%dma_start3A_82 : memref<128xi32, #tpu.memory_space<hbm>>) target(%arg10 : memref<128xi32, #tpu.memory_space<vmem>>) target_semaphore(%run_scoped3A : memref<!tpu.dma_semaphore, #tpu.memory_space<semaphore_mem>>)
          %dma_wait3A_83 = tpu.memref_slice %arg4[%add3A_80] : memref<323584xi32, #tpu.memory_space<hbm>> -> memref<128xi32, #tpu.memory_space<hbm>>
          %dma_wait3A_84 = tpu.memref_slice %arg4[%add3A_80] : memref<323584xi32, #tpu.memory_space<hbm>> -> memref<128xi32, #tpu.memory_space<hbm>>
          tpu.wait_dma2 semaphore(%run_scoped3A : memref<!tpu.dma_semaphore, #tpu.memory_space<semaphore_mem>>) src(%dma_wait3A_84 : memref<128xi32, #tpu.memory_space<hbm>>) dst(%arg10 : memref<128xi32, #tpu.memory_space<vmem>>)
          tpu.yield
        }) : () -> ()
      } else {
      }
      %dma_wait3A_70 = arith.constant 0 : i32
      %dma_wait3A_71 = arith.constant 0 : i32
      %dma_wait3A_72 = tpu.memref_slice %arg2[%dma_wait3A_70, %dma_wait3A_71] : memref<10000x128xf32, #tpu.memory_space<hbm>> -> memref<10000x128xf32, #tpu.memory_space<hbm>>
      tpu.wait_indirect_dma semaphore(%arg15 : memref<!tpu.dma_semaphore, #tpu.memory_space<semaphore_mem>>) src(%dma_wait3A_72 : memref<10000x128xf32, #tpu.memory_space<hbm>>) dst(%arg13 : memref<128x128xf32, #tpu.memory_space<vmem>>)
      %convert_element_type3A_73 = arith.extui %lt3A_66 : i1 to i32
      %cond3A_74 = arith.constant 0 : i32
      %cond3A_75 = arith.cmpi ne, %convert_element_type3A_73, %cond3A_74 : i32
      scf.if %cond3A_75 {
        %dma_start3A_76 = arith.constant 0 : i32
        %dma_start3A_77 = arith.constant 0 : i32
        %dma_start3A_78 = tpu.memref_slice %arg2[%dma_start3A_76, %dma_start3A_77] : memref<10000x128xf32, #tpu.memory_space<hbm>> -> memref<10000x128xf32, #tpu.memory_space<hbm>>
        tpu.enqueue_indirect_dma source(%dma_start3A_78 : memref<10000x128xf32, #tpu.memory_space<hbm>>) target(%arg12 : memref<128x128xf32, #tpu.memory_space<vmem>>) offsets(%arg8 : memref<128xi32, #tpu.memory_space<vmem>>) semaphore(%arg14 : memref<!tpu.dma_semaphore, #tpu.memory_space<semaphore_mem>>)
      } else {
      }
      "tpu.region"() ({
        %run_scoped3A = tpu.sem_alloc : memref<!tpu.dma_semaphore, #tpu.memory_space<semaphore_mem>>
        %dma_start3A_76 = arith.constant 0 : i32
        %dma_start3A_77 = arith.constant 0 : i32
        %dma_start3A_78 = tpu.memref_slice %arg7[%dma_start3A_76, %dma_start3A_77] : memref<10112x128xf32, #tpu.memory_space<vmem_shared>> -> memref<10112x128xf32, #tpu.memory_space<vmem_shared>>
        tpu.enqueue_indirect_dma source(%arg13 : memref<128x128xf32, #tpu.memory_space<vmem>>) target(%dma_start3A_78 : memref<10112x128xf32, #tpu.memory_space<vmem_shared>>) offsets(%arg11 : memref<128xi32, #tpu.memory_space<vmem>>) semaphore(%run_scoped3A : memref<!tpu.dma_semaphore, #tpu.memory_space<semaphore_mem>>) {add = true}
        %dma_wait3A_79 = arith.constant 0 : i32
        %dma_wait3A_80 = arith.constant 0 : i32
        %dma_wait3A_81 = tpu.memref_slice %arg7[%dma_wait3A_79, %dma_wait3A_80] : memref<10112x128xf32, #tpu.memory_space<vmem_shared>> -> memref<10112x128xf32, #tpu.memory_space<vmem_shared>>
        tpu.wait_indirect_dma semaphore(%run_scoped3A : memref<!tpu.dma_semaphore, #tpu.memory_space<semaphore_mem>>) src(%arg13 : memref<128x128xf32, #tpu.memory_space<vmem>>) dst(%dma_wait3A_81 : memref<10112x128xf32, #tpu.memory_space<vmem_shared>>)
        tpu.yield
      }) : () -> ()
    }
    %barrier3A_42 = arith.constant 0 : index
    tpu.barrier barrier_id(%barrier3A_42)
    %mul3A_43 = arith.constant 632 : i32
    %mul3A_44 = arith.muli %arg1, %mul3A_43 : i32
    %mul3A_45 = arith.constant 632 : i32
    %mul3A_46 = arith.muli %arg1, %mul3A_45 : i32
    "tpu.region"() ({
      %run_scoped3A = tpu.sem_alloc : memref<!tpu.dma_semaphore, #tpu.memory_space<semaphore_mem>>
      %dma_start3A_47 = arith.constant 0 : i32
      %dma_start3A_48 = arith.constant 0 : i32
      %dma_start3A_49 = tpu.memref_slice %arg6[%arg0, %dma_start3A_47, %dma_start3A_48] : memref<2x10112x128xf32, #tpu.memory_space<hbm>> -> memref<1x10112x128xf32, #tpu.memory_space<hbm>>
      %dma_start3A_50 = tpu.memref_squeeze %dma_start3A_49 : memref<1x10112x128xf32, #tpu.memory_space<hbm>> -> memref<10112x128xf32, #tpu.memory_space<hbm>>
      %dma_start3A_51 = arith.constant 0 : i32
      %dma_start3A_52 = tpu.memref_slice %dma_start3A_50[%mul3A_46, %dma_start3A_51] : memref<10112x128xf32, #tpu.memory_space<hbm>> -> memref<632x128xf32, #tpu.memory_space<hbm>>
      %dma_start3A_53 = arith.constant 0 : i32
      %dma_start3A_54 = tpu.memref_slice %arg7[%mul3A_44, %dma_start3A_53] : memref<10112x128xf32, #tpu.memory_space<vmem_shared>> -> memref<632x128xf32, #tpu.memory_space<vmem_shared>>
      tpu.enqueue_dma source(%dma_start3A_54 : memref<632x128xf32, #tpu.memory_space<vmem_shared>>) target(%dma_start3A_52 : memref<632x128xf32, #tpu.memory_space<hbm>>) target_semaphore(%run_scoped3A : memref<!tpu.dma_semaphore, #tpu.memory_space<semaphore_mem>>)
      %dma_wait3A = arith.constant 0 : i32
      %dma_wait3A_55 = arith.constant 0 : i32
      %dma_wait3A_56 = tpu.memref_slice %arg6[%arg0, %dma_wait3A, %dma_wait3A_55] : memref<2x10112x128xf32, #tpu.memory_space<hbm>> -> memref<1x10112x128xf32, #tpu.memory_space<hbm>>
      %dma_wait3A_57 = tpu.memref_squeeze %dma_wait3A_56 : memref<1x10112x128xf32, #tpu.memory_space<hbm>> -> memref<10112x128xf32, #tpu.memory_space<hbm>>
      %dma_wait3A_58 = arith.constant 0 : i32
      %dma_wait3A_59 = tpu.memref_slice %dma_wait3A_57[%mul3A_46, %dma_wait3A_58] : memref<10112x128xf32, #tpu.memory_space<hbm>> -> memref<632x128xf32, #tpu.memory_space<hbm>>
      %dma_wait3A_60 = arith.constant 0 : i32
      %dma_wait3A_61 = tpu.memref_slice %arg7[%mul3A_44, %dma_wait3A_60] : memref<10112x128xf32, #tpu.memory_space<vmem_shared>> -> memref<632x128xf32, #tpu.memory_space<vmem_shared>>
      tpu.wait_dma2 semaphore(%run_scoped3A : memref<!tpu.dma_semaphore, #tpu.memory_space<semaphore_mem>>) src(%dma_wait3A_61 : memref<632x128xf32, #tpu.memory_space<vmem_shared>>) dst(%dma_wait3A_59 : memref<632x128xf32, #tpu.memory_space<hbm>>)
      tpu.yield
    }) : () -> ()
    return
  }
}

#map = affine_map<(d0, d1) -> (0, 0)>
#map1 = affine_map<(d0, d1) -> (0)>
#map2 = affine_map<(d0, d1) -> (0, 0, 0)>
module attributes {stable_mosaic.version = 14 : i64} {
  func.func @agg_kernel(%arg0: i32, %arg1: i32, %arg2: memref<10000x128xf32, #tpu.memory_space<hbm>>, %arg3: memref<323584xi32, #tpu.memory_space<hbm>>, %arg4: memref<323584xi32, #tpu.memory_space<hbm>>, %arg5: memref<632x128xf32, #tpu.memory_space<hbm>>, %arg6: memref<2x10112x128xf32, #tpu.memory_space<hbm>>, %arg7: memref<10112x128xf32, #tpu.memory_space<vmem_shared>>, %arg8: memref<128xi32, #tpu.memory_space<vmem>>, %arg9: memref<128xi32, #tpu.memory_space<vmem>>, %arg10: memref<128xi32, #tpu.memory_space<vmem>>, %arg11: memref<128xi32, #tpu.memory_space<vmem>>, %arg12: memref<128x128xf32, #tpu.memory_space<vmem>>, %arg13: memref<128x128xf32, #tpu.memory_space<vmem>>, %arg14: memref<!tpu.dma_semaphore, #tpu.memory_space<semaphore_mem>>, %arg15: memref<!tpu.dma_semaphore, #tpu.memory_space<semaphore_mem>>) attributes {dimension_semantics = [#tpu.dimension_semantics<core_parallel>, #tpu.dimension_semantics<subcore_parallel>], iteration_bounds = array<i64: 2, 16>, scalar_prefetch = 0 : i64, scratch_operands = 9 : i64, tpu.core_type = #tpu.core_type<sc_vector_subcore>, window_params = [{transform_indices = #map}, {transform_indices = #map1}, {transform_indices = #map1}, {transform_indices = #map}, {transform_indices = #map2}]} {
    %mul3A = arith.constant 632 : i32
    %mul3A_0 = arith.muli %arg1, %mul3A : i32
    "tpu.region"() ({
      %run_scoped3A = tpu.sem_alloc : memref<!tpu.dma_semaphore, #tpu.memory_space<semaphore_mem>>
      %dma_start3A_47 = arith.constant 0 : i32
      %dma_start3A_48 = tpu.memref_slice %arg7[%mul3A_0, %dma_start3A_47] : memref<10112x128xf32, #tpu.memory_space<vmem_shared>> -> memref<632x128xf32, #tpu.memory_space<vmem_shared>>
      tpu.enqueue_dma source(%arg5 : memref<632x128xf32, #tpu.memory_space<hbm>>) target(%dma_start3A_48 : memref<632x128xf32, #tpu.memory_space<vmem_shared>>) target_semaphore(%run_scoped3A : memref<!tpu.dma_semaphore, #tpu.memory_space<semaphore_mem>>)
      %dma_wait3A = arith.constant 0 : i32
      %dma_wait3A_49 = tpu.memref_slice %arg7[%mul3A_0, %dma_wait3A] : memref<10112x128xf32, #tpu.memory_space<vmem_shared>> -> memref<632x128xf32, #tpu.memory_space<vmem_shared>>
      tpu.wait_dma2 semaphore(%run_scoped3A : memref<!tpu.dma_semaphore, #tpu.memory_space<semaphore_mem>>) src(%arg5 : memref<632x128xf32, #tpu.memory_space<hbm>>) dst(%dma_wait3A_49 : memref<632x128xf32, #tpu.memory_space<vmem_shared>>)
      tpu.yield
    }) : () -> ()
    %barrier3A = arith.constant 0 : index
    tpu.barrier barrier_id(%barrier3A)
    %eq3A = arith.constant 0 : i32
    %eq3A_1 = arith.cmpi eq, %arg0, %eq3A : i32
    %mul3A_2 = arith.constant 70 : i32
    %mul3A_3 = arith.muli %arg1, %mul3A_2 : i32
    %mul3A_4 = arith.constant 88 : i32
    %mul3A_5 = arith.muli %arg1, %mul3A_4 : i32
    %add3A = arith.constant 1120 : i32
    %add3A_6 = arith.addi %add3A, %mul3A_5 : i32
    %select_n3A = arith.select %eq3A_1, %mul3A_3, %add3A_6 : i32
    %mul3A_7 = arith.constant 128 : i32
    %mul3A_8 = arith.muli %select_n3A, %mul3A_7 : i32
    %eq3A_9 = arith.constant 0 : i32
    %eq3A_10 = arith.cmpi eq, %arg0, %eq3A_9 : i32
    %jit3A = arith.constant 70 : i32
    %jit3A_11 = arith.constant 88 : i32
    %select_n3A_12 = arith.select %eq3A_10, %jit3A, %jit3A_11 : i32
    "tpu.region"() ({
      %run_scoped3A = tpu.sem_alloc : memref<!tpu.dma_semaphore, #tpu.memory_space<semaphore_mem>>
      %dma_start3A_47 = tpu.memref_slice %arg3[%mul3A_8] : memref<323584xi32, #tpu.memory_space<hbm>> -> memref<128xi32, #tpu.memory_space<hbm>>
      %dma_start3A_48 = tpu.memref_slice %arg3[%mul3A_8] : memref<323584xi32, #tpu.memory_space<hbm>> -> memref<128xi32, #tpu.memory_space<hbm>>
      tpu.enqueue_dma source(%dma_start3A_48 : memref<128xi32, #tpu.memory_space<hbm>>) target(%arg8 : memref<128xi32, #tpu.memory_space<vmem>>) target_semaphore(%run_scoped3A : memref<!tpu.dma_semaphore, #tpu.memory_space<semaphore_mem>>)
      %dma_wait3A = tpu.memref_slice %arg3[%mul3A_8] : memref<323584xi32, #tpu.memory_space<hbm>> -> memref<128xi32, #tpu.memory_space<hbm>>
      %dma_wait3A_49 = tpu.memref_slice %arg3[%mul3A_8] : memref<323584xi32, #tpu.memory_space<hbm>> -> memref<128xi32, #tpu.memory_space<hbm>>
      tpu.wait_dma2 semaphore(%run_scoped3A : memref<!tpu.dma_semaphore, #tpu.memory_space<semaphore_mem>>) src(%dma_wait3A_49 : memref<128xi32, #tpu.memory_space<hbm>>) dst(%arg8 : memref<128xi32, #tpu.memory_space<vmem>>)
      tpu.yield
    }) : () -> ()
    "tpu.region"() ({
      %run_scoped3A = tpu.sem_alloc : memref<!tpu.dma_semaphore, #tpu.memory_space<semaphore_mem>>
      %dma_start3A_47 = tpu.memref_slice %arg4[%mul3A_8] : memref<323584xi32, #tpu.memory_space<hbm>> -> memref<128xi32, #tpu.memory_space<hbm>>
      %dma_start3A_48 = tpu.memref_slice %arg4[%mul3A_8] : memref<323584xi32, #tpu.memory_space<hbm>> -> memref<128xi32, #tpu.memory_space<hbm>>
      tpu.enqueue_dma source(%dma_start3A_48 : memref<128xi32, #tpu.memory_space<hbm>>) target(%arg10 : memref<128xi32, #tpu.memory_space<vmem>>) target_semaphore(%run_scoped3A : memref<!tpu.dma_semaphore, #tpu.memory_space<semaphore_mem>>)
      %dma_wait3A = tpu.memref_slice %arg4[%mul3A_8] : memref<323584xi32, #tpu.memory_space<hbm>> -> memref<128xi32, #tpu.memory_space<hbm>>
      %dma_wait3A_49 = tpu.memref_slice %arg4[%mul3A_8] : memref<323584xi32, #tpu.memory_space<hbm>> -> memref<128xi32, #tpu.memory_space<hbm>>
      tpu.wait_dma2 semaphore(%run_scoped3A : memref<!tpu.dma_semaphore, #tpu.memory_space<semaphore_mem>>) src(%dma_wait3A_49 : memref<128xi32, #tpu.memory_space<hbm>>) dst(%arg10 : memref<128xi32, #tpu.memory_space<vmem>>)
      tpu.yield
    }) : () -> ()
    %dma_start3A = arith.constant 0 : i32
    %dma_start3A_13 = arith.constant 0 : i32
    %dma_start3A_14 = tpu.memref_slice %arg2[%dma_start3A, %dma_start3A_13] : memref<10000x128xf32, #tpu.memory_space<hbm>> -> memref<10000x128xf32, #tpu.memory_space<hbm>>
    tpu.enqueue_indirect_dma source(%dma_start3A_14 : memref<10000x128xf32, #tpu.memory_space<hbm>>) target(%arg12 : memref<128x128xf32, #tpu.memory_space<vmem>>) offsets(%arg8 : memref<128xi32, #tpu.memory_space<vmem>>) semaphore(%arg14 : memref<!tpu.dma_semaphore, #tpu.memory_space<semaphore_mem>>)
    %jit3A_15 = arith.constant 2 : i32
    %div3A = arith.divsi %select_n3A_12, %jit3A_15 : i32
    %sign3A = arith.constant 0 : i32
    %sign3A_16 = arith.cmpi sgt, %select_n3A_12, %sign3A : i32
    %sign3A_17 = arith.extui %sign3A_16 : i1 to i32
    %sign3A_18 = arith.constant 0 : i32
    %sign3A_19 = arith.cmpi slt, %select_n3A_12, %sign3A_18 : i32
    %sign3A_20 = arith.extui %sign3A_19 : i1 to i32
    %sign3A_21 = arith.subi %sign3A_17, %sign3A_20 : i32
    %sign3A_22 = arith.constant 0 : i32
    %sign3A_23 = arith.cmpi sgt, %jit3A_15, %sign3A_22 : i32
    %sign3A_24 = arith.extui %sign3A_23 : i1 to i32
    %sign3A_25 = arith.constant 0 : i32
    %sign3A_26 = arith.cmpi slt, %jit3A_15, %sign3A_25 : i32
    %sign3A_27 = arith.extui %sign3A_26 : i1 to i32
    %sign3A_28 = arith.subi %sign3A_24, %sign3A_27 : i32
    %ne3A = arith.cmpi ne, %sign3A_21, %sign3A_28 : i32
    %rem3A = arith.remsi %select_n3A_12, %jit3A_15 : i32
    %ne3A_29 = arith.constant 0 : i32
    %ne3A_30 = arith.cmpi ne, %rem3A, %ne3A_29 : i32
    %and3A = arith.andi %ne3A, %ne3A_30 : i1
    %sub3A = arith.constant 1 : i32
    %sub3A_31 = arith.subi %div3A, %sub3A : i32
    %select_n3A_32 = arith.select %and3A, %sub3A_31, %div3A : i32
    %while3A = arith.constant 0 : i32
    %while3A_33 = arith.constant 0 : i32
    %while3A_34 = arith.subi %select_n3A_32, %while3A_33 : i32
    %while3A_35 = arith.addi %while3A_33, %while3A_34 : i32
    %while3A_36 = arith.constant 1 : i32
    %while3A_37 = arith.divsi %while3A_34, %while3A_36 : i32
    %while3A_38 = arith.muli %while3A_37, %while3A_36 : i32
    %while3A_39 = arith.addi %while3A_33, %while3A_38 : i32
    %while3A_40 = arith.constant 1 : i32
    scf.for %while3A_47 = %while3A_33 to %while3A_39 step %while3A_40  : i32 {
      %mul3A_48 = arith.constant 2 : i32
      %mul3A_49 = arith.muli %mul3A_48, %while3A_47 : i32
      %add3A_50 = arith.constant 0 : i32
      %add3A_51 = arith.addi %mul3A_49, %add3A_50 : i32
      %add3A_52 = arith.constant 1 : i32
      %add3A_53 = arith.addi %add3A_51, %add3A_52 : i32
      %lt3A = arith.cmpi slt, %add3A_53, %select_n3A_12 : i32
      %convert_element_type3A = arith.extui %lt3A : i1 to i32
      %cond3A = arith.constant 0 : i32
      %cond3A_54 = arith.cmpi ne, %convert_element_type3A, %cond3A : i32
      scf.if %cond3A_54 {
        %add3A_76 = arith.constant 1 : i32
        %add3A_77 = arith.addi %add3A_51, %add3A_76 : i32
        %mul3A_78 = arith.constant 128 : i32
        %mul3A_79 = arith.muli %add3A_77, %mul3A_78 : i32
        %add3A_80 = arith.addi %mul3A_8, %mul3A_79 : i32
        "tpu.region"() ({
          %run_scoped3A = tpu.sem_alloc : memref<!tpu.dma_semaphore, #tpu.memory_space<semaphore_mem>>
          %dma_start3A_81 = tpu.memref_slice %arg3[%add3A_80] : memref<323584xi32, #tpu.memory_space<hbm>> -> memref<128xi32, #tpu.memory_space<hbm>>
          %dma_start3A_82 = tpu.memref_slice %arg3[%add3A_80] : memref<323584xi32, #tpu.memory_space<hbm>> -> memref<128xi32, #tpu.memory_space<hbm>>
          tpu.enqueue_dma source(%dma_start3A_82 : memref<128xi32, #tpu.memory_space<hbm>>) target(%arg9 : memref<128xi32, #tpu.memory_space<vmem>>) target_semaphore(%run_scoped3A : memref<!tpu.dma_semaphore, #tpu.memory_space<semaphore_mem>>)
          %dma_wait3A_83 = tpu.memref_slice %arg3[%add3A_80] : memref<323584xi32, #tpu.memory_space<hbm>> -> memref<128xi32, #tpu.memory_space<hbm>>
          %dma_wait3A_84 = tpu.memref_slice %arg3[%add3A_80] : memref<323584xi32, #tpu.memory_space<hbm>> -> memref<128xi32, #tpu.memory_space<hbm>>
          tpu.wait_dma2 semaphore(%run_scoped3A : memref<!tpu.dma_semaphore, #tpu.memory_space<semaphore_mem>>) src(%dma_wait3A_84 : memref<128xi32, #tpu.memory_space<hbm>>) dst(%arg9 : memref<128xi32, #tpu.memory_space<vmem>>)
          tpu.yield
        }) : () -> ()
        "tpu.region"() ({
          %run_scoped3A = tpu.sem_alloc : memref<!tpu.dma_semaphore, #tpu.memory_space<semaphore_mem>>
          %dma_start3A_81 = tpu.memref_slice %arg4[%add3A_80] : memref<323584xi32, #tpu.memory_space<hbm>> -> memref<128xi32, #tpu.memory_space<hbm>>
          %dma_start3A_82 = tpu.memref_slice %arg4[%add3A_80] : memref<323584xi32, #tpu.memory_space<hbm>> -> memref<128xi32, #tpu.memory_space<hbm>>
          tpu.enqueue_dma source(%dma_start3A_82 : memref<128xi32, #tpu.memory_space<hbm>>) target(%arg11 : memref<128xi32, #tpu.memory_space<vmem>>) target_semaphore(%run_scoped3A : memref<!tpu.dma_semaphore, #tpu.memory_space<semaphore_mem>>)
          %dma_wait3A_83 = tpu.memref_slice %arg4[%add3A_80] : memref<323584xi32, #tpu.memory_space<hbm>> -> memref<128xi32, #tpu.memory_space<hbm>>
          %dma_wait3A_84 = tpu.memref_slice %arg4[%add3A_80] : memref<323584xi32, #tpu.memory_space<hbm>> -> memref<128xi32, #tpu.memory_space<hbm>>
          tpu.wait_dma2 semaphore(%run_scoped3A : memref<!tpu.dma_semaphore, #tpu.memory_space<semaphore_mem>>) src(%dma_wait3A_84 : memref<128xi32, #tpu.memory_space<hbm>>) dst(%arg11 : memref<128xi32, #tpu.memory_space<vmem>>)
          tpu.yield
        }) : () -> ()
      } else {
      }
      %dma_wait3A = arith.constant 0 : i32
      %dma_wait3A_55 = arith.constant 0 : i32
      %dma_wait3A_56 = tpu.memref_slice %arg2[%dma_wait3A, %dma_wait3A_55] : memref<10000x128xf32, #tpu.memory_space<hbm>> -> memref<10000x128xf32, #tpu.memory_space<hbm>>
      tpu.wait_indirect_dma semaphore(%arg14 : memref<!tpu.dma_semaphore, #tpu.memory_space<semaphore_mem>>) src(%dma_wait3A_56 : memref<10000x128xf32, #tpu.memory_space<hbm>>) dst(%arg12 : memref<128x128xf32, #tpu.memory_space<vmem>>)
      %convert_element_type3A_57 = arith.extui %lt3A : i1 to i32
      %cond3A_58 = arith.constant 0 : i32
      %cond3A_59 = arith.cmpi ne, %convert_element_type3A_57, %cond3A_58 : i32
      scf.if %cond3A_59 {
        %dma_start3A_76 = arith.constant 0 : i32
        %dma_start3A_77 = arith.constant 0 : i32
        %dma_start3A_78 = tpu.memref_slice %arg2[%dma_start3A_76, %dma_start3A_77] : memref<10000x128xf32, #tpu.memory_space<hbm>> -> memref<10000x128xf32, #tpu.memory_space<hbm>>
        tpu.enqueue_indirect_dma source(%dma_start3A_78 : memref<10000x128xf32, #tpu.memory_space<hbm>>) target(%arg13 : memref<128x128xf32, #tpu.memory_space<vmem>>) offsets(%arg9 : memref<128xi32, #tpu.memory_space<vmem>>) semaphore(%arg15 : memref<!tpu.dma_semaphore, #tpu.memory_space<semaphore_mem>>)
      } else {
      }
      "tpu.region"() ({
        %run_scoped3A = tpu.sem_alloc : memref<!tpu.dma_semaphore, #tpu.memory_space<semaphore_mem>>
        %dma_start3A_76 = arith.constant 0 : i32
        %dma_start3A_77 = arith.constant 0 : i32
        %dma_start3A_78 = tpu.memref_slice %arg7[%dma_start3A_76, %dma_start3A_77] : memref<10112x128xf32, #tpu.memory_space<vmem_shared>> -> memref<10112x128xf32, #tpu.memory_space<vmem_shared>>
        tpu.enqueue_indirect_dma source(%arg12 : memref<128x128xf32, #tpu.memory_space<vmem>>) target(%dma_start3A_78 : memref<10112x128xf32, #tpu.memory_space<vmem_shared>>) offsets(%arg10 : memref<128xi32, #tpu.memory_space<vmem>>) semaphore(%run_scoped3A : memref<!tpu.dma_semaphore, #tpu.memory_space<semaphore_mem>>) {add = true}
        %dma_wait3A_79 = arith.constant 0 : i32
        %dma_wait3A_80 = arith.constant 0 : i32
        %dma_wait3A_81 = tpu.memref_slice %arg7[%dma_wait3A_79, %dma_wait3A_80] : memref<10112x128xf32, #tpu.memory_space<vmem_shared>> -> memref<10112x128xf32, #tpu.memory_space<vmem_shared>>
        tpu.wait_indirect_dma semaphore(%run_scoped3A : memref<!tpu.dma_semaphore, #tpu.memory_space<semaphore_mem>>) src(%arg12 : memref<128x128xf32, #tpu.memory_space<vmem>>) dst(%dma_wait3A_81 : memref<10112x128xf32, #tpu.memory_space<vmem_shared>>)
        tpu.yield
      }) : () -> ()
      %mul3A_60 = arith.constant 2 : i32
      %mul3A_61 = arith.muli %mul3A_60, %while3A_47 : i32
      %add3A_62 = arith.constant 1 : i32
      %add3A_63 = arith.addi %mul3A_61, %add3A_62 : i32
      %add3A_64 = arith.constant 1 : i32
      %add3A_65 = arith.addi %add3A_63, %add3A_64 : i32
      %lt3A_66 = arith.cmpi slt, %add3A_65, %select_n3A_12 : i32
      %convert_element_type3A_67 = arith.extui %lt3A_66 : i1 to i32
      %cond3A_68 = arith.constant 0 : i32
      %cond3A_69 = arith.cmpi ne, %convert_element_type3A_67, %cond3A_68 : i32
      scf.if %cond3A_69 {
        %add3A_76 = arith.constant 1 : i32
        %add3A_77 = arith.addi %add3A_63, %add3A_76 : i32
        %mul3A_78 = arith.constant 128 : i32
        %mul3A_79 = arith.muli %add3A_77, %mul3A_78 : i32
        %add3A_80 = arith.addi %mul3A_8, %mul3A_79 : i32
        "tpu.region"() ({
          %run_scoped3A = tpu.sem_alloc : memref<!tpu.dma_semaphore, #tpu.memory_space<semaphore_mem>>
          %dma_start3A_81 = tpu.memref_slice %arg3[%add3A_80] : memref<323584xi32, #tpu.memory_space<hbm>> -> memref<128xi32, #tpu.memory_space<hbm>>
          %dma_start3A_82 = tpu.memref_slice %arg3[%add3A_80] : memref<323584xi32, #tpu.memory_space<hbm>> -> memref<128xi32, #tpu.memory_space<hbm>>
          tpu.enqueue_dma source(%dma_start3A_82 : memref<128xi32, #tpu.memory_space<hbm>>) target(%arg8 : memref<128xi32, #tpu.memory_space<vmem>>) target_semaphore(%run_scoped3A : memref<!tpu.dma_semaphore, #tpu.memory_space<semaphore_mem>>)
          %dma_wait3A_83 = tpu.memref_slice %arg3[%add3A_80] : memref<323584xi32, #tpu.memory_space<hbm>> -> memref<128xi32, #tpu.memory_space<hbm>>
          %dma_wait3A_84 = tpu.memref_slice %arg3[%add3A_80] : memref<323584xi32, #tpu.memory_space<hbm>> -> memref<128xi32, #tpu.memory_space<hbm>>
          tpu.wait_dma2 semaphore(%run_scoped3A : memref<!tpu.dma_semaphore, #tpu.memory_space<semaphore_mem>>) src(%dma_wait3A_84 : memref<128xi32, #tpu.memory_space<hbm>>) dst(%arg8 : memref<128xi32, #tpu.memory_space<vmem>>)
          tpu.yield
        }) : () -> ()
        "tpu.region"() ({
          %run_scoped3A = tpu.sem_alloc : memref<!tpu.dma_semaphore, #tpu.memory_space<semaphore_mem>>
          %dma_start3A_81 = tpu.memref_slice %arg4[%add3A_80] : memref<323584xi32, #tpu.memory_space<hbm>> -> memref<128xi32, #tpu.memory_space<hbm>>
          %dma_start3A_82 = tpu.memref_slice %arg4[%add3A_80] : memref<323584xi32, #tpu.memory_space<hbm>> -> memref<128xi32, #tpu.memory_space<hbm>>
          tpu.enqueue_dma source(%dma_start3A_82 : memref<128xi32, #tpu.memory_space<hbm>>) target(%arg10 : memref<128xi32, #tpu.memory_space<vmem>>) target_semaphore(%run_scoped3A : memref<!tpu.dma_semaphore, #tpu.memory_space<semaphore_mem>>)
          %dma_wait3A_83 = tpu.memref_slice %arg4[%add3A_80] : memref<323584xi32, #tpu.memory_space<hbm>> -> memref<128xi32, #tpu.memory_space<hbm>>
          %dma_wait3A_84 = tpu.memref_slice %arg4[%add3A_80] : memref<323584xi32, #tpu.memory_space<hbm>> -> memref<128xi32, #tpu.memory_space<hbm>>
          tpu.wait_dma2 semaphore(%run_scoped3A : memref<!tpu.dma_semaphore, #tpu.memory_space<semaphore_mem>>) src(%dma_wait3A_84 : memref<128xi32, #tpu.memory_space<hbm>>) dst(%arg10 : memref<128xi32, #tpu.memory_space<vmem>>)
          tpu.yield
        }) : () -> ()
      } else {
      }
      %dma_wait3A_70 = arith.constant 0 : i32
      %dma_wait3A_71 = arith.constant 0 : i32
      %dma_wait3A_72 = tpu.memref_slice %arg2[%dma_wait3A_70, %dma_wait3A_71] : memref<10000x128xf32, #tpu.memory_space<hbm>> -> memref<10000x128xf32, #tpu.memory_space<hbm>>
      tpu.wait_indirect_dma semaphore(%arg15 : memref<!tpu.dma_semaphore, #tpu.memory_space<semaphore_mem>>) src(%dma_wait3A_72 : memref<10000x128xf32, #tpu.memory_space<hbm>>) dst(%arg13 : memref<128x128xf32, #tpu.memory_space<vmem>>)
      %convert_element_type3A_73 = arith.extui %lt3A_66 : i1 to i32
      %cond3A_74 = arith.constant 0 : i32
      %cond3A_75 = arith.cmpi ne, %convert_element_type3A_73, %cond3A_74 : i32
      scf.if %cond3A_75 {
        %dma_start3A_76 = arith.constant 0 : i32
        %dma_start3A_77 = arith.constant 0 : i32
        %dma_start3A_78 = tpu.memref_slice %arg2[%dma_start3A_76, %dma_start3A_77] : memref<10000x128xf32, #tpu.memory_space<hbm>> -> memref<10000x128xf32, #tpu.memory_space<hbm>>
        tpu.enqueue_indirect_dma source(%dma_start3A_78 : memref<10000x128xf32, #tpu.memory_space<hbm>>) target(%arg12 : memref<128x128xf32, #tpu.memory_space<vmem>>) offsets(%arg8 : memref<128xi32, #tpu.memory_space<vmem>>) semaphore(%arg14 : memref<!tpu.dma_semaphore, #tpu.memory_space<semaphore_mem>>)
      } else {
      }
      "tpu.region"() ({
        %run_scoped3A = tpu.sem_alloc : memref<!tpu.dma_semaphore, #tpu.memory_space<semaphore_mem>>
        %dma_start3A_76 = arith.constant 0 : i32
        %dma_start3A_77 = arith.constant 0 : i32
        %dma_start3A_78 = tpu.memref_slice %arg7[%dma_start3A_76, %dma_start3A_77] : memref<10112x128xf32, #tpu.memory_space<vmem_shared>> -> memref<10112x128xf32, #tpu.memory_space<vmem_shared>>
        tpu.enqueue_indirect_dma source(%arg13 : memref<128x128xf32, #tpu.memory_space<vmem>>) target(%dma_start3A_78 : memref<10112x128xf32, #tpu.memory_space<vmem_shared>>) offsets(%arg11 : memref<128xi32, #tpu.memory_space<vmem>>) semaphore(%run_scoped3A : memref<!tpu.dma_semaphore, #tpu.memory_space<semaphore_mem>>) {add = true}
        %dma_wait3A_79 = arith.constant 0 : i32
        %dma_wait3A_80 = arith.constant 0 : i32
        %dma_wait3A_81 = tpu.memref_slice %arg7[%dma_wait3A_79, %dma_wait3A_80] : memref<10112x128xf32, #tpu.memory_space<vmem_shared>> -> memref<10112x128xf32, #tpu.memory_space<vmem_shared>>
        tpu.wait_indirect_dma semaphore(%run_scoped3A : memref<!tpu.dma_semaphore, #tpu.memory_space<semaphore_mem>>) src(%arg13 : memref<128x128xf32, #tpu.memory_space<vmem>>) dst(%dma_wait3A_81 : memref<10112x128xf32, #tpu.memory_space<vmem_shared>>)
        tpu.yield
      }) : () -> ()
    }
    %while3A_41 = arith.constant 1 : i32
    scf.for %while3A_47 = %while3A_39 to %while3A_35 step %while3A_41  : i32 {
      %mul3A_48 = arith.constant 2 : i32
      %mul3A_49 = arith.muli %mul3A_48, %while3A_47 : i32
      %add3A_50 = arith.constant 0 : i32
      %add3A_51 = arith.addi %mul3A_49, %add3A_50 : i32
      %add3A_52 = arith.constant 1 : i32
      %add3A_53 = arith.addi %add3A_51, %add3A_52 : i32
      %lt3A = arith.cmpi slt, %add3A_53, %select_n3A_12 : i32
      %convert_element_type3A = arith.extui %lt3A : i1 to i32
      %cond3A = arith.constant 0 : i32
      %cond3A_54 = arith.cmpi ne, %convert_element_type3A, %cond3A : i32
      scf.if %cond3A_54 {
        %add3A_76 = arith.constant 1 : i32
        %add3A_77 = arith.addi %add3A_51, %add3A_76 : i32
        %mul3A_78 = arith.constant 128 : i32
        %mul3A_79 = arith.muli %add3A_77, %mul3A_78 : i32
        %add3A_80 = arith.addi %mul3A_8, %mul3A_79 : i32
        "tpu.region"() ({
          %run_scoped3A = tpu.sem_alloc : memref<!tpu.dma_semaphore, #tpu.memory_space<semaphore_mem>>
          %dma_start3A_81 = tpu.memref_slice %arg3[%add3A_80] : memref<323584xi32, #tpu.memory_space<hbm>> -> memref<128xi32, #tpu.memory_space<hbm>>
          %dma_start3A_82 = tpu.memref_slice %arg3[%add3A_80] : memref<323584xi32, #tpu.memory_space<hbm>> -> memref<128xi32, #tpu.memory_space<hbm>>
          tpu.enqueue_dma source(%dma_start3A_82 : memref<128xi32, #tpu.memory_space<hbm>>) target(%arg9 : memref<128xi32, #tpu.memory_space<vmem>>) target_semaphore(%run_scoped3A : memref<!tpu.dma_semaphore, #tpu.memory_space<semaphore_mem>>)
          %dma_wait3A_83 = tpu.memref_slice %arg3[%add3A_80] : memref<323584xi32, #tpu.memory_space<hbm>> -> memref<128xi32, #tpu.memory_space<hbm>>
          %dma_wait3A_84 = tpu.memref_slice %arg3[%add3A_80] : memref<323584xi32, #tpu.memory_space<hbm>> -> memref<128xi32, #tpu.memory_space<hbm>>
          tpu.wait_dma2 semaphore(%run_scoped3A : memref<!tpu.dma_semaphore, #tpu.memory_space<semaphore_mem>>) src(%dma_wait3A_84 : memref<128xi32, #tpu.memory_space<hbm>>) dst(%arg9 : memref<128xi32, #tpu.memory_space<vmem>>)
          tpu.yield
        }) : () -> ()
        "tpu.region"() ({
          %run_scoped3A = tpu.sem_alloc : memref<!tpu.dma_semaphore, #tpu.memory_space<semaphore_mem>>
          %dma_start3A_81 = tpu.memref_slice %arg4[%add3A_80] : memref<323584xi32, #tpu.memory_space<hbm>> -> memref<128xi32, #tpu.memory_space<hbm>>
          %dma_start3A_82 = tpu.memref_slice %arg4[%add3A_80] : memref<323584xi32, #tpu.memory_space<hbm>> -> memref<128xi32, #tpu.memory_space<hbm>>
          tpu.enqueue_dma source(%dma_start3A_82 : memref<128xi32, #tpu.memory_space<hbm>>) target(%arg11 : memref<128xi32, #tpu.memory_space<vmem>>) target_semaphore(%run_scoped3A : memref<!tpu.dma_semaphore, #tpu.memory_space<semaphore_mem>>)
          %dma_wait3A_83 = tpu.memref_slice %arg4[%add3A_80] : memref<323584xi32, #tpu.memory_space<hbm>> -> memref<128xi32, #tpu.memory_space<hbm>>
          %dma_wait3A_84 = tpu.memref_slice %arg4[%add3A_80] : memref<323584xi32, #tpu.memory_space<hbm>> -> memref<128xi32, #tpu.memory_space<hbm>>
          tpu.wait_dma2 semaphore(%run_scoped3A : memref<!tpu.dma_semaphore, #tpu.memory_space<semaphore_mem>>) src(%dma_wait3A_84 : memref<128xi32, #tpu.memory_space<hbm>>) dst(%arg11 : memref<128xi32, #tpu.memory_space<vmem>>)
          tpu.yield
        }) : () -> ()
      } else {
      }
      %dma_wait3A = arith.constant 0 : i32
      %dma_wait3A_55 = arith.constant 0 : i32
      %dma_wait3A_56 = tpu.memref_slice %arg2[%dma_wait3A, %dma_wait3A_55] : memref<10000x128xf32, #tpu.memory_space<hbm>> -> memref<10000x128xf32, #tpu.memory_space<hbm>>
      tpu.wait_indirect_dma semaphore(%arg14 : memref<!tpu.dma_semaphore, #tpu.memory_space<semaphore_mem>>) src(%dma_wait3A_56 : memref<10000x128xf32, #tpu.memory_space<hbm>>) dst(%arg12 : memref<128x128xf32, #tpu.memory_space<vmem>>)
      %convert_element_type3A_57 = arith.extui %lt3A : i1 to i32
      %cond3A_58 = arith.constant 0 : i32
      %cond3A_59 = arith.cmpi ne, %convert_element_type3A_57, %cond3A_58 : i32
      scf.if %cond3A_59 {
        %dma_start3A_76 = arith.constant 0 : i32
        %dma_start3A_77 = arith.constant 0 : i32
        %dma_start3A_78 = tpu.memref_slice %arg2[%dma_start3A_76, %dma_start3A_77] : memref<10000x128xf32, #tpu.memory_space<hbm>> -> memref<10000x128xf32, #tpu.memory_space<hbm>>
        tpu.enqueue_indirect_dma source(%dma_start3A_78 : memref<10000x128xf32, #tpu.memory_space<hbm>>) target(%arg13 : memref<128x128xf32, #tpu.memory_space<vmem>>) offsets(%arg9 : memref<128xi32, #tpu.memory_space<vmem>>) semaphore(%arg15 : memref<!tpu.dma_semaphore, #tpu.memory_space<semaphore_mem>>)
      } else {
      }
      "tpu.region"() ({
        %run_scoped3A = tpu.sem_alloc : memref<!tpu.dma_semaphore, #tpu.memory_space<semaphore_mem>>
        %dma_start3A_76 = arith.constant 0 : i32
        %dma_start3A_77 = arith.constant 0 : i32
        %dma_start3A_78 = tpu.memref_slice %arg7[%dma_start3A_76, %dma_start3A_77] : memref<10112x128xf32, #tpu.memory_space<vmem_shared>> -> memref<10112x128xf32, #tpu.memory_space<vmem_shared>>
        tpu.enqueue_indirect_dma source(%arg12 : memref<128x128xf32, #tpu.memory_space<vmem>>) target(%dma_start3A_78 : memref<10112x128xf32, #tpu.memory_space<vmem_shared>>) offsets(%arg10 : memref<128xi32, #tpu.memory_space<vmem>>) semaphore(%run_scoped3A : memref<!tpu.dma_semaphore, #tpu.memory_space<semaphore_mem>>) {add = true}
        %dma_wait3A_79 = arith.constant 0 : i32
        %dma_wait3A_80 = arith.constant 0 : i32
        %dma_wait3A_81 = tpu.memref_slice %arg7[%dma_wait3A_79, %dma_wait3A_80] : memref<10112x128xf32, #tpu.memory_space<vmem_shared>> -> memref<10112x128xf32, #tpu.memory_space<vmem_shared>>
        tpu.wait_indirect_dma semaphore(%run_scoped3A : memref<!tpu.dma_semaphore, #tpu.memory_space<semaphore_mem>>) src(%arg12 : memref<128x128xf32, #tpu.memory_space<vmem>>) dst(%dma_wait3A_81 : memref<10112x128xf32, #tpu.memory_space<vmem_shared>>)
        tpu.yield
      }) : () -> ()
      %mul3A_60 = arith.constant 2 : i32
      %mul3A_61 = arith.muli %mul3A_60, %while3A_47 : i32
      %add3A_62 = arith.constant 1 : i32
      %add3A_63 = arith.addi %mul3A_61, %add3A_62 : i32
      %add3A_64 = arith.constant 1 : i32
      %add3A_65 = arith.addi %add3A_63, %add3A_64 : i32
      %lt3A_66 = arith.cmpi slt, %add3A_65, %select_n3A_12 : i32
      %convert_element_type3A_67 = arith.extui %lt3A_66 : i1 to i32
      %cond3A_68 = arith.constant 0 : i32
      %cond3A_69 = arith.cmpi ne, %convert_element_type3A_67, %cond3A_68 : i32
      scf.if %cond3A_69 {
        %add3A_76 = arith.constant 1 : i32
        %add3A_77 = arith.addi %add3A_63, %add3A_76 : i32
        %mul3A_78 = arith.constant 128 : i32
        %mul3A_79 = arith.muli %add3A_77, %mul3A_78 : i32
        %add3A_80 = arith.addi %mul3A_8, %mul3A_79 : i32
        "tpu.region"() ({
          %run_scoped3A = tpu.sem_alloc : memref<!tpu.dma_semaphore, #tpu.memory_space<semaphore_mem>>
          %dma_start3A_81 = tpu.memref_slice %arg3[%add3A_80] : memref<323584xi32, #tpu.memory_space<hbm>> -> memref<128xi32, #tpu.memory_space<hbm>>
          %dma_start3A_82 = tpu.memref_slice %arg3[%add3A_80] : memref<323584xi32, #tpu.memory_space<hbm>> -> memref<128xi32, #tpu.memory_space<hbm>>
          tpu.enqueue_dma source(%dma_start3A_82 : memref<128xi32, #tpu.memory_space<hbm>>) target(%arg8 : memref<128xi32, #tpu.memory_space<vmem>>) target_semaphore(%run_scoped3A : memref<!tpu.dma_semaphore, #tpu.memory_space<semaphore_mem>>)
          %dma_wait3A_83 = tpu.memref_slice %arg3[%add3A_80] : memref<323584xi32, #tpu.memory_space<hbm>> -> memref<128xi32, #tpu.memory_space<hbm>>
          %dma_wait3A_84 = tpu.memref_slice %arg3[%add3A_80] : memref<323584xi32, #tpu.memory_space<hbm>> -> memref<128xi32, #tpu.memory_space<hbm>>
          tpu.wait_dma2 semaphore(%run_scoped3A : memref<!tpu.dma_semaphore, #tpu.memory_space<semaphore_mem>>) src(%dma_wait3A_84 : memref<128xi32, #tpu.memory_space<hbm>>) dst(%arg8 : memref<128xi32, #tpu.memory_space<vmem>>)
          tpu.yield
        }) : () -> ()
        "tpu.region"() ({
          %run_scoped3A = tpu.sem_alloc : memref<!tpu.dma_semaphore, #tpu.memory_space<semaphore_mem>>
          %dma_start3A_81 = tpu.memref_slice %arg4[%add3A_80] : memref<323584xi32, #tpu.memory_space<hbm>> -> memref<128xi32, #tpu.memory_space<hbm>>
          %dma_start3A_82 = tpu.memref_slice %arg4[%add3A_80] : memref<323584xi32, #tpu.memory_space<hbm>> -> memref<128xi32, #tpu.memory_space<hbm>>
          tpu.enqueue_dma source(%dma_start3A_82 : memref<128xi32, #tpu.memory_space<hbm>>) target(%arg10 : memref<128xi32, #tpu.memory_space<vmem>>) target_semaphore(%run_scoped3A : memref<!tpu.dma_semaphore, #tpu.memory_space<semaphore_mem>>)
          %dma_wait3A_83 = tpu.memref_slice %arg4[%add3A_80] : memref<323584xi32, #tpu.memory_space<hbm>> -> memref<128xi32, #tpu.memory_space<hbm>>
          %dma_wait3A_84 = tpu.memref_slice %arg4[%add3A_80] : memref<323584xi32, #tpu.memory_space<hbm>> -> memref<128xi32, #tpu.memory_space<hbm>>
          tpu.wait_dma2 semaphore(%run_scoped3A : memref<!tpu.dma_semaphore, #tpu.memory_space<semaphore_mem>>) src(%dma_wait3A_84 : memref<128xi32, #tpu.memory_space<hbm>>) dst(%arg10 : memref<128xi32, #tpu.memory_space<vmem>>)
          tpu.yield
        }) : () -> ()
      } else {
      }
      %dma_wait3A_70 = arith.constant 0 : i32
      %dma_wait3A_71 = arith.constant 0 : i32
      %dma_wait3A_72 = tpu.memref_slice %arg2[%dma_wait3A_70, %dma_wait3A_71] : memref<10000x128xf32, #tpu.memory_space<hbm>> -> memref<10000x128xf32, #tpu.memory_space<hbm>>
      tpu.wait_indirect_dma semaphore(%arg15 : memref<!tpu.dma_semaphore, #tpu.memory_space<semaphore_mem>>) src(%dma_wait3A_72 : memref<10000x128xf32, #tpu.memory_space<hbm>>) dst(%arg13 : memref<128x128xf32, #tpu.memory_space<vmem>>)
      %convert_element_type3A_73 = arith.extui %lt3A_66 : i1 to i32
      %cond3A_74 = arith.constant 0 : i32
      %cond3A_75 = arith.cmpi ne, %convert_element_type3A_73, %cond3A_74 : i32
      scf.if %cond3A_75 {
        %dma_start3A_76 = arith.constant 0 : i32
        %dma_start3A_77 = arith.constant 0 : i32
        %dma_start3A_78 = tpu.memref_slice %arg2[%dma_start3A_76, %dma_start3A_77] : memref<10000x128xf32, #tpu.memory_space<hbm>> -> memref<10000x128xf32, #tpu.memory_space<hbm>>
        tpu.enqueue_indirect_dma source(%dma_start3A_78 : memref<10000x128xf32, #tpu.memory_space<hbm>>) target(%arg12 : memref<128x128xf32, #tpu.memory_space<vmem>>) offsets(%arg8 : memref<128xi32, #tpu.memory_space<vmem>>) semaphore(%arg14 : memref<!tpu.dma_semaphore, #tpu.memory_space<semaphore_mem>>)
      } else {
      }
      "tpu.region"() ({
        %run_scoped3A = tpu.sem_alloc : memref<!tpu.dma_semaphore, #tpu.memory_space<semaphore_mem>>
        %dma_start3A_76 = arith.constant 0 : i32
        %dma_start3A_77 = arith.constant 0 : i32
        %dma_start3A_78 = tpu.memref_slice %arg7[%dma_start3A_76, %dma_start3A_77] : memref<10112x128xf32, #tpu.memory_space<vmem_shared>> -> memref<10112x128xf32, #tpu.memory_space<vmem_shared>>
        tpu.enqueue_indirect_dma source(%arg13 : memref<128x128xf32, #tpu.memory_space<vmem>>) target(%dma_start3A_78 : memref<10112x128xf32, #tpu.memory_space<vmem_shared>>) offsets(%arg11 : memref<128xi32, #tpu.memory_space<vmem>>) semaphore(%run_scoped3A : memref<!tpu.dma_semaphore, #tpu.memory_space<semaphore_mem>>) {add = true}
        %dma_wait3A_79 = arith.constant 0 : i32
        %dma_wait3A_80 = arith.constant 0 : i32
        %dma_wait3A_81 = tpu.memref_slice %arg7[%dma_wait3A_79, %dma_wait3A_80] : memref<10112x128xf32, #tpu.memory_space<vmem_shared>> -> memref<10112x128xf32, #tpu.memory_space<vmem_shared>>
        tpu.wait_indirect_dma semaphore(%run_scoped3A : memref<!tpu.dma_semaphore, #tpu.memory_space<semaphore_mem>>) src(%arg13 : memref<128x128xf32, #tpu.memory_space<vmem>>) dst(%dma_wait3A_81 : memref<10112x128xf32, #tpu.memory_space<vmem_shared>>)
        tpu.yield
      }) : () -> ()
    }
    %barrier3A_42 = arith.constant 0 : index
    tpu.barrier barrier_id(%barrier3A_42)
    %mul3A_43 = arith.constant 632 : i32
    %mul3A_44 = arith.muli %arg1, %mul3A_43 : i32
    %mul3A_45 = arith.constant 632 : i32
    %mul3A_46 = arith.muli %arg1, %mul3A_45 : i32
    "tpu.region"() ({
      %run_scoped3A = tpu.sem_alloc : memref<!tpu.dma_semaphore, #tpu.memory_space<semaphore_mem>>
      %dma_start3A_47 = arith.constant 0 : i32
      %dma_start3A_48 = arith.constant 0 : i32
      %dma_start3A_49 = tpu.memref_slice %arg6[%arg0, %dma_start3A_47, %dma_start3A_48] : memref<2x10112x128xf32, #tpu.memory_space<hbm>> -> memref<1x10112x128xf32, #tpu.memory_space<hbm>>
      %dma_start3A_50 = tpu.memref_squeeze %dma_start3A_49 : memref<1x10112x128xf32, #tpu.memory_space<hbm>> -> memref<10112x128xf32, #tpu.memory_space<hbm>>
      %dma_start3A_51 = arith.constant 0 : i32
      %dma_start3A_52 = tpu.memref_slice %dma_start3A_50[%mul3A_46, %dma_start3A_51] : memref<10112x128xf32, #tpu.memory_space<hbm>> -> memref<632x128xf32, #tpu.memory_space<hbm>>
      %dma_start3A_53 = arith.constant 0 : i32
      %dma_start3A_54 = tpu.memref_slice %arg7[%mul3A_44, %dma_start3A_53] : memref<10112x128xf32, #tpu.memory_space<vmem_shared>> -> memref<632x128xf32, #tpu.memory_space<vmem_shared>>
      tpu.enqueue_dma source(%dma_start3A_54 : memref<632x128xf32, #tpu.memory_space<vmem_shared>>) target(%dma_start3A_52 : memref<632x128xf32, #tpu.memory_space<hbm>>) target_semaphore(%run_scoped3A : memref<!tpu.dma_semaphore, #tpu.memory_space<semaphore_mem>>)
      %dma_wait3A = arith.constant 0 : i32
      %dma_wait3A_55 = arith.constant 0 : i32
      %dma_wait3A_56 = tpu.memref_slice %arg6[%arg0, %dma_wait3A, %dma_wait3A_55] : memref<2x10112x128xf32, #tpu.memory_space<hbm>> -> memref<1x10112x128xf32, #tpu.memory_space<hbm>>
      %dma_wait3A_57 = tpu.memref_squeeze %dma_wait3A_56 : memref<1x10112x128xf32, #tpu.memory_space<hbm>> -> memref<10112x128xf32, #tpu.memory_space<hbm>>
      %dma_wait3A_58 = arith.constant 0 : i32
      %dma_wait3A_59 = tpu.memref_slice %dma_wait3A_57[%mul3A_46, %dma_wait3A_58] : memref<10112x128xf32, #tpu.memory_space<hbm>> -> memref<632x128xf32, #tpu.memory_space<hbm>>
      %dma_wait3A_60 = arith.constant 0 : i32
      %dma_wait3A_61 = tpu.memref_slice %arg7[%mul3A_44, %dma_wait3A_60] : memref<10112x128xf32, #tpu.memory_space<vmem_shared>> -> memref<632x128xf32, #tpu.memory_space<vmem_shared>>
      tpu.wait_dma2 semaphore(%run_scoped3A : memref<!tpu.dma_semaphore, #tpu.memory_space<semaphore_mem>>) src(%dma_wait3A_61 : memref<632x128xf32, #tpu.memory_space<vmem_shared>>) dst(%dma_wait3A_59 : memref<632x128xf32, #tpu.memory_space<hbm>>)
      tpu.yield
    }) : () -> ()
    return
  }
}

module attributes {stable_mosaic.version = 14 : i64} {
  func.func @body(%arg0: memref<2x10112x128xf32, #tpu.memory_space<vmem>>, %arg1: memref<10000x128xf32, #tpu.memory_space<vmem>>, %arg2: memref<128x128xf32, #tpu.memory_space<vmem>>, %arg3: memref<10000x1xf32, #tpu.memory_space<vmem>>, %arg4: memref<10000x128xf32, #tpu.memory_space<vmem>>) attributes {dimension_semantics = [], scalar_prefetch = 0 : i64, scratch_operands = 0 : i64, tpu.core_type = #tpu.core_type<tc>} {
    %get3A = arith.constant 0 : index
    %get3A_0 = arith.constant 0 : index
    %get3A_1 = arith.constant 0 : index
    %get3A_2 = vector.load %arg0[%get3A, %get3A_0, %get3A_1] : memref<2x10112x128xf32, #tpu.memory_space<vmem>>, vector<1x10000x1xf32>
    %get3A_3 = vector.shape_cast %get3A_2 : vector<1x10000x1xf32> to vector<10000x1xf32>
    %get3A_4 = arith.constant 1 : index
    %get3A_5 = arith.constant 0 : index
    %get3A_6 = arith.constant 0 : index
    %get3A_7 = vector.load %arg0[%get3A_4, %get3A_5, %get3A_6] : memref<2x10112x128xf32, #tpu.memory_space<vmem>>, vector<1x10000x1xf32>
    %get3A_8 = vector.shape_cast %get3A_7 : vector<1x10000x1xf32> to vector<10000x1xf32>
    %add3A = arith.addf %get3A_3, %get3A_8 : vector<10000x1xf32>
    %add3A_9 = arith.constant 1.000000e+00 : f32
    %add3A_10 = vector.broadcast %add3A_9 : f32 to vector<10000x1xf32>
    %add3A_11 = arith.addf %add3A, %add3A_10 : vector<10000x1xf32>
    %rsqrt3A = math.rsqrt %add3A_11 : vector<10000x1xf32>
    %swap3A = arith.constant 0 : index
    %swap3A_12 = arith.constant 0 : index
    %swap3A_13 = vector.load %arg3[%swap3A, %swap3A_12] : memref<10000x1xf32, #tpu.memory_space<vmem>>, vector<10000x1xf32>
    tpu.vector_store %arg3[%swap3A, %swap3A_12], %rsqrt3A {strides = array<i32>} : memref<10000x1xf32, #tpu.memory_space<vmem>>, vector<10000x1xf32>,
    %get3A_14 = arith.constant 0 : index
    %get3A_15 = arith.constant 0 : index
    %get3A_16 = vector.load %arg1[%get3A_14, %get3A_15] : memref<10000x128xf32, #tpu.memory_space<vmem>>, vector<10000x128xf32>
    %get3A_17 = arith.constant 0 : index
    %get3A_18 = arith.constant 0 : index
    %get3A_19 = vector.load %arg2[%get3A_17, %get3A_18] : memref<128x128xf32, #tpu.memory_space<vmem>>, vector<128x128xf32>
    %dot_general3A = arith.constant dense<0.000000e+00> : vector<10000x128xf32>
    %dot_general3A_20 = tpu.matmul %get3A_16, %get3A_19, %dot_general3A {dimension_numbers = #tpu.dot_dimension_numbers<[1], [0], [0], [1], [0, 0, 1, 1], [], []>, transpose_lhs_hint = false} : vector<10000x128xf32>, vector<128x128xf32>, vector<10000x128xf32> -> vector<10000x128xf32>
    %mul3A = vector.broadcast %rsqrt3A : vector<10000x1xf32> to vector<10000x128xf32>
    %mul3A_21 = arith.mulf %dot_general3A_20, %mul3A : vector<10000x128xf32>
    %swap3A_22 = arith.constant 0 : index
    %swap3A_23 = arith.constant 0 : index
    %swap3A_24 = vector.load %arg4[%swap3A_22, %swap3A_23] : memref<10000x128xf32, #tpu.memory_space<vmem>>, vector<10000x128xf32>
    tpu.vector_store %arg4[%swap3A_22, %swap3A_23], %mul3A_21 {strides = array<i32>} : memref<10000x128xf32, #tpu.memory_space<vmem>>, vector<10000x128xf32>,
    return
  }
}

module attributes {stable_mosaic.version = 14 : i64} {
  func.func @body(%arg0: memref<2x10112x128xf32, #tpu.memory_space<vmem>>, %arg1: memref<10000x128xf32, #tpu.memory_space<vmem>>, %arg2: memref<10000x1xf32, #tpu.memory_space<vmem>>, %arg3: memref<1x128xf32, #tpu.memory_space<vmem>>, %arg4: memref<1x128xf32, #tpu.memory_space<vmem>>, %arg5: memref<1x128xf32, #tpu.memory_space<vmem>>, %arg6: memref<128x128xf32, #tpu.memory_space<vmem>>, %arg7: memref<10000x128xf32, #tpu.memory_space<vmem>>) attributes {dimension_semantics = [], scalar_prefetch = 0 : i64, scratch_operands = 0 : i64, tpu.core_type = #tpu.core_type<tc>} {
    %get3A = arith.constant 0 : index
    %get3A_0 = arith.constant 0 : index
    %get3A_1 = arith.constant 0 : index
    %get3A_2 = vector.load %arg0[%get3A, %get3A_0, %get3A_1] : memref<2x10112x128xf32, #tpu.memory_space<vmem>>, vector<1x10000x128xf32>
    %get3A_3 = vector.shape_cast %get3A_2 : vector<1x10000x128xf32> to vector<10000x128xf32>
    %get3A_4 = arith.constant 1 : index
    %get3A_5 = arith.constant 0 : index
    %get3A_6 = arith.constant 0 : index
    %get3A_7 = vector.load %arg0[%get3A_4, %get3A_5, %get3A_6] : memref<2x10112x128xf32, #tpu.memory_space<vmem>>, vector<1x10000x128xf32>
    %get3A_8 = vector.shape_cast %get3A_7 : vector<1x10000x128xf32> to vector<10000x128xf32>
    %add3A = arith.addf %get3A_3, %get3A_8 : vector<10000x128xf32>
    %get3A_9 = arith.constant 0 : index
    %get3A_10 = arith.constant 0 : index
    %get3A_11 = vector.load %arg1[%get3A_9, %get3A_10] : memref<10000x128xf32, #tpu.memory_space<vmem>>, vector<10000x128xf32>
    %add3A_12 = arith.addf %add3A, %get3A_11 : vector<10000x128xf32>
    %get3A_13 = arith.constant 0 : index
    %get3A_14 = arith.constant 0 : index
    %get3A_15 = vector.load %arg2[%get3A_13, %get3A_14] : memref<10000x1xf32, #tpu.memory_space<vmem>>, vector<10000x1xf32>
    %mul3A = vector.broadcast %get3A_15 : vector<10000x1xf32> to vector<10000x128xf32>
    %mul3A_16 = arith.mulf %add3A_12, %mul3A : vector<10000x128xf32>
    %get3A_17 = arith.constant 0 : index
    %get3A_18 = arith.constant 0 : index
    %get3A_19 = vector.load %arg3[%get3A_17, %get3A_18] : memref<1x128xf32, #tpu.memory_space<vmem>>, vector<1x128xf32>
    %add3A_20 = vector.broadcast %get3A_19 : vector<1x128xf32> to vector<10000x128xf32>
    %add3A_21 = arith.addf %mul3A_16, %add3A_20 : vector<10000x128xf32>
    %reduce_sum3A = arith.constant dense<0.000000e+00> : vector<128xf32>
    %reduce_sum3A_22 = vector.multi_reduction <add>, %add3A_21, %reduce_sum3A [0] : vector<10000x128xf32> to vector<128xf32>
    %broadcast_in_dim3A = vector.shape_cast %reduce_sum3A_22 : vector<128xf32> to vector<1x128xf32>
    %div3A = arith.constant 1.000000e+04 : f32
    %div3A_23 = vector.broadcast %div3A : f32 to vector<1x128xf32>
    %div3A_24 = arith.divf %broadcast_in_dim3A, %div3A_23 : vector<1x128xf32>
    %sub3A = vector.broadcast %div3A_24 : vector<1x128xf32> to vector<10000x128xf32>
    %sub3A_25 = arith.subf %add3A_21, %sub3A : vector<10000x128xf32>
    %mul3A_26 = arith.mulf %sub3A_25, %sub3A_25 : vector<10000x128xf32>
    %reduce_sum3A_27 = arith.constant dense<0.000000e+00> : vector<128xf32>
    %reduce_sum3A_28 = vector.multi_reduction <add>, %mul3A_26, %reduce_sum3A_27 [0] : vector<10000x128xf32> to vector<128xf32>
    %broadcast_in_dim3A_29 = vector.shape_cast %reduce_sum3A_28 : vector<128xf32> to vector<1x128xf32>
    %div3A_30 = arith.constant 1.000000e+04 : f32
    %div3A_31 = vector.broadcast %div3A_30 : f32 to vector<1x128xf32>
    %div3A_32 = arith.divf %broadcast_in_dim3A_29, %div3A_31 : vector<1x128xf32>
    %get3A_33 = arith.constant 0 : index
    %get3A_34 = arith.constant 0 : index
    %get3A_35 = vector.load %arg4[%get3A_33, %get3A_34] : memref<1x128xf32, #tpu.memory_space<vmem>>, vector<1x128xf32>
    %mul3A_36 = vector.broadcast %get3A_35 : vector<1x128xf32> to vector<10000x128xf32>
    %mul3A_37 = arith.mulf %mul3A_36, %sub3A_25 : vector<10000x128xf32>
    %add3A_38 = arith.constant 9.99999974E-6 : f32
    %add3A_39 = vector.broadcast %add3A_38 : f32 to vector<1x128xf32>
    %add3A_40 = arith.addf %div3A_32, %add3A_39 : vector<1x128xf32>
    %rsqrt3A = math.rsqrt %add3A_40 : vector<1x128xf32>
    %mul3A_41 = vector.broadcast %rsqrt3A : vector<1x128xf32> to vector<10000x128xf32>
    %mul3A_42 = arith.mulf %mul3A_37, %mul3A_41 : vector<10000x128xf32>
    %get3A_43 = arith.constant 0 : index
    %get3A_44 = arith.constant 0 : index
    %get3A_45 = vector.load %arg5[%get3A_43, %get3A_44] : memref<1x128xf32, #tpu.memory_space<vmem>>, vector<1x128xf32>
    %add3A_46 = vector.broadcast %get3A_45 : vector<1x128xf32> to vector<10000x128xf32>
    %add3A_47 = arith.addf %mul3A_42, %add3A_46 : vector<10000x128xf32>
    %max3A = arith.constant 0.000000e+00 : f32
    %max3A_48 = vector.broadcast %max3A : f32 to vector<10000x128xf32>
    %max3A_49 = arith.maximumf %add3A_47, %max3A_48 : vector<10000x128xf32>
    %get3A_50 = arith.constant 0 : index
    %get3A_51 = arith.constant 0 : index
    %get3A_52 = vector.load %arg6[%get3A_50, %get3A_51] : memref<128x128xf32, #tpu.memory_space<vmem>>, vector<128x128xf32>
    %dot_general3A = arith.constant dense<0.000000e+00> : vector<10000x128xf32>
    %dot_general3A_53 = tpu.matmul %max3A_49, %get3A_52, %dot_general3A {dimension_numbers = #tpu.dot_dimension_numbers<[1], [0], [0], [1], [0, 0, 1, 1], [], []>, transpose_lhs_hint = false} : vector<10000x128xf32>, vector<128x128xf32>, vector<10000x128xf32> -> vector<10000x128xf32>
    %get3A_54 = arith.constant 0 : index
    %get3A_55 = arith.constant 0 : index
    %get3A_56 = vector.load %arg2[%get3A_54, %get3A_55] : memref<10000x1xf32, #tpu.memory_space<vmem>>, vector<10000x1xf32>
    %mul3A_57 = vector.broadcast %get3A_56 : vector<10000x1xf32> to vector<10000x128xf32>
    %mul3A_58 = arith.mulf %dot_general3A_53, %mul3A_57 : vector<10000x128xf32>
    %swap3A = arith.constant 0 : index
    %swap3A_59 = arith.constant 0 : index
    %swap3A_60 = vector.load %arg7[%swap3A, %swap3A_59] : memref<10000x128xf32, #tpu.memory_space<vmem>>, vector<10000x128xf32>
    tpu.vector_store %arg7[%swap3A, %swap3A_59], %mul3A_58 {strides = array<i32>} : memref<10000x128xf32, #tpu.memory_space<vmem>>, vector<10000x128xf32>,
    return
  }
}

module attributes {stable_mosaic.version = 14 : i64} {
  func.func @body(%arg0: memref<2x10112x128xf32, #tpu.memory_space<vmem>>, %arg1: memref<10000x128xf32, #tpu.memory_space<vmem>>, %arg2: memref<10000x1xf32, #tpu.memory_space<vmem>>, %arg3: memref<1x128xf32, #tpu.memory_space<vmem>>, %arg4: memref<1x128xf32, #tpu.memory_space<vmem>>, %arg5: memref<1x128xf32, #tpu.memory_space<vmem>>, %arg6: memref<128x16xf32, #tpu.memory_space<vmem>>, %arg7: memref<1x16xf32, #tpu.memory_space<vmem>>, %arg8: memref<10000x16xf32, #tpu.memory_space<vmem>>) attributes {dimension_semantics = [], scalar_prefetch = 0 : i64, scratch_operands = 0 : i64, tpu.core_type = #tpu.core_type<tc>} {
    %get3A = arith.constant 0 : index
    %get3A_0 = arith.constant 0 : index
    %get3A_1 = arith.constant 0 : index
    %get3A_2 = vector.load %arg0[%get3A, %get3A_0, %get3A_1] : memref<2x10112x128xf32, #tpu.memory_space<vmem>>, vector<1x10000x128xf32>
    %get3A_3 = vector.shape_cast %get3A_2 : vector<1x10000x128xf32> to vector<10000x128xf32>
    %get3A_4 = arith.constant 1 : index
    %get3A_5 = arith.constant 0 : index
    %get3A_6 = arith.constant 0 : index
    %get3A_7 = vector.load %arg0[%get3A_4, %get3A_5, %get3A_6] : memref<2x10112x128xf32, #tpu.memory_space<vmem>>, vector<1x10000x128xf32>
    %get3A_8 = vector.shape_cast %get3A_7 : vector<1x10000x128xf32> to vector<10000x128xf32>
    %add3A = arith.addf %get3A_3, %get3A_8 : vector<10000x128xf32>
    %get3A_9 = arith.constant 0 : index
    %get3A_10 = arith.constant 0 : index
    %get3A_11 = vector.load %arg1[%get3A_9, %get3A_10] : memref<10000x128xf32, #tpu.memory_space<vmem>>, vector<10000x128xf32>
    %add3A_12 = arith.addf %add3A, %get3A_11 : vector<10000x128xf32>
    %get3A_13 = arith.constant 0 : index
    %get3A_14 = arith.constant 0 : index
    %get3A_15 = vector.load %arg2[%get3A_13, %get3A_14] : memref<10000x1xf32, #tpu.memory_space<vmem>>, vector<10000x1xf32>
    %mul3A = vector.broadcast %get3A_15 : vector<10000x1xf32> to vector<10000x128xf32>
    %mul3A_16 = arith.mulf %add3A_12, %mul3A : vector<10000x128xf32>
    %get3A_17 = arith.constant 0 : index
    %get3A_18 = arith.constant 0 : index
    %get3A_19 = vector.load %arg3[%get3A_17, %get3A_18] : memref<1x128xf32, #tpu.memory_space<vmem>>, vector<1x128xf32>
    %add3A_20 = vector.broadcast %get3A_19 : vector<1x128xf32> to vector<10000x128xf32>
    %add3A_21 = arith.addf %mul3A_16, %add3A_20 : vector<10000x128xf32>
    %reduce_sum3A = arith.constant dense<0.000000e+00> : vector<128xf32>
    %reduce_sum3A_22 = vector.multi_reduction <add>, %add3A_21, %reduce_sum3A [0] : vector<10000x128xf32> to vector<128xf32>
    %broadcast_in_dim3A = vector.shape_cast %reduce_sum3A_22 : vector<128xf32> to vector<1x128xf32>
    %div3A = arith.constant 1.000000e+04 : f32
    %div3A_23 = vector.broadcast %div3A : f32 to vector<1x128xf32>
    %div3A_24 = arith.divf %broadcast_in_dim3A, %div3A_23 : vector<1x128xf32>
    %sub3A = vector.broadcast %div3A_24 : vector<1x128xf32> to vector<10000x128xf32>
    %sub3A_25 = arith.subf %add3A_21, %sub3A : vector<10000x128xf32>
    %mul3A_26 = arith.mulf %sub3A_25, %sub3A_25 : vector<10000x128xf32>
    %reduce_sum3A_27 = arith.constant dense<0.000000e+00> : vector<128xf32>
    %reduce_sum3A_28 = vector.multi_reduction <add>, %mul3A_26, %reduce_sum3A_27 [0] : vector<10000x128xf32> to vector<128xf32>
    %broadcast_in_dim3A_29 = vector.shape_cast %reduce_sum3A_28 : vector<128xf32> to vector<1x128xf32>
    %div3A_30 = arith.constant 1.000000e+04 : f32
    %div3A_31 = vector.broadcast %div3A_30 : f32 to vector<1x128xf32>
    %div3A_32 = arith.divf %broadcast_in_dim3A_29, %div3A_31 : vector<1x128xf32>
    %get3A_33 = arith.constant 0 : index
    %get3A_34 = arith.constant 0 : index
    %get3A_35 = vector.load %arg4[%get3A_33, %get3A_34] : memref<1x128xf32, #tpu.memory_space<vmem>>, vector<1x128xf32>
    %mul3A_36 = vector.broadcast %get3A_35 : vector<1x128xf32> to vector<10000x128xf32>
    %mul3A_37 = arith.mulf %mul3A_36, %sub3A_25 : vector<10000x128xf32>
    %add3A_38 = arith.constant 9.99999974E-6 : f32
    %add3A_39 = vector.broadcast %add3A_38 : f32 to vector<1x128xf32>
    %add3A_40 = arith.addf %div3A_32, %add3A_39 : vector<1x128xf32>
    %rsqrt3A = math.rsqrt %add3A_40 : vector<1x128xf32>
    %mul3A_41 = vector.broadcast %rsqrt3A : vector<1x128xf32> to vector<10000x128xf32>
    %mul3A_42 = arith.mulf %mul3A_37, %mul3A_41 : vector<10000x128xf32>
    %get3A_43 = arith.constant 0 : index
    %get3A_44 = arith.constant 0 : index
    %get3A_45 = vector.load %arg5[%get3A_43, %get3A_44] : memref<1x128xf32, #tpu.memory_space<vmem>>, vector<1x128xf32>
    %add3A_46 = vector.broadcast %get3A_45 : vector<1x128xf32> to vector<10000x128xf32>
    %add3A_47 = arith.addf %mul3A_42, %add3A_46 : vector<10000x128xf32>
    %max3A = arith.constant 0.000000e+00 : f32
    %max3A_48 = vector.broadcast %max3A : f32 to vector<10000x128xf32>
    %max3A_49 = arith.maximumf %add3A_47, %max3A_48 : vector<10000x128xf32>
    %get3A_50 = arith.constant 0 : index
    %get3A_51 = arith.constant 0 : index
    %get3A_52 = vector.load %arg6[%get3A_50, %get3A_51] : memref<128x16xf32, #tpu.memory_space<vmem>>, vector<128x16xf32>
    %dot_general3A = arith.constant dense<0.000000e+00> : vector<10000x16xf32>
    %dot_general3A_53 = tpu.matmul %max3A_49, %get3A_52, %dot_general3A {dimension_numbers = #tpu.dot_dimension_numbers<[1], [0], [0], [1], [0, 0, 1, 1], [], []>, transpose_lhs_hint = false} : vector<10000x128xf32>, vector<128x16xf32>, vector<10000x16xf32> -> vector<10000x16xf32>
    %get3A_54 = arith.constant 0 : index
    %get3A_55 = arith.constant 0 : index
    %get3A_56 = vector.load %arg7[%get3A_54, %get3A_55] : memref<1x16xf32, #tpu.memory_space<vmem>>, vector<1x16xf32>
    %add3A_57 = vector.broadcast %get3A_56 : vector<1x16xf32> to vector<10000x16xf32>
    %add3A_58 = arith.addf %dot_general3A_53, %add3A_57 : vector<10000x16xf32>
    %swap3A = arith.constant 0 : index
    %swap3A_59 = arith.constant 0 : index
    %swap3A_60 = vector.load %arg8[%swap3A, %swap3A_59] : memref<10000x16xf32, #tpu.memory_space<vmem>>, vector<10000x16xf32>
    tpu.vector_store %arg8[%swap3A, %swap3A_59], %add3A_58 {strides = array<i32>} : memref<10000x16xf32, #tpu.memory_space<vmem>>, vector<10000x16xf32>,
    return
  }
}

</mosaic_0001>

<sc_bundles>
// kernel: kernel.10.cloned.1.call-start
scs
__scs_entry_jumppad:
0x0: {  	(pc) =	sbr.rel $0x88, $3  }
0x1: {  	(tag) =	ssettag $0x0;
	lr =	simm.s32 $0x1  }
0x2: {  	[smem:$0x3F91] =	sst lr;
	_ =	strace $0xD0000000  }
0x3: {  	_ = 	snop  }
0x4: {  	_ = 	snop  }
0x5: {  	_ = 	snop  }
0x6: {  	_ = 	snop  }
0x7: {  	_ = 	snop  }
__scs_overlays_trampoline_lowered:
0x8: {  	[smem:$0x3FA0] =	sst s0  }
0x9: {  	[smem:$0x3FA1] =	sst s1  }
0xa: {  	[smem:$0x3FA2] =	sst s2  }
0xb: {  	[smem:$0x3FA3] =	sst s3  }
0xc: {  	[smem:$0x3FA4] =	sst s4  }
0xd: {  	[smem:$0x3FA5] =	sst s5  }
0xe: {  	[smem:$0x3FA6] =	sst s6  }
0xf: {  	[smem:$0x3FA7] =	sst s7  }
0x10: {  	[smem:$0x3FA8] =	sst s8  }
0x11: {  	[smem:$0x3FA9] =	sst s9;
	s0 =	simm.s32 @!p0 $0x0  }
0x12: {  	s1 =	sld [smem:$0x3F8F];
	s0 =	simm.s32 @p0 $0x1  }
0x13: {  	[smem:$0x3FAA] =	sst s0;
	s0 =	simm.s32 @!p1 $0x0  }
0x14: {  	s2 =	sld [smem:$0x3F8E];
	s0 =	simm.s32 @p1 $0x1  }
0x15: {  	[smem:$0x3FAB] =	sst s0;
	s0 =	simm.s32 @!p2 $0x0  }
0x16: {  	s3 =	sld [smem:$0x3FDB];
	s0 =	simm.s32 @p2 $0x1  }
0x17: {  	s4 =	simm.s32 $0x1BF5;
	[smem:$0x3FAD] =	sst s0  }
0x18: {  	s0 =	sld [smem:$0x3F90];
	_ =	swait.ge [sflag:s4], $0x0  }
0x19: {  	s7 =	sld [smem:$0x3F91]  }
0x1a: {  	s8 =	sadd.s32 $0xFFFFE003, lr  }
0x1b: {  	s9 =	sadd.s32 $0xFFFFFEF7, lr;
	s5 =	simm.s32 $0xFFFFFFFF;
	p2 =	slt.u32 s8, $0xFFFFF086  }
0x1c: {  	p1 =	slt.u32 s9, $0xF7A;
	s5 =	simm.s32 @!p2 $0x0  }
0x1d: {  	s5 =	simm.s32 @p1 $0x1;
	p0 =	seq.s32 s7, s2  }
0x1e: {  	s7 =	smul.u32 @!p0 $0xF7A, s2;
	p2 =	seq.s32 @!p0 s5, $0x0  }
0x1f: {  	s9 =	smul.u32 $0xF7A, s1;
	s8 =	simm.s32 @!p0 $0x1BF5;
	p2 =	por !p2, p0  }
0x20: {  	[sflag:s8] =	ssyncset.s32 @!p0 $0xFFFFF086;
	s6 =	sadd.s32 @!p0 s3, s7;
	s7 =	simm.s32 @!p0 $0x108  }
0x21: {  	s3 =	sadd.s32 s3, s9;
	s6 =	sadd.s32 @!p0 $0x88, s6;
	s7 =	simm.s32 @p2 $0x1082  }
0x22: {  	[simem:s7], [sflag:s8] =	dma.local @!p0 [hbm:s6], $0xF7A  }
0x23: {  	s9 =	sor.u32 $0xD0000000, s2;
	s6 =	simm.s32 $0x108;
	_ =	swait.ge @!p0 [sflag:s8], $0x0  }
0x24: {  	s3 =	sadd.s32 $0x88, s3;
	s6 =	simm.s32 @!p1 $0x1082;
	[sflag:s4] =	ssyncset.s32 $0xFFFFF086  }
0x25: {  	[simem:s6], [sflag:s4] =	dma.local [hbm:s3], $0xF7A  }
0x26: {  	[smem:$0x3F91] =	sst s1;
	(tag) =	ssettag s2;
	_ =	strace s9  }
0x27: {  	s1 =	sld [smem:$0x3FA1]  }
0x28: {  	s2 =	sld [smem:$0x3FA2]  }
0x29: {  	s4 =	sld [smem:$0x3FA4]  }
0x2a: {  	p0 =	seq.s32 s5, $0x0;
	s5 =	sld [smem:$0x3FA5]  }
0x2b: {  	s6 =	sld [smem:$0x3FA6]  }
0x2c: {  	s7 =	sld [smem:$0x3FA7]  }
0x2d: {  	s3 =	simm.s32 $0x108;
	s8 =	sld [smem:$0x3FA8]  }
0x2e: {  	s3 =	simm.s32 @!p0 $0x1082;
	s9 =	sld [smem:$0x3FA9]  }
0x2f: {  	lr =	sadd.s32 s0, s3;
	s0 =	sld [smem:$0x3FA0]  }
0x30: {  	s3 =	sld [smem:$0x3FA3]  }
0x31: {  	[smem:$0x3FAC] =	sst s10  }
0x32: {  	s10 =	sld [smem:$0x3FAA];
	_ =	sdelay $0x3  }
0x33: {  	p0 =	seq.s32 s10, $0x1;
	s10 =	sld [smem:$0x3FAC];
	_ =	sdelay $0x3  }
0x34: {  	[smem:$0x3FAC] =	sst s10  }
0x35: {  	s10 =	sld [smem:$0x3FAB];
	_ =	sdelay $0x3  }
0x36: {  	p1 =	seq.s32 s10, $0x1;
	s10 =	sld [smem:$0x3FAC];
	_ =	sdelay $0x3  }
0x37: {  	[smem:$0x3FAC] =	sst s10  }
0x38: {  	s10 =	sld [smem:$0x3FAD]  }
0x39: {  	_ = 	snop;
	(pc) =	sbr.ind lr, $3  }
0x3a: {  	_ = 	snop  }
0x3b: {  	_ = 	snop  }
0x3c: {  	p2 =	seq.s32 s10, $0x1;
	s10 =	sld [smem:$0x3FAC]  }
0x3d: {  	_ =	shalt  }
0x3e: {  	_ =	shalt  }
0x3f: {  	_ =	shalt  }
0x40: {  	_ =	shalt  }
0x41: {  	_ =	shalt  }
0x42: {  	_ =	shalt  }
0x43: {  	_ =	shalt  }
0x44: {  	_ =	shalt  }
0x45: {  	_ =	shalt  }
0x46: {  	_ =	shalt  }
0x47: {  	_ =	shalt  }
0x48: {  	_ =	shalt  }
0x49: {  	_ =	shalt  }
0x4a: {  	_ =	shalt  }
0x4b: {  	_ =	shalt  }
0x4c: {  	_ =	shalt  }
0x4d: {  	_ =	shalt  }
0x4e: {  	_ =	shalt  }
0x4f: {  	_ =	shalt  }
0x50: {  	_ =	shalt  }
0x51: {  	_ =	shalt  }
0x52: {  	_ =	shalt  }
0x53: {  	_ =	shalt  }
0x54: {  	_ =	shalt  }
0x55: {  	_ =	shalt  }
0x56: {  	_ =	shalt  }
0x57: {  	_ =	shalt  }
0x58: {  	_ =	shalt  }
0x59: {  	_ =	shalt  }
0x5a: {  	_ =	shalt  }
0x5b: {  	_ =	shalt  }
0x5c: {  	_ =	shalt  }
0x5d: {  	_ =	shalt  }
0x5e: {  	_ =	shalt  }
0x5f: {  	_ =	shalt  }
0x60: {  	_ =	shalt  }
0x61: {  	_ =	shalt  }
0x62: {  	_ =	shalt  }
0x63: {  	_ =	shalt  }
0x64: {  	_ =	shalt  }
0x65: {  	_ =	shalt  }
0x66: {  	_ =	shalt  }
0x67: {  	_ =	shalt  }
0x68: {  	_ =	shalt  }
0x69: {  	_ =	shalt  }
0x6a: {  	_ =	shalt  }
0x6b: {  	_ =	shalt  }
0x6c: {  	_ =	shalt  }
0x6d: {  	_ =	shalt  }
0x6e: {  	_ =	shalt  }
0x6f: {  	_ =	shalt  }
0x70: {  	_ =	shalt  }
0x71: {  	_ =	shalt  }
0x72: {  	_ =	shalt  }
0x73: {  	_ =	shalt  }
0x74: {  	_ =	shalt  }
0x75: {  	_ =	shalt  }
0x76: {  	_ =	shalt  }
0x77: {  	_ =	shalt  }
0x78: {  	_ =	shalt  }
0x79: {  	_ =	shalt  }
0x7a: {  	_ =	shalt  }
0x7b: {  	_ =	shalt  }
0x7c: {  	_ =	shalt  }
0x7d: {  	_ =	shalt  }
0x7e: {  	_ =	shalt  }
0x7f: {  	_ =	shalt  }
0x80: {  	_ =	shalt  }
0x81: {  	_ =	shalt  }
0x82: {  	_ =	shalt  }
0x83: {  	_ =	shalt  }
0x84: {  	_ =	shalt  }
0x85: {  	_ =	shalt  }
0x86: {  	_ =	shalt  }
0x87: {  	_ =	shalt  }
.Lfunc_end0:
.L_simem_size_0:
called_computation_lowered:
.L_overlay_start_0:
0x88: {  	s2 =	sld [smem:$0x3FD9]  }
0x89: {  	s3 =	sld [smem:$0x3FFE];
	_ =	sdelay $0x1  }
0x8a: {  	s1 =	srdreg.scid  }
0x8b: {  	s0 =	sand.u32 $0x1, s1  }
0x8c: {  	s17 =	sshll.u32 s0, $0xA;
	s2 =	sadd.s32 s3, s2  }
0x8d: {  	s2 =	sadd.s32 s2, s17  }
0x8e: {  	[smem:$0x3FB8] =	sst s2  }
0x8f: {  	_ = 	snop  }
0x90: {  	s2 =	sld [smem:$0x3FD0];
	(tm) =	ssettm $0x1  }
0x91: {  	s18 =	sld [smem:$0x3FFB];
	_ =	sdelay $0x3  }
0x92: {  	_ =	strace s18  }
0x93: {  	s3 =	sld [smem:$0x3FFC];
	_ =	sdelay $0x3  }
0x94: {  	_ =	strace s3  }
0x95: {  	s3 =	sld [smem:$0x3FFD];
	_ =	sdelay $0x3  }
0x96: {  	_ =	strace s3  }
0x97: {  	_ =	strace $0x8FFFFFFF  }
0x98: {  	s19 =	sld [smem:$0x3FDB];
	_ =	sdelay $0x1  }
0x99: {  	s4 =	simm.s32 $_scs_section_size  }
0x9a: {  	s5 =	simm.s32 $_size__tile_overlayer_lowered;
	s6 =	simm.s32 $_tile_overlayer_lowered  }
0x9b: {  	s22 =	simm.s32 $0x1BFF;
	s21 =	sshll.u32 s6, $0x1;
	s3 =	sadd.s32 s4, s19  }
0x9c: {  	s7 =	simm.s32 $0x0;
	s20 =	sshll.u32 s5, $0x1;
	s5 =	sadd.s32 s21, s3  }
0x9d: {  	[timem:s7], [sflag:s22] =	dma.local [hbm:s5], s20  }
0x9e: {  	_ =	swait.ge [sflag:s22], s20  }
0x9f: {  	s4 =	ssub.s32 $0x0, s20;
	[sflag:s22] =	ssyncset.done $0x0  }
0xa0: {  	[sflag:s22] =	ssyncadd.s32 s4;
	_ =	sdelay $0x1  }
0xa1: {  	s23 =	simm.s32 $0x1B8B  }
0xa2: {  	_ =	swait.ge [sflag:s23], $0x1  }
0xa3: {  	[sflag:s23] =	ssyncset.done $0x0  }
0xa4: {  	s25 =	simm.s32 $0x1B8E;
	s24 =	sld [smem:$0x3FFE];
	[sflag:s23] =	ssyncadd.s32 $0xFFFFFFFF  }
0xa5: {  	s26 =	simm.s32 $execute0_lowered;
	[smem:$0x3FD2] =	sst s25  }
0xa6: {  	s5 =	sshll.u32 s26, $0x1;
	_ =	strace $0x80000046;
	[dreg:$0x1] =	wrdreg $0xFFFFFFFF  }
0xa7: {  	s28 =	simm.s32 $_size_execute0_lowered;
	s3 =	sadd.s32 s3, s5;
	[dreg:$0x0] =	wrdreg $0x0  }
0xa8: {  	s5 =	sshll.u32 s28, $0x1;
	[dreg:$0x2] =	wrdreg s3  }
0xa9: {  	[dreg:$0x3] =	wrdreg s5  }
0xaa: {  	[dreg:$0x4] =	wrdreg $0xC0  }
0xab: {  	_ =	task [dreg:s7], $0x5FFFF  }
0xac: {  	[dreg:$0x1] =	wrdreg $0xFFFFFFFF  }
0xad: {  	[dreg:$0x0] =	wrdreg $0x60  }
0xae: {  	[dreg:$0x2] =	wrdreg s24  }
0xaf: {  	[dreg:$0x3] =	wrdreg s2  }
0xb0: {  	[dreg:$0x4] =	wrdreg $0x0  }
0xb1: {  	[dreg:$0x5] =	wrdreg $0x9  }
0xb2: {  	_ =	task.clear_ibuf [dreg:s7], $0x6FFFF;
	_ =	strace $0x90000046  }
0xb3: {  	s29 =	simm.s32 $0x9;
	_ =	strace $0x80000048  }
0xb4: {  	_ =	swait.ge [sflag:s29], $0x1  }
0xb5: {  	[sflag:s29] =	ssyncadd.s32 $0xFFFFFFFF  }
0xb6: {  	_ =	strace $0x90000048  }
0xb7: {  	_ =	sfence  }
0xb8: {  	s30 =	sld [smem:$0x0];
	_ =	sdelay $0x2  }
0xb9: {  	s31 =	sshll.u32 s1, $0xD;
	s1 =	sshrl.u32 s1, $0x2  }
0xba: {  	s3 =	sand.u32 $0x4000, s31;
	s1 =	sadd.s32 s1, s30  }
0xbb: {  	s0 =	sor.u32 s3, s0;
	s1 =	sshll.u32 s1, $0x11  }
0xbc: {  	s0 =	sor.u32 s1, s0  }
0xbd: {  	s0 =	sadd.s32 $0x8F2B, s0  }
0xbe: {  	[sflag:s0] =	ssyncadd.remote.s32 $0x1  }
0xbf: {  	_ =	sfence.sel $0xFFFF  }
0xc0: {  	[dreg:$0x0] =	wrdreg $0xFFFFFFFF;
	(pc) =	sbr.abs _section_cstart, $3  }
0xc1: {  	[dreg:$0x1] =	wrdreg $0xFFFFFFFF  }
0xc2: {  	_ =	task.clear_ibuf [dreg:s7], $0x2FFFF;
	_ =	strace $0x9FFFFFFF  }
0xc3: {  	(tm) =	ssettm $0x7FFFFFFF  }
tec
execute0_lowered:
.L_overlay_start_1:
0x0: {  	(tag) =	ssettag $0x1  }
0x1: {  	s6 =	rddreg [dreg:$0x0]  }
0x2: {  	s1 =	rddreg [dreg:$0x1]  }
0x3: {  	s2 =	rddreg [dreg:$0x2];
	s4 =	srdreg.scid  }
0x4: {  	s0 =	rddreg [dreg:$0x3];
	s3 =	simm.s32 $0x0;
	s5 =	sand.u32 $0x1, s4  }
0x5: {  	[smem:$0x7FF] =	sst s3;
	s7 =	smul.u32 $0x4F00, s5  }
0x6: {  	s13 =	simm.s32 $0x80;
	s4 =	stileid.u32;
	s8 =	smul.u32 $0x27800, s5  }
0x7: {  	_ =	strace $0x80000047;
	s9 =	ssub.s32 $0x2, s5;
	s10 =	smul.u32 $0x4F000, s4  }
0x8: {  	s5 =	sadd.s32 $0xD800, s6;
	s11 =	sshll.u32 s4, $0x6;
	s12 =	smul.u32 $0x4F0, s4  }
0x9: {  	s15 =	smul.u32 $0x2780, s4;
	s30 =	sshrl.u32 s9, $0x1;
	s7 =	sadd.s32 s7, s6  }
0xa: {  	s8 =	sadd.s32 s8, s6;
	s10 =	sshrl.u32 s10, $0x2;
	s9 =	ssub.s32 s9, s30  }
0xb: {  	s6 =	sor.u32 $0x1C01, s11;
	s11 =	simm.s32 $0x13C80;
	s10 =	sadd.s32 s10, s2  }
0xc: {  	s14 =	sadd.s32 $0xE000, s8;
	s31 =	sadd.s32 s12, s7;
	s7 =	smax.u32 s9, $0x1  }
0xd: {  	s12 =	simm.s32 $0x13C00;
	s8 =	sadd.s32 $0x3A00, s31;
	s9 =	sshrl.u32 s10, $0x3  }
0xe: {  	s10 =	simm.s32 $0x1;
	s14 =	sadd.s32 s15, s14;
	s15 =	simm.s32 $0x0  }
.LBB2_1:
0xf: {  	[spmem:s9], [sflag:s6] =	dma.local [hbm:s1], $0x2780  }
0x10: {  	_ =	swait.ge [sflag:s10], $0x2780  }
0x11: {  	[sflag:s10] =	ssyncset.done $0x0  }
0x12: {  	[sflag:s10] =	ssyncadd.s32 $0xFFFFD880  }
0x13: {  	[tilespmem:s11], [sflag:$0x1] =	stream.linear.gather [hbm4b:s5+s3], $0x4000, $0x38;
	[tilespmem:$0x17C80] =	vst v63  }
0x14: {  	_ =	swait.ge [sflag:s10], $0x4000  }
0x15: {  	[sflag:s10] =	ssyncset.done $0x0  }
0x16: {  	[sflag:s10] =	ssyncadd.s32 $0xFFFFC000  }
0x17: {  	s16 =	sadd.s32 $0x0, s8;
	[bflag:$0x0] =	sbarrier.arrive $0xFFFF  }
0x18: {  	[tilespmem:s12], [sflag:$0x1] =	stream.linear.gather [hbm4b:s16+s3], $0x80, $0x38;
	[tilespmem:$0x17C80] =	vst v63  }
0x19: {  	_ =	swait.ge [sflag:s10], $0x80  }
0x1a: {  	[sflag:s10] =	ssyncset.done $0x0  }
0x1b: {  	[sflag:s10] =	ssyncadd.s32 $0xFFFFFF80  }
0x1c: {  	[spmem:s2] =	stream.indirect.scatter.add.f32 [tilespmem:s11], [sflag:$0x1], $0x80, s12, s13, $0xb8;
	[tilespmem:$0x17C80] =	vst v63  }
0x1d: {  	_ =	swait.ge [sflag:s10], $0x4000  }
0x1e: {  	s17 =	simm.s32 $0x20;
	s16 =	simm.s32 $0x10;
	[sflag:s10] =	ssyncset.done $0x0  }
.LBB2_2:
0x1f: {  	s18 =	sadd.s32 s16, s8  }
0x20: {  	[sflag:s10] =	ssyncadd.s32 $0xFFFFC000;
	s16 =	smov.u32 s17;
	s19 =	sadd.s32 $0x10, s17  }
0x21: {  	[tilespmem:s12], [sflag:$0x1] =	stream.linear.gather [hbm4b:s18+s3], $0x80, $0x38;
	[tilespmem:$0x17C80] =	vst v63  }
0x22: {  	p0 =	sne.s32 s17, $0x4E0;
	_ =	swait.ge [sflag:s10], $0x80  }
.Ltmp0:
0x23: {  	[sflag:s10] =	ssyncset.done $0x0;
	(pc) =	sbr.rel @p0 .LBB2_2-.Ltmp0, $4  }
0x24: {  	[sflag:s10] =	ssyncadd.s32 $0xFFFFFF80  }
0x25: {  	[spmem:s2] =	stream.indirect.scatter.add.f32 [tilespmem:s11], [sflag:$0x1], $0x80, s12, s13, $0xb8;
	[tilespmem:$0x17C80] =	vst v63  }
0x26: {  	_ =	swait.ge [sflag:s10], $0x4000  }
0x27: {  	s17 =	smov.u32 s19;
	[sflag:s10] =	ssyncset.done $0x0  }
0x28: {  	s16 =	sadd.s32 s16, s8;
	[sflag:s10] =	ssyncadd.s32 $0xFFFFC000  }
0x29: {  	[tilespmem:s12], [sflag:$0x1] =	stream.linear.gather [hbm4b:s16+s3], $0x80, $0x38;
	[tilespmem:$0x17C80] =	vst v63  }
0x2a: {  	_ =	swait.ge [sflag:s10], $0x80  }
0x2b: {  	[sflag:s10] =	ssyncset.done $0x0  }
0x2c: {  	[sflag:s10] =	ssyncadd.s32 $0xFFFFFF80  }
0x2d: {  	[spmem:s2] =	stream.indirect.scatter.add.f32 [tilespmem:s11], [sflag:$0x1], $0x80, s12, s13, $0xb8;
	[tilespmem:$0x17C80] =	vst v63  }
0x2e: {  	_ =	swait.ge [sflag:s10], $0x4000  }
0x2f: {  	s15 =	sadd.s32 $0x1, s15;
	[sflag:s10] =	ssyncset.done $0x0  }
0x30: {  	p0 =	sne.s32 s15, s7;
	[sflag:s10] =	ssyncadd.s32 $0xFFFFC000  }
.Ltmp1:
0x31: {  	[bflag:$0x0] =	sbarrier.arrive $0xFFFF;
	(pc) =	sbr.rel @p0 .LBB2_1-.Ltmp1, $4  }
0x32: {  	[hbm:s14], [sflag:s6] =	dma.local [spmem:s9], $0x2780  }
0x33: {  	_ =	swait.ge [sflag:s10], $0x2780  }
0x34: {  	[sflag:s10] =	ssyncset.done $0x0  }
0x35: {  	[sflag:s10] =	ssyncadd.s32 $0xFFFFD880  }
0x36: {  	_ =	sfence.sel $0x180000  }
0x37: {  	[bflag:$0x0] =	sbarrier.arrive $0xFFFF  }
0x38: {  	p0 =	sne.s32 s4, $0x0;
	_ =	strace $0x90000047  }
0x39: {  	s0 =	sadd.s32 @!p0 $0x100000, s0;
	[bflag:$0x2] =	sbarrier.arrive $0xFFFF  }
0x3a: {  	[sflag:s0] =	ssyncadd.tile.s32 @!p0 $0x1;
	_ =	shalt  }
.Lfunc_end2:
_tile_overlayer_lowered:
.L_overlay_start_2:
0x3b: {  	(tag) =	ssettag $0x2  }
0x3c: {  	s0 =	rddreg [dreg:$0x0];
	s2 =	stileid.u32  }
0x3d: {  	s1 =	rddreg [dreg:$0x1];
	p0 =	sne.s32 s2, $0x0  }
0x3e: {  	s3 =	rddreg [dreg:$0x2];
	[bflag:$0x3] =	sbarrier.arrive $0xFFFF;
	s2 =	simm.s32 @!p0 $0x1C01  }
0x3f: {  	[timem:s3], [sflag:s2] =	dma.local @!p0 [hbm:s0], s1  }
0x40: {  	s0 =	simm.s32 @!p0 $0x1  }
0x41: {  	_ =	swait.ge @!p0 [sflag:s0], s1  }
0x42: {  	s1 =	ssub.s32 @!p0 $0x0, s1;
	[sflag:s0] =	ssyncset.done @!p0 $0x0  }
0x43: {  	[sflag:s0] =	ssyncadd.s32 @!p0 s1  }
0x44: {  	[bflag:$0x3] =	sbarrier.arrive $0xFFFF  }
0x45: {  	_ =	shalt  }

// kernel: kernel.13.cloned.1.call-start
scs
__scs_entry_jumppad:
0x0: {  	(pc) =	sbr.rel $0x88, $3  }
0x1: {  	(tag) =	ssettag $0x0;
	lr =	simm.s32 $0x1  }
0x2: {  	[smem:$0x3F91] =	sst lr;
	_ =	strace $0xD0000000  }
0x3: {  	_ = 	snop  }
0x4: {  	_ = 	snop  }
0x5: {  	_ = 	snop  }
0x6: {  	_ = 	snop  }
0x7: {  	_ = 	snop  }
__scs_overlays_trampoline_lowered:
0x8: {  	[smem:$0x3FA0] =	sst s0  }
0x9: {  	[smem:$0x3FA1] =	sst s1  }
0xa: {  	[smem:$0x3FA2] =	sst s2  }
0xb: {  	[smem:$0x3FA3] =	sst s3  }
0xc: {  	[smem:$0x3FA4] =	sst s4  }
0xd: {  	[smem:$0x3FA5] =	sst s5  }
0xe: {  	[smem:$0x3FA6] =	sst s6  }
0xf: {  	[smem:$0x3FA7] =	sst s7  }
0x10: {  	[smem:$0x3FA8] =	sst s8  }
0x11: {  	[smem:$0x3FA9] =	sst s9;
	s0 =	simm.s32 @!p0 $0x0  }
0x12: {  	s1 =	sld [smem:$0x3F8F];
	s0 =	simm.s32 @p0 $0x1  }
0x13: {  	[smem:$0x3FAA] =	sst s0;
	s0 =	simm.s32 @!p1 $0x0  }
0x14: {  	s2 =	sld [smem:$0x3F8E];
	s0 =	simm.s32 @p1 $0x1  }
0x15: {  	[smem:$0x3FAB] =	sst s0;
	s0 =	simm.s32 @!p2 $0x0  }
0x16: {  	s3 =	sld [smem:$0x3FDB];
	s0 =	simm.s32 @p2 $0x1  }
0x17: {  	s4 =	simm.s32 $0x1BF5;
	[smem:$0x3FAD] =	sst s0  }
0x18: {  	s0 =	sld [smem:$0x3F90];
	_ =	swait.ge [sflag:s4], $0x0  }
0x19: {  	s7 =	sld [smem:$0x3F91]  }
0x1a: {  	s8 =	sadd.s32 $0xFFFFE003, lr  }
0x1b: {  	s9 =	sadd.s32 $0xFFFFFEF7, lr;
	s5 =	simm.s32 $0xFFFFFFFF;
	p2 =	slt.u32 s8, $0xFFFFF086  }
0x1c: {  	p1 =	slt.u32 s9, $0xF7A;
	s5 =	simm.s32 @!p2 $0x0  }
0x1d: {  	s5 =	simm.s32 @p1 $0x1;
	p0 =	seq.s32 s7, s2  }
0x1e: {  	s7 =	smul.u32 @!p0 $0xF7A, s2;
	p2 =	seq.s32 @!p0 s5, $0x0  }
0x1f: {  	s9 =	smul.u32 $0xF7A, s1;
	s8 =	simm.s32 @!p0 $0x1BF5;
	p2 =	por !p2, p0  }
0x20: {  	[sflag:s8] =	ssyncset.s32 @!p0 $0xFFFFF086;
	s6 =	sadd.s32 @!p0 s3, s7;
	s7 =	simm.s32 @!p0 $0x108  }
0x21: {  	s3 =	sadd.s32 s3, s9;
	s6 =	sadd.s32 @!p0 $0x88, s6;
	s7 =	simm.s32 @p2 $0x1082  }
0x22: {  	[simem:s7], [sflag:s8] =	dma.local @!p0 [hbm:s6], $0xF7A  }
0x23: {  	s9 =	sor.u32 $0xD0000000, s2;
	s6 =	simm.s32 $0x108;
	_ =	swait.ge @!p0 [sflag:s8], $0x0  }
0x24: {  	s3 =	sadd.s32 $0x88, s3;
	s6 =	simm.s32 @!p1 $0x1082;
	[sflag:s4] =	ssyncset.s32 $0xFFFFF086  }
0x25: {  	[simem:s6], [sflag:s4] =	dma.local [hbm:s3], $0xF7A  }
0x26: {  	[smem:$0x3F91] =	sst s1;
	(tag) =	ssettag s2;
	_ =	strace s9  }
0x27: {  	s1 =	sld [smem:$0x3FA1]  }
0x28: {  	s2 =	sld [smem:$0x3FA2]  }
0x29: {  	s4 =	sld [smem:$0x3FA4]  }
0x2a: {  	p0 =	seq.s32 s5, $0x0;
	s5 =	sld [smem:$0x3FA5]  }
0x2b: {  	s6 =	sld [smem:$0x3FA6]  }
0x2c: {  	s7 =	sld [smem:$0x3FA7]  }
0x2d: {  	s3 =	simm.s32 $0x108;
	s8 =	sld [smem:$0x3FA8]  }
0x2e: {  	s3 =	simm.s32 @!p0 $0x1082;
	s9 =	sld [smem:$0x3FA9]  }
0x2f: {  	lr =	sadd.s32 s0, s3;
	s0 =	sld [smem:$0x3FA0]  }
0x30: {  	s3 =	sld [smem:$0x3FA3]  }
0x31: {  	[smem:$0x3FAC] =	sst s10  }
0x32: {  	s10 =	sld [smem:$0x3FAA];
	_ =	sdelay $0x3  }
0x33: {  	p0 =	seq.s32 s10, $0x1;
	s10 =	sld [smem:$0x3FAC];
	_ =	sdelay $0x3  }
0x34: {  	[smem:$0x3FAC] =	sst s10  }
0x35: {  	s10 =	sld [smem:$0x3FAB];
	_ =	sdelay $0x3  }
0x36: {  	p1 =	seq.s32 s10, $0x1;
	s10 =	sld [smem:$0x3FAC];
	_ =	sdelay $0x3  }
0x37: {  	[smem:$0x3FAC] =	sst s10  }
0x38: {  	s10 =	sld [smem:$0x3FAD]  }
0x39: {  	_ = 	snop;
	(pc) =	sbr.ind lr, $3  }
0x3a: {  	_ = 	snop  }
0x3b: {  	_ = 	snop  }
0x3c: {  	p2 =	seq.s32 s10, $0x1;
	s10 =	sld [smem:$0x3FAC]  }
0x3d: {  	_ =	shalt  }
0x3e: {  	_ =	shalt  }
0x3f: {  	_ =	shalt  }
0x40: {  	_ =	shalt  }
0x41: {  	_ =	shalt  }
0x42: {  	_ =	shalt  }
0x43: {  	_ =	shalt  }
0x44: {  	_ =	shalt  }
0x45: {  	_ =	shalt  }
0x46: {  	_ =	shalt  }
0x47: {  	_ =	shalt  }
0x48: {  	_ =	shalt  }
0x49: {  	_ =	shalt  }
0x4a: {  	_ =	shalt  }
0x4b: {  	_ =	shalt  }
0x4c: {  	_ =	shalt  }
0x4d: {  	_ =	shalt  }
0x4e: {  	_ =	shalt  }
0x4f: {  	_ =	shalt  }
0x50: {  	_ =	shalt  }
0x51: {  	_ =	shalt  }
0x52: {  	_ =	shalt  }
0x53: {  	_ =	shalt  }
0x54: {  	_ =	shalt  }
0x55: {  	_ =	shalt  }
0x56: {  	_ =	shalt  }
0x57: {  	_ =	shalt  }
0x58: {  	_ =	shalt  }
0x59: {  	_ =	shalt  }
0x5a: {  	_ =	shalt  }
0x5b: {  	_ =	shalt  }
0x5c: {  	_ =	shalt  }
0x5d: {  	_ =	shalt  }
0x5e: {  	_ =	shalt  }
0x5f: {  	_ =	shalt  }
0x60: {  	_ =	shalt  }
0x61: {  	_ =	shalt  }
0x62: {  	_ =	shalt  }
0x63: {  	_ =	shalt  }
0x64: {  	_ =	shalt  }
0x65: {  	_ =	shalt  }
0x66: {  	_ =	shalt  }
0x67: {  	_ =	shalt  }
0x68: {  	_ =	shalt  }
0x69: {  	_ =	shalt  }
0x6a: {  	_ =	shalt  }
0x6b: {  	_ =	shalt  }
0x6c: {  	_ =	shalt  }
0x6d: {  	_ =	shalt  }
0x6e: {  	_ =	shalt  }
0x6f: {  	_ =	shalt  }
0x70: {  	_ =	shalt  }
0x71: {  	_ =	shalt  }
0x72: {  	_ =	shalt  }
0x73: {  	_ =	shalt  }
0x74: {  	_ =	shalt  }
0x75: {  	_ =	shalt  }
0x76: {  	_ =	shalt  }
0x77: {  	_ =	shalt  }
0x78: {  	_ =	shalt  }
0x79: {  	_ =	shalt  }
0x7a: {  	_ =	shalt  }
0x7b: {  	_ =	shalt  }
0x7c: {  	_ =	shalt  }
0x7d: {  	_ =	shalt  }
0x7e: {  	_ =	shalt  }
0x7f: {  	_ =	shalt  }
0x80: {  	_ =	shalt  }
0x81: {  	_ =	shalt  }
0x82: {  	_ =	shalt  }
0x83: {  	_ =	shalt  }
0x84: {  	_ =	shalt  }
0x85: {  	_ =	shalt  }
0x86: {  	_ =	shalt  }
0x87: {  	_ =	shalt  }
.Lfunc_end0:
.L_simem_size_0:
called_computation.1_lowered:
.L_overlay_start_0:
0x88: {  	s2 =	sld [smem:$0x3FD9]  }
0x89: {  	s3 =	sld [smem:$0x3FFE];
	_ =	sdelay $0x1  }
0x8a: {  	s1 =	srdreg.scid  }
0x8b: {  	s0 =	sand.u32 $0x1, s1  }
0x8c: {  	s17 =	sshll.u32 s0, $0xA;
	s2 =	sadd.s32 s3, s2  }
0x8d: {  	s2 =	sadd.s32 s2, s17  }
0x8e: {  	[smem:$0x3FB8] =	sst s2  }
0x8f: {  	_ = 	snop  }
0x90: {  	s2 =	sld [smem:$0x3FD0];
	(tm) =	ssettm $0x1  }
0x91: {  	s18 =	sld [smem:$0x3FFB];
	_ =	sdelay $0x3  }
0x92: {  	_ =	strace s18  }
0x93: {  	s3 =	sld [smem:$0x3FFC];
	_ =	sdelay $0x3  }
0x94: {  	_ =	strace s3  }
0x95: {  	s3 =	sld [smem:$0x3FFD];
	_ =	sdelay $0x3  }
0x96: {  	_ =	strace s3  }
0x97: {  	_ =	strace $0x8FFFFFFF  }
0x98: {  	s19 =	sld [smem:$0x3FDB];
	_ =	sdelay $0x1  }
0x99: {  	s4 =	simm.s32 $_scs_section_size  }
0x9a: {  	s5 =	simm.s32 $_size__tile_overlayer_lowered;
	s6 =	simm.s32 $_tile_overlayer_lowered  }
0x9b: {  	s22 =	simm.s32 $0x1BFF;
	s21 =	sshll.u32 s6, $0x1;
	s3 =	sadd.s32 s4, s19  }
0x9c: {  	s7 =	simm.s32 $0x0;
	s20 =	sshll.u32 s5, $0x1;
	s5 =	sadd.s32 s21, s3  }
0x9d: {  	[timem:s7], [sflag:s22] =	dma.local [hbm:s5], s20  }
0x9e: {  	_ =	swait.ge [sflag:s22], s20  }
0x9f: {  	s4 =	ssub.s32 $0x0, s20;
	[sflag:s22] =	ssyncset.done $0x0  }
0xa0: {  	[sflag:s22] =	ssyncadd.s32 s4;
	_ =	sdelay $0x1  }
0xa1: {  	s23 =	simm.s32 $0x1B8B  }
0xa2: {  	_ =	swait.ge [sflag:s23], $0x1  }
0xa3: {  	[sflag:s23] =	ssyncset.done $0x0  }
0xa4: {  	s25 =	simm.s32 $0x1B8E;
	s24 =	sld [smem:$0x3FFE];
	[sflag:s23] =	ssyncadd.s32 $0xFFFFFFFF  }
0xa5: {  	s26 =	simm.s32 $execute0_lowered;
	[smem:$0x3FD2] =	sst s25  }
0xa6: {  	s5 =	sshll.u32 s26, $0x1;
	_ =	strace $0x80000049;
	[dreg:$0x1] =	wrdreg $0xFFFFFFFF  }
0xa7: {  	s28 =	simm.s32 $_size_execute0_lowered;
	s3 =	sadd.s32 s3, s5;
	[dreg:$0x0] =	wrdreg $0x0  }
0xa8: {  	s5 =	sshll.u32 s28, $0x1;
	[dreg:$0x2] =	wrdreg s3  }
0xa9: {  	[dreg:$0x3] =	wrdreg s5  }
0xaa: {  	[dreg:$0x4] =	wrdreg $0xC0  }
0xab: {  	_ =	task [dreg:s7], $0x5FFFF  }
0xac: {  	[dreg:$0x1] =	wrdreg $0xFFFFFFFF  }
0xad: {  	[dreg:$0x0] =	wrdreg $0x60  }
0xae: {  	[dreg:$0x2] =	wrdreg s24  }
0xaf: {  	[dreg:$0x3] =	wrdreg s2  }
0xb0: {  	[dreg:$0x4] =	wrdreg $0x0  }
0xb1: {  	[dreg:$0x5] =	wrdreg $0x9  }
0xb2: {  	_ =	task.clear_ibuf [dreg:s7], $0x6FFFF;
	_ =	strace $0x90000049  }
0xb3: {  	s29 =	simm.s32 $0x9;
	_ =	strace $0x8000004B  }
0xb4: {  	_ =	swait.ge [sflag:s29], $0x1  }
0xb5: {  	[sflag:s29] =	ssyncadd.s32 $0xFFFFFFFF  }
0xb6: {  	_ =	strace $0x9000004B  }
0xb7: {  	_ =	sfence  }
0xb8: {  	s30 =	sld [smem:$0x0];
	_ =	sdelay $0x2  }
0xb9: {  	s31 =	sshll.u32 s1, $0xD;
	s1 =	sshrl.u32 s1, $0x2  }
0xba: {  	s3 =	sand.u32 $0x4000, s31;
	s1 =	sadd.s32 s1, s30  }
0xbb: {  	s0 =	sor.u32 s3, s0;
	s1 =	sshll.u32 s1, $0x11  }
0xbc: {  	s0 =	sor.u32 s1, s0  }
0xbd: {  	s0 =	sadd.s32 $0x8F2B, s0  }
0xbe: {  	[sflag:s0] =	ssyncadd.remote.s32 $0x1  }
0xbf: {  	_ =	sfence.sel $0xFFFF  }
0xc0: {  	[dreg:$0x0] =	wrdreg $0xFFFFFFFF;
	(pc) =	sbr.abs _section_cstart, $3  }
0xc1: {  	[dreg:$0x1] =	wrdreg $0xFFFFFFFF  }
0xc2: {  	_ =	task.clear_ibuf [dreg:s7], $0x2FFFF;
	_ =	strace $0x9FFFFFFF  }
0xc3: {  	(tm) =	ssettm $0x7FFFFFFF  }
tec
execute0_lowered:
.L_overlay_start_1:
0x0: {  	(tag) =	ssettag $0x1  }
0x1: {  	s6 =	rddreg [dreg:$0x0]  }
0x2: {  	s1 =	rddreg [dreg:$0x1]  }
0x3: {  	s3 =	rddreg [dreg:$0x2]  }
0x4: {  	s0 =	rddreg [dreg:$0x3];
	s4 =	simm.s32 $0x0;
	s2 =	stileid.u32  }
0x5: {  	s5 =	srdreg.scid;
	s14 =	simm.s32 $0x13D00;
	s15 =	simm.s32 $0x80  }
0x6: {  	s16 =	simm.s32 $0x13E00;
	s17 =	simm.s32 $0x13D80;
	s7 =	smul.u32 $0x58, s2  }
0x7: {  	s18 =	simm.s32 $0x17E00;
	[smem:$0x7FF] =	sst s4;
	s9 =	smul.u32 $0x46, s2  }
0x8: {  	s8 =	sand.u32 $0x1, s5;
	s5 =	sadd.s32 $0xD800, s6;
	s11 =	smul.u32 $0x4F000, s2  }
0x9: {  	s30 =	sshll.u32 s2, $0x6;
	s20 =	smul.u32 $0x2780, s2;
	_ =	strace $0x8000004A  }
0xa: {  	p0 =	seq.s32 s8, $0x0;
	s28 =	smul.u32 $0x27800, s8;
	s8 =	ssub.s32 $0x2, s8  }
0xb: {  	s7 =	sadd.s32 $0x460, s7;
	s10 =	sshrl.u32 s8, $0x1;
	s29 =	sshrl.u32 s11, $0x2  }
0xc: {  	s7 =	smov.u32 @p0 s9;
	s13 =	sadd.s32 s28, s6;
	s10 =	ssub.s32 s8, s10  }
0xd: {  	s11 =	sadd.s32 s29, s3;
	s7 =	sshll.u32 s7, $0x4;
	s19 =	sadd.s32 $0x66E00, s13  }
0xe: {  	s10 =	smax.u32 s10, $0x1;
	s12 =	sadd.s32 s7, s6;
	s6 =	simm.s32 $0x46  }
0xf: {  	s11 =	sshrl.u32 s11, $0x3;
	s13 =	simm.s32 $0x13C00;
	s6 =	simm.s32 @!p0 $0x58  }
0x10: {  	s7 =	sor.u32 $0x1C03, s30;
	s19 =	sadd.s32 s20, s19;
	s31 =	sshll.u32 s6, $0x4  }
0x11: {  	s8 =	sadd.s32 $0x5D000, s12;
	s9 =	sadd.s32 $0x3A00, s12;
	s12 =	sadd.s32 $0xFFFFFFE0, s31  }
0x12: {  	s20 =	simm.s32 $0x0;
	[dreg:$0x4] =	wrdreg s12;
	s12 =	simm.s32 $0x3  }
.LBB2_1:
0x13: {  	[spmem:s11], [sflag:s7] =	dma.local [hbm:s1], $0x2780  }
0x14: {  	_ =	swait.ge [sflag:s12], $0x2780  }
0x15: {  	[sflag:s12] =	ssyncset.done $0x0  }
0x16: {  	[sflag:s12] =	ssyncadd.s32 $0xFFFFD880  }
0x17: {  	[bflag:$0x0] =	sbarrier.arrive $0xFFFF  }
0x18: {  	[tilespmem:s13], [sflag:$0x3] =	stream.linear.gather [hbm4b:s8+s4], $0x80, $0x38;
	[tilespmem:$0x1BE00] =	vst v63  }
0x19: {  	_ =	swait.ge [sflag:s12], $0x80  }
0x1a: {  	[sflag:s12] =	ssyncset.done $0x0  }
0x1b: {  	[sflag:s12] =	ssyncadd.s32 $0xFFFFFF80  }
0x1c: {  	[tilespmem:s14], [sflag:$0x3] =	stream.linear.gather [hbm4b:s9+s4], $0x80, $0x38;
	[tilespmem:$0x1BE00] =	vst v63  }
0x1d: {  	_ =	swait.ge [sflag:s12], $0x80  }
0x1e: {  	[sflag:s12] =	ssyncset.done $0x0  }
0x1f: {  	s22 =	simm.s32 $0x2;
	s21 =	simm.s32 $0x0;
	[sflag:s12] =	ssyncadd.s32 $0xFFFFFF80  }
0x20: {  	[tilespmem:s16], [sflag:$0x1] =	stream.indirect.gather [hbm4b:s5+s15], $0x80, s13, s15, $0xb8;
	[tilespmem:$0x1BE00] =	vst v63  }
.LBB2_2:
0x21: {  	s23 =	sadd.s32 $0xFFFFFFFF, s22  }
0x22: {  	p0 =	sge.u32 s23, s6  }
0x23: {  	s23 =	simm.s32 @p0 $0x1  }
0x24: {  	_ =	swait.ge @p0 [sflag:s23], $0x4000  }
0x25: {  	[sflag:s23] =	ssyncset.done @p0 $0x0  }
0x26: {  	[sflag:s23] =	ssyncadd.s32 @p0 $0xFFFFC000;
	s23 =	sadd.s32 @!p0 s21, s8  }
0x27: {  	s24 =	simm.s32 @!p0 $0x0;
	s25 =	simm.s32 @!p0 $0x13C80;
	s23 =	sadd.s32 @!p0 $0x10, s23  }
0x28: {  	[tilespmem:s25], [sflag:$0x3] =	stream.linear.gather @!p0 [hbm4b:s23+s24], $0x80, $0x38;
	[tilespmem:$0x1BE00] =	vst v63  }
0x29: {  	s23 =	simm.s32 @!p0 $0x3  }
0x2a: {  	_ =	swait.ge @!p0 [sflag:s23], $0x80  }
0x2b: {  	s26 =	sadd.s32 @!p0 s21, s9;
	[sflag:s23] =	ssyncset.done @!p0 $0x0  }
0x2c: {  	s28 =	simm.s32 @!p0 $0x13D80;
	s26 =	sadd.s32 @!p0 $0x10, s26;
	[sflag:s23] =	ssyncadd.s32 @!p0 $0xFFFFFF80  }
0x2d: {  	[tilespmem:s28], [sflag:$0x3] =	stream.linear.gather @!p0 [hbm4b:s26+s24], $0x80, $0x38;
	[tilespmem:$0x1BE00] =	vst v63  }
0x2e: {  	_ =	swait.ge @!p0 [sflag:s23], $0x80  }
0x2f: {  	[sflag:s23] =	ssyncset.done @!p0 $0x0  }
0x30: {  	[sflag:s23] =	ssyncadd.s32 @!p0 $0xFFFFFF80;
	s23 =	simm.s32 @!p0 $0x1  }
0x31: {  	_ =	swait.ge @!p0 [sflag:s23], $0x4000  }
0x32: {  	[sflag:s23] =	ssyncset.done @!p0 $0x0  }
0x33: {  	s24 =	simm.s32 @!p0 $0x17E00;
	[sflag:s23] =	ssyncadd.s32 @!p0 $0xFFFFC000;
	s23 =	simm.s32 @!p0 $0x80  }
0x34: {  	[tilespmem:s24], [sflag:$0x2] =	stream.indirect.gather @!p0 [hbm4b:s5+s23], $0x80, s25, s23, $0xb8;
	[tilespmem:$0x1BE00] =	vst v63  }
0x35: {  	_ = 	snop  }
0x36: {  	[spmem:s3] =	stream.indirect.scatter.add.f32 [tilespmem:s16], [sflag:$0x3], $0x80, s14, s15, $0xb8;
	[tilespmem:$0x1BE00] =	vst v63  }
0x37: {  	_ =	swait.ge [sflag:s12], $0x4000  }
0x38: {  	p0 =	sge.u32 s22, s6;
	[sflag:s12] =	ssyncset.done $0x0  }
0x39: {  	s23 =	simm.s32 @p0 $0x2;
	[sflag:s12] =	ssyncadd.s32 $0xFFFFC000  }
0x3a: {  	_ =	swait.ge @p0 [sflag:s23], $0x4000  }
0x3b: {  	[sflag:s23] =	ssyncset.done @p0 $0x0  }
0x3c: {  	[sflag:s23] =	ssyncadd.s32 @p0 $0xFFFFC000;
	s23 =	sadd.s32 @!p0 s21, s8  }
0x3d: {  	s24 =	simm.s32 @!p0 $0x0;
	s25 =	simm.s32 @!p0 $0x13C00;
	s23 =	sadd.s32 @!p0 $0x20, s23  }
0x3e: {  	[tilespmem:s25], [sflag:$0x3] =	stream.linear.gather @!p0 [hbm4b:s23+s24], $0x80, $0x38;
	[tilespmem:$0x1BE00] =	vst v63  }
0x3f: {  	s23 =	simm.s32 @!p0 $0x3  }
0x40: {  	_ =	swait.ge @!p0 [sflag:s23], $0x80  }
0x41: {  	s26 =	sadd.s32 @!p0 s21, s9;
	[sflag:s23] =	ssyncset.done @!p0 $0x0  }
0x42: {  	s28 =	simm.s32 @!p0 $0x13D00;
	s26 =	sadd.s32 @!p0 $0x20, s26;
	[sflag:s23] =	ssyncadd.s32 @!p0 $0xFFFFFF80  }
0x43: {  	[tilespmem:s28], [sflag:$0x3] =	stream.linear.gather @!p0 [hbm4b:s26+s24], $0x80, $0x38;
	[tilespmem:$0x1BE00] =	vst v63  }
0x44: {  	_ =	swait.ge @!p0 [sflag:s23], $0x80  }
0x45: {  	[sflag:s23] =	ssyncset.done @!p0 $0x0  }
0x46: {  	[sflag:s23] =	ssyncadd.s32 @!p0 $0xFFFFFF80;
	s23 =	simm.s32 @!p0 $0x2  }
0x47: {  	_ =	swait.ge @!p0 [sflag:s23], $0x4000  }
0x48: {  	[sflag:s23] =	ssyncset.done @!p0 $0x0  }
0x49: {  	s24 =	simm.s32 @!p0 $0x13E00;
	[sflag:s23] =	ssyncadd.s32 @!p0 $0xFFFFC000;
	s23 =	simm.s32 @!p0 $0x80  }
0x4a: {  	[tilespmem:s24], [sflag:$0x1] =	stream.indirect.gather @!p0 [hbm4b:s5+s23], $0x80, s25, s23, $0xb8;
	[tilespmem:$0x1BE00] =	vst v63  }
0x4b: {  	_ = 	snop  }
0x4c: {  	[spmem:s3] =	stream.indirect.scatter.add.f32 [tilespmem:s18], [sflag:$0x3], $0x80, s17, s15, $0xb8;
	[tilespmem:$0x1BE00] =	vst v63  }
0x4d: {  	_ =	swait.ge [sflag:s12], $0x4000  }
0x4e: {  	s21 =	sadd.s32 $0x20, s21;
	s31 =	rddreg [dreg:$0x4]  }
0x4f: {  	p0 =	sne.s32 s31, s21  }
.Ltmp0:
0x50: {  	_ = 	snop;
	(pc) =	sbr.rel @p0 .LBB2_2-.Ltmp0, $3  }
0x51: {  	_ =	sdelay $0x1  }
0x52: {  	[sflag:s12] =	ssyncset.done $0x0  }
0x53: {  	s22 =	sadd.s32 $0x2, s22;
	[sflag:s12] =	ssyncadd.s32 $0xFFFFC000  }
0x54: {  	s23 =	sadd.s32 $0xFFFFFFFF, s22  }
0x55: {  	p0 =	slt.u32 s23, s6  }
0x56: {  	s23 =	sadd.s32 @p0 s21, s8  }
0x57: {  	s24 =	simm.s32 @p0 $0x0;
	s25 =	simm.s32 @p0 $0x13C80;
	s23 =	sadd.s32 @p0 $0x10, s23  }
0x58: {  	[tilespmem:s25], [sflag:$0x3] =	stream.linear.gather @p0 [hbm4b:s23+s24], $0x80, $0x38;
	[tilespmem:$0x1BE00] =	vst v63  }
0x59: {  	s23 =	simm.s32 @p0 $0x3  }
0x5a: {  	_ =	swait.ge @p0 [sflag:s23], $0x80  }
0x5b: {  	s26 =	sadd.s32 @p0 s21, s9;
	[sflag:s23] =	ssyncset.done @p0 $0x0  }
0x5c: {  	s28 =	simm.s32 @p0 $0x13D80;
	s26 =	sadd.s32 @p0 $0x10, s26;
	[sflag:s23] =	ssyncadd.s32 @p0 $0xFFFFFF80  }
0x5d: {  	[tilespmem:s28], [sflag:$0x3] =	stream.linear.gather @p0 [hbm4b:s26+s24], $0x80, $0x38;
	[tilespmem:$0x1BE00] =	vst v63  }
0x5e: {  	_ =	swait.ge @p0 [sflag:s23], $0x80  }
0x5f: {  	[sflag:s23] =	ssyncset.done @p0 $0x0  }
0x60: {  	[sflag:s23] =	ssyncadd.s32 @p0 $0xFFFFFF80;
	s23 =	simm.s32 @p0 $0x1  }
0x61: {  	_ =	swait.ge @p0 [sflag:s23], $0x4000  }
0x62: {  	[sflag:s23] =	ssyncset.done @p0 $0x0  }
0x63: {  	s24 =	simm.s32 @p0 $0x17E00;
	[sflag:s23] =	ssyncadd.s32 @p0 $0xFFFFC000;
	s23 =	simm.s32 @p0 $0x80  }
0x64: {  	[tilespmem:s24], [sflag:$0x2] =	stream.indirect.gather @p0 [hbm4b:s5+s23], $0x80, s25, s23, $0xb8;
	[tilespmem:$0x1BE00] =	vst v63  }
0x65: {  	s23 =	simm.s32 @!p0 $0x1  }
0x66: {  	_ =	swait.ge @!p0 [sflag:s23], $0x4000  }
0x67: {  	[sflag:s23] =	ssyncset.done @!p0 $0x0  }
0x68: {  	[sflag:s23] =	ssyncadd.s32 @!p0 $0xFFFFC000  }
0x69: {  	[spmem:s3] =	stream.indirect.scatter.add.f32 [tilespmem:s16], [sflag:$0x3], $0x80, s14, s15, $0xb8;
	[tilespmem:$0x1BE00] =	vst v63  }
0x6a: {  	p0 =	slt.u32 s22, s6;
	_ =	swait.ge [sflag:s12], $0x4000  }
0x6b: {  	s22 =	sadd.s32 @p0 s21, s8;
	s23 =	simm.s32 @p0 $0x0;
	[sflag:s12] =	ssyncset.done $0x0  }
0x6c: {  	s24 =	simm.s32 @p0 $0x13C00;
	s22 =	sadd.s32 @p0 $0x20, s22;
	[sflag:s12] =	ssyncadd.s32 $0xFFFFC000  }
0x6d: {  	[tilespmem:s24], [sflag:$0x3] =	stream.linear.gather @p0 [hbm4b:s22+s23], $0x80, $0x38;
	[tilespmem:$0x1BE00] =	vst v63  }
0x6e: {  	s22 =	simm.s32 @p0 $0x3  }
0x6f: {  	_ =	swait.ge @p0 [sflag:s22], $0x80  }
0x70: {  	s21 =	sadd.s32 @p0 s21, s9;
	[sflag:s22] =	ssyncset.done @p0 $0x0  }
0x71: {  	s25 =	simm.s32 @p0 $0x13D00;
	s21 =	sadd.s32 @p0 $0x20, s21;
	[sflag:s22] =	ssyncadd.s32 @p0 $0xFFFFFF80  }
0x72: {  	[tilespmem:s25], [sflag:$0x3] =	stream.linear.gather @p0 [hbm4b:s21+s23], $0x80, $0x38;
	[tilespmem:$0x1BE00] =	vst v63  }
0x73: {  	_ =	swait.ge @p0 [sflag:s22], $0x80  }
0x74: {  	[sflag:s22] =	ssyncset.done @p0 $0x0  }
0x75: {  	s21 =	simm.s32 @p0 $0x2;
	[sflag:s22] =	ssyncadd.s32 @p0 $0xFFFFFF80  }
0x76: {  	_ =	swait.ge @p0 [sflag:s21], $0x4000  }
0x77: {  	[sflag:s21] =	ssyncset.done @p0 $0x0  }
0x78: {  	s22 =	simm.s32 @p0 $0x13E00;
	[sflag:s21] =	ssyncadd.s32 @p0 $0xFFFFC000;
	s21 =	simm.s32 @p0 $0x80  }
0x79: {  	[tilespmem:s22], [sflag:$0x1] =	stream.indirect.gather @p0 [hbm4b:s5+s21], $0x80, s24, s21, $0xb8;
	[tilespmem:$0x1BE00] =	vst v63  }
0x7a: {  	s21 =	simm.s32 @!p0 $0x2  }
0x7b: {  	_ =	swait.ge @!p0 [sflag:s21], $0x4000  }
0x7c: {  	[sflag:s21] =	ssyncset.done @!p0 $0x0  }
0x7d: {  	[sflag:s21] =	ssyncadd.s32 @!p0 $0xFFFFC000  }
0x7e: {  	[spmem:s3] =	stream.indirect.scatter.add.f32 [tilespmem:s18], [sflag:$0x3], $0x80, s17, s15, $0xb8;
	[tilespmem:$0x1BE00] =	vst v63  }
0x7f: {  	_ =	swait.ge [sflag:s12], $0x4000  }
0x80: {  	s20 =	sadd.s32 $0x1, s20;
	[sflag:s12] =	ssyncset.done $0x0  }
0x81: {  	p0 =	sne.s32 s20, s10;
	[sflag:s12] =	ssyncadd.s32 $0xFFFFC000  }
.Ltmp1:
0x82: {  	[bflag:$0x0] =	sbarrier.arrive $0xFFFF;
	(pc) =	sbr.rel @p0 .LBB2_1-.Ltmp1, $4  }
0x83: {  	[hbm:s19], [sflag:s7] =	dma.local [spmem:s11], $0x2780  }
0x84: {  	_ =	swait.ge [sflag:s12], $0x2780  }
0x85: {  	[sflag:s12] =	ssyncset.done $0x0  }
0x86: {  	[sflag:s12] =	ssyncadd.s32 $0xFFFFD880  }
0x87: {  	_ =	sfence.sel $0x180000  }
0x88: {  	[bflag:$0x0] =	sbarrier.arrive $0xFFFF  }
0x89: {  	p0 =	sne.s32 s2, $0x0;
	_ =	strace $0x9000004A  }
0x8a: {  	s0 =	sadd.s32 @!p0 $0x100000, s0;
	[bflag:$0x2] =	sbarrier.arrive $0xFFFF  }
0x8b: {  	[sflag:s0] =	ssyncadd.tile.s32 @!p0 $0x1;
	_ =	shalt  }
.Lfunc_end2:
_tile_overlayer_lowered:
.L_overlay_start_2:
0x8c: {  	(tag) =	ssettag $0x2  }
0x8d: {  	s0 =	rddreg [dreg:$0x0];
	s2 =	stileid.u32  }
0x8e: {  	s1 =	rddreg [dreg:$0x1];
	p0 =	sne.s32 s2, $0x0  }
0x8f: {  	s3 =	rddreg [dreg:$0x2];
	[bflag:$0x3] =	sbarrier.arrive $0xFFFF;
	s2 =	simm.s32 @!p0 $0x1C03  }
0x90: {  	[timem:s3], [sflag:s2] =	dma.local @!p0 [hbm:s0], s1  }
0x91: {  	s0 =	simm.s32 @!p0 $0x3  }
0x92: {  	_ =	swait.ge @!p0 [sflag:s0], s1  }
0x93: {  	s1 =	ssub.s32 @!p0 $0x0, s1;
	[sflag:s0] =	ssyncset.done @!p0 $0x0  }
0x94: {  	[sflag:s0] =	ssyncadd.s32 @!p0 s1  }
0x95: {  	[bflag:$0x3] =	sbarrier.arrive $0xFFFF  }
0x96: {  	_ =	shalt  }

// kernel: kernel.16.cloned.1.call-start
scs
__scs_entry_jumppad:
0x0: {  	(pc) =	sbr.rel $0x88, $3  }
0x1: {  	(tag) =	ssettag $0x0;
	lr =	simm.s32 $0x1  }
0x2: {  	[smem:$0x3F91] =	sst lr;
	_ =	strace $0xD0000000  }
0x3: {  	_ = 	snop  }
0x4: {  	_ = 	snop  }
0x5: {  	_ = 	snop  }
0x6: {  	_ = 	snop  }
0x7: {  	_ = 	snop  }
__scs_overlays_trampoline_lowered:
0x8: {  	[smem:$0x3FA0] =	sst s0  }
0x9: {  	[smem:$0x3FA1] =	sst s1  }
0xa: {  	[smem:$0x3FA2] =	sst s2  }
0xb: {  	[smem:$0x3FA3] =	sst s3  }
0xc: {  	[smem:$0x3FA4] =	sst s4  }
0xd: {  	[smem:$0x3FA5] =	sst s5  }
0xe: {  	[smem:$0x3FA6] =	sst s6  }
0xf: {  	[smem:$0x3FA7] =	sst s7  }
0x10: {  	[smem:$0x3FA8] =	sst s8  }
0x11: {  	[smem:$0x3FA9] =	sst s9;
	s0 =	simm.s32 @!p0 $0x0  }
0x12: {  	s1 =	sld [smem:$0x3F8F];
	s0 =	simm.s32 @p0 $0x1  }
0x13: {  	[smem:$0x3FAA] =	sst s0;
	s0 =	simm.s32 @!p1 $0x0  }
0x14: {  	s2 =	sld [smem:$0x3F8E];
	s0 =	simm.s32 @p1 $0x1  }
0x15: {  	[smem:$0x3FAB] =	sst s0;
	s0 =	simm.s32 @!p2 $0x0  }
0x16: {  	s3 =	sld [smem:$0x3FDB];
	s0 =	simm.s32 @p2 $0x1  }
0x17: {  	s4 =	simm.s32 $0x1BF5;
	[smem:$0x3FAD] =	sst s0  }
0x18: {  	s0 =	sld [smem:$0x3F90];
	_ =	swait.ge [sflag:s4], $0x0  }
0x19: {  	s7 =	sld [smem:$0x3F91]  }
0x1a: {  	s8 =	sadd.s32 $0xFFFFE003, lr  }
0x1b: {  	s9 =	sadd.s32 $0xFFFFFEF7, lr;
	s5 =	simm.s32 $0xFFFFFFFF;
	p2 =	slt.u32 s8, $0xFFFFF086  }
0x1c: {  	p1 =	slt.u32 s9, $0xF7A;
	s5 =	simm.s32 @!p2 $0x0  }
0x1d: {  	s5 =	simm.s32 @p1 $0x1;
	p0 =	seq.s32 s7, s2  }
0x1e: {  	s7 =	smul.u32 @!p0 $0xF7A, s2;
	p2 =	seq.s32 @!p0 s5, $0x0  }
0x1f: {  	s9 =	smul.u32 $0xF7A, s1;
	s8 =	simm.s32 @!p0 $0x1BF5;
	p2 =	por !p2, p0  }
0x20: {  	[sflag:s8] =	ssyncset.s32 @!p0 $0xFFFFF086;
	s6 =	sadd.s32 @!p0 s3, s7;
	s7 =	simm.s32 @!p0 $0x108  }
0x21: {  	s3 =	sadd.s32 s3, s9;
	s6 =	sadd.s32 @!p0 $0x88, s6;
	s7 =	simm.s32 @p2 $0x1082  }
0x22: {  	[simem:s7], [sflag:s8] =	dma.local @!p0 [hbm:s6], $0xF7A  }
0x23: {  	s9 =	sor.u32 $0xD0000000, s2;
	s6 =	simm.s32 $0x108;
	_ =	swait.ge @!p0 [sflag:s8], $0x0  }
0x24: {  	s3 =	sadd.s32 $0x88, s3;
	s6 =	simm.s32 @!p1 $0x1082;
	[sflag:s4] =	ssyncset.s32 $0xFFFFF086  }
0x25: {  	[simem:s6], [sflag:s4] =	dma.local [hbm:s3], $0xF7A  }
0x26: {  	[smem:$0x3F91] =	sst s1;
	(tag) =	ssettag s2;
	_ =	strace s9  }
0x27: {  	s1 =	sld [smem:$0x3FA1]  }
0x28: {  	s2 =	sld [smem:$0x3FA2]  }
0x29: {  	s4 =	sld [smem:$0x3FA4]  }
0x2a: {  	p0 =	seq.s32 s5, $0x0;
	s5 =	sld [smem:$0x3FA5]  }
0x2b: {  	s6 =	sld [smem:$0x3FA6]  }
0x2c: {  	s7 =	sld [smem:$0x3FA7]  }
0x2d: {  	s3 =	simm.s32 $0x108;
	s8 =	sld [smem:$0x3FA8]  }
0x2e: {  	s3 =	simm.s32 @!p0 $0x1082;
	s9 =	sld [smem:$0x3FA9]  }
0x2f: {  	lr =	sadd.s32 s0, s3;
	s0 =	sld [smem:$0x3FA0]  }
0x30: {  	s3 =	sld [smem:$0x3FA3]  }
0x31: {  	[smem:$0x3FAC] =	sst s10  }
0x32: {  	s10 =	sld [smem:$0x3FAA];
	_ =	sdelay $0x3  }
0x33: {  	p0 =	seq.s32 s10, $0x1;
	s10 =	sld [smem:$0x3FAC];
	_ =	sdelay $0x3  }
0x34: {  	[smem:$0x3FAC] =	sst s10  }
0x35: {  	s10 =	sld [smem:$0x3FAB];
	_ =	sdelay $0x3  }
0x36: {  	p1 =	seq.s32 s10, $0x1;
	s10 =	sld [smem:$0x3FAC];
	_ =	sdelay $0x3  }
0x37: {  	[smem:$0x3FAC] =	sst s10  }
0x38: {  	s10 =	sld [smem:$0x3FAD]  }
0x39: {  	_ = 	snop;
	(pc) =	sbr.ind lr, $3  }
0x3a: {  	_ = 	snop  }
0x3b: {  	_ = 	snop  }
0x3c: {  	p2 =	seq.s32 s10, $0x1;
	s10 =	sld [smem:$0x3FAC]  }
0x3d: {  	_ =	shalt  }
0x3e: {  	_ =	shalt  }
0x3f: {  	_ =	shalt  }
0x40: {  	_ =	shalt  }
0x41: {  	_ =	shalt  }
0x42: {  	_ =	shalt  }
0x43: {  	_ =	shalt  }
0x44: {  	_ =	shalt  }
0x45: {  	_ =	shalt  }
0x46: {  	_ =	shalt  }
0x47: {  	_ =	shalt  }
0x48: {  	_ =	shalt  }
0x49: {  	_ =	shalt  }
0x4a: {  	_ =	shalt  }
0x4b: {  	_ =	shalt  }
0x4c: {  	_ =	shalt  }
0x4d: {  	_ =	shalt  }
0x4e: {  	_ =	shalt  }
0x4f: {  	_ =	shalt  }
0x50: {  	_ =	shalt  }
0x51: {  	_ =	shalt  }
0x52: {  	_ =	shalt  }
0x53: {  	_ =	shalt  }
0x54: {  	_ =	shalt  }
0x55: {  	_ =	shalt  }
0x56: {  	_ =	shalt  }
0x57: {  	_ =	shalt  }
0x58: {  	_ =	shalt  }
0x59: {  	_ =	shalt  }
0x5a: {  	_ =	shalt  }
0x5b: {  	_ =	shalt  }
0x5c: {  	_ =	shalt  }
0x5d: {  	_ =	shalt  }
0x5e: {  	_ =	shalt  }
0x5f: {  	_ =	shalt  }
0x60: {  	_ =	shalt  }
0x61: {  	_ =	shalt  }
0x62: {  	_ =	shalt  }
0x63: {  	_ =	shalt  }
0x64: {  	_ =	shalt  }
0x65: {  	_ =	shalt  }
0x66: {  	_ =	shalt  }
0x67: {  	_ =	shalt  }
0x68: {  	_ =	shalt  }
0x69: {  	_ =	shalt  }
0x6a: {  	_ =	shalt  }
0x6b: {  	_ =	shalt  }
0x6c: {  	_ =	shalt  }
0x6d: {  	_ =	shalt  }
0x6e: {  	_ =	shalt  }
0x6f: {  	_ =	shalt  }
0x70: {  	_ =	shalt  }
0x71: {  	_ =	shalt  }
0x72: {  	_ =	shalt  }
0x73: {  	_ =	shalt  }
0x74: {  	_ =	shalt  }
0x75: {  	_ =	shalt  }
0x76: {  	_ =	shalt  }
0x77: {  	_ =	shalt  }
0x78: {  	_ =	shalt  }
0x79: {  	_ =	shalt  }
0x7a: {  	_ =	shalt  }
0x7b: {  	_ =	shalt  }
0x7c: {  	_ =	shalt  }
0x7d: {  	_ =	shalt  }
0x7e: {  	_ =	shalt  }
0x7f: {  	_ =	shalt  }
0x80: {  	_ =	shalt  }
0x81: {  	_ =	shalt  }
0x82: {  	_ =	shalt  }
0x83: {  	_ =	shalt  }
0x84: {  	_ =	shalt  }
0x85: {  	_ =	shalt  }
0x86: {  	_ =	shalt  }
0x87: {  	_ =	shalt  }
.Lfunc_end0:
.L_simem_size_0:
called_computation.2_lowered:
.L_overlay_start_0:
0x88: {  	s2 =	sld [smem:$0x3FD9]  }
0x89: {  	s3 =	sld [smem:$0x3FFE];
	_ =	sdelay $0x1  }
0x8a: {  	s1 =	srdreg.scid  }
0x8b: {  	s0 =	sand.u32 $0x1, s1  }
0x8c: {  	s17 =	sshll.u32 s0, $0xA;
	s2 =	sadd.s32 s3, s2  }
0x8d: {  	s2 =	sadd.s32 s2, s17  }
0x8e: {  	[smem:$0x3FB8] =	sst s2  }
0x8f: {  	_ = 	snop  }
0x90: {  	s2 =	sld [smem:$0x3FD0];
	(tm) =	ssettm $0x1  }
0x91: {  	s18 =	sld [smem:$0x3FFB];
	_ =	sdelay $0x3  }
0x92: {  	_ =	strace s18  }
0x93: {  	s3 =	sld [smem:$0x3FFC];
	_ =	sdelay $0x3  }
0x94: {  	_ =	strace s3  }
0x95: {  	s3 =	sld [smem:$0x3FFD];
	_ =	sdelay $0x3  }
0x96: {  	_ =	strace s3  }
0x97: {  	_ =	strace $0x8FFFFFFF  }
0x98: {  	s19 =	sld [smem:$0x3FDB];
	_ =	sdelay $0x1  }
0x99: {  	s4 =	simm.s32 $_scs_section_size  }
0x9a: {  	s5 =	simm.s32 $_size__tile_overlayer_lowered;
	s6 =	simm.s32 $_tile_overlayer_lowered  }
0x9b: {  	s22 =	simm.s32 $0x1BFF;
	s21 =	sshll.u32 s6, $0x1;
	s3 =	sadd.s32 s4, s19  }
0x9c: {  	s7 =	simm.s32 $0x0;
	s20 =	sshll.u32 s5, $0x1;
	s5 =	sadd.s32 s21, s3  }
0x9d: {  	[timem:s7], [sflag:s22] =	dma.local [hbm:s5], s20  }
0x9e: {  	_ =	swait.ge [sflag:s22], s20  }
0x9f: {  	s4 =	ssub.s32 $0x0, s20;
	[sflag:s22] =	ssyncset.done $0x0  }
0xa0: {  	[sflag:s22] =	ssyncadd.s32 s4;
	_ =	sdelay $0x1  }
0xa1: {  	s23 =	simm.s32 $0x1B8B  }
0xa2: {  	_ =	swait.ge [sflag:s23], $0x1  }
0xa3: {  	[sflag:s23] =	ssyncset.done $0x0  }
0xa4: {  	s25 =	simm.s32 $0x1B8E;
	s24 =	sld [smem:$0x3FFE];
	[sflag:s23] =	ssyncadd.s32 $0xFFFFFFFF  }
0xa5: {  	s26 =	simm.s32 $execute0_lowered;
	[smem:$0x3FD2] =	sst s25  }
0xa6: {  	s5 =	sshll.u32 s26, $0x1;
	_ =	strace $0x8000004C;
	[dreg:$0x1] =	wrdreg $0xFFFFFFFF  }
0xa7: {  	s28 =	simm.s32 $_size_execute0_lowered;
	s3 =	sadd.s32 s3, s5;
	[dreg:$0x0] =	wrdreg $0x0  }
0xa8: {  	s5 =	sshll.u32 s28, $0x1;
	[dreg:$0x2] =	wrdreg s3  }
0xa9: {  	[dreg:$0x3] =	wrdreg s5  }
0xaa: {  	[dreg:$0x4] =	wrdreg $0xC0  }
0xab: {  	_ =	task [dreg:s7], $0x5FFFF  }
0xac: {  	[dreg:$0x1] =	wrdreg $0xFFFFFFFF  }
0xad: {  	[dreg:$0x0] =	wrdreg $0x60  }
0xae: {  	[dreg:$0x2] =	wrdreg s24  }
0xaf: {  	[dreg:$0x3] =	wrdreg s2  }
0xb0: {  	[dreg:$0x4] =	wrdreg $0x0  }
0xb1: {  	[dreg:$0x5] =	wrdreg $0x9  }
0xb2: {  	_ =	task.clear_ibuf [dreg:s7], $0x6FFFF;
	_ =	strace $0x9000004C  }
0xb3: {  	s29 =	simm.s32 $0x9;
	_ =	strace $0x8000004E  }
0xb4: {  	_ =	swait.ge [sflag:s29], $0x1  }
0xb5: {  	[sflag:s29] =	ssyncadd.s32 $0xFFFFFFFF  }
0xb6: {  	_ =	strace $0x9000004E  }
0xb7: {  	_ =	sfence  }
0xb8: {  	s30 =	sld [smem:$0x0];
	_ =	sdelay $0x2  }
0xb9: {  	s31 =	sshll.u32 s1, $0xD;
	s1 =	sshrl.u32 s1, $0x2  }
0xba: {  	s3 =	sand.u32 $0x4000, s31;
	s1 =	sadd.s32 s1, s30  }
0xbb: {  	s0 =	sor.u32 s3, s0;
	s1 =	sshll.u32 s1, $0x11  }
0xbc: {  	s0 =	sor.u32 s1, s0  }
0xbd: {  	s0 =	sadd.s32 $0x8F2B, s0  }
0xbe: {  	[sflag:s0] =	ssyncadd.remote.s32 $0x1  }
0xbf: {  	_ =	sfence.sel $0xFFFF  }
0xc0: {  	[dreg:$0x0] =	wrdreg $0xFFFFFFFF;
	(pc) =	sbr.abs _section_cstart, $3  }
0xc1: {  	[dreg:$0x1] =	wrdreg $0xFFFFFFFF  }
0xc2: {  	_ =	task.clear_ibuf [dreg:s7], $0x2FFFF;
	_ =	strace $0x9FFFFFFF  }
0xc3: {  	(tm) =	ssettm $0x7FFFFFFF  }
tec
execute0_lowered:
.L_overlay_start_1:
0x0: {  	(tag) =	ssettag $0x1  }
0x1: {  	s6 =	rddreg [dreg:$0x0]  }
0x2: {  	s1 =	rddreg [dreg:$0x1]  }
0x3: {  	s3 =	rddreg [dreg:$0x2]  }
0x4: {  	s0 =	rddreg [dreg:$0x3];
	s4 =	simm.s32 $0x0;
	s2 =	stileid.u32  }
0x5: {  	s5 =	srdreg.scid;
	s14 =	simm.s32 $0x13D00;
	s15 =	simm.s32 $0x80  }
0x6: {  	s16 =	simm.s32 $0x13E00;
	s17 =	simm.s32 $0x13D80;
	s7 =	smul.u32 $0x58, s2  }
0x7: {  	s18 =	simm.s32 $0x17E00;
	[smem:$0x7FF] =	sst s4;
	s9 =	smul.u32 $0x46, s2  }
0x8: {  	s8 =	sand.u32 $0x1, s5;
	s5 =	sadd.s32 $0xD800, s6;
	s11 =	smul.u32 $0x4F000, s2  }
0x9: {  	s30 =	sshll.u32 s2, $0x6;
	s20 =	smul.u32 $0x2780, s2;
	_ =	strace $0x8000004D  }
0xa: {  	p0 =	seq.s32 s8, $0x0;
	s28 =	smul.u32 $0x27800, s8;
	s8 =	ssub.s32 $0x2, s8  }
0xb: {  	s7 =	sadd.s32 $0x460, s7;
	s10 =	sshrl.u32 s8, $0x1;
	s29 =	sshrl.u32 s11, $0x2  }
0xc: {  	s7 =	smov.u32 @p0 s9;
	s13 =	sadd.s32 s28, s6;
	s10 =	ssub.s32 s8, s10  }
0xd: {  	s11 =	sadd.s32 s29, s3;
	s7 =	sshll.u32 s7, $0x4;
	s19 =	sadd.s32 $0x66E00, s13  }
0xe: {  	s10 =	smax.u32 s10, $0x1;
	s12 =	sadd.s32 s7, s6;
	s6 =	simm.s32 $0x46  }
0xf: {  	s11 =	sshrl.u32 s11, $0x3;
	s13 =	simm.s32 $0x13C00;
	s6 =	simm.s32 @!p0 $0x58  }
0x10: {  	s7 =	sor.u32 $0x1C03, s30;
	s19 =	sadd.s32 s20, s19;
	s31 =	sshll.u32 s6, $0x4  }
0x11: {  	s8 =	sadd.s32 $0x5D000, s12;
	s9 =	sadd.s32 $0x3A00, s12;
	s12 =	sadd.s32 $0xFFFFFFE0, s31  }
0x12: {  	s20 =	simm.s32 $0x0;
	[dreg:$0x4] =	wrdreg s12;
	s12 =	simm.s32 $0x3  }
.LBB2_1:
0x13: {  	[spmem:s11], [sflag:s7] =	dma.local [hbm:s1], $0x2780  }
0x14: {  	_ =	swait.ge [sflag:s12], $0x2780  }
0x15: {  	[sflag:s12] =	ssyncset.done $0x0  }
0x16: {  	[sflag:s12] =	ssyncadd.s32 $0xFFFFD880  }
0x17: {  	[bflag:$0x0] =	sbarrier.arrive $0xFFFF  }
0x18: {  	[tilespmem:s13], [sflag:$0x3] =	stream.linear.gather [hbm4b:s8+s4], $0x80, $0x38;
	[tilespmem:$0x1BE00] =	vst v63  }
0x19: {  	_ =	swait.ge [sflag:s12], $0x80  }
0x1a: {  	[sflag:s12] =	ssyncset.done $0x0  }
0x1b: {  	[sflag:s12] =	ssyncadd.s32 $0xFFFFFF80  }
0x1c: {  	[tilespmem:s14], [sflag:$0x3] =	stream.linear.gather [hbm4b:s9+s4], $0x80, $0x38;
	[tilespmem:$0x1BE00] =	vst v63  }
0x1d: {  	_ =	swait.ge [sflag:s12], $0x80  }
0x1e: {  	[sflag:s12] =	ssyncset.done $0x0  }
0x1f: {  	s22 =	simm.s32 $0x2;
	s21 =	simm.s32 $0x0;
	[sflag:s12] =	ssyncadd.s32 $0xFFFFFF80  }
0x20: {  	[tilespmem:s16], [sflag:$0x1] =	stream.indirect.gather [hbm4b:s5+s15], $0x80, s13, s15, $0xb8;
	[tilespmem:$0x1BE00] =	vst v63  }
.LBB2_2:
0x21: {  	s23 =	sadd.s32 $0xFFFFFFFF, s22  }
0x22: {  	p0 =	sge.u32 s23, s6  }
0x23: {  	s23 =	simm.s32 @p0 $0x1  }
0x24: {  	_ =	swait.ge @p0 [sflag:s23], $0x4000  }
0x25: {  	[sflag:s23] =	ssyncset.done @p0 $0x0  }
0x26: {  	[sflag:s23] =	ssyncadd.s32 @p0 $0xFFFFC000;
	s23 =	sadd.s32 @!p0 s21, s8  }
0x27: {  	s24 =	simm.s32 @!p0 $0x0;
	s25 =	simm.s32 @!p0 $0x13C80;
	s23 =	sadd.s32 @!p0 $0x10, s23  }
0x28: {  	[tilespmem:s25], [sflag:$0x3] =	stream.linear.gather @!p0 [hbm4b:s23+s24], $0x80, $0x38;
	[tilespmem:$0x1BE00] =	vst v63  }
0x29: {  	s23 =	simm.s32 @!p0 $0x3  }
0x2a: {  	_ =	swait.ge @!p0 [sflag:s23], $0x80  }
0x2b: {  	s26 =	sadd.s32 @!p0 s21, s9;
	[sflag:s23] =	ssyncset.done @!p0 $0x0  }
0x2c: {  	s28 =	simm.s32 @!p0 $0x13D80;
	s26 =	sadd.s32 @!p0 $0x10, s26;
	[sflag:s23] =	ssyncadd.s32 @!p0 $0xFFFFFF80  }
0x2d: {  	[tilespmem:s28], [sflag:$0x3] =	stream.linear.gather @!p0 [hbm4b:s26+s24], $0x80, $0x38;
	[tilespmem:$0x1BE00] =	vst v63  }
0x2e: {  	_ =	swait.ge @!p0 [sflag:s23], $0x80  }
0x2f: {  	[sflag:s23] =	ssyncset.done @!p0 $0x0  }
0x30: {  	[sflag:s23] =	ssyncadd.s32 @!p0 $0xFFFFFF80;
	s23 =	simm.s32 @!p0 $0x1  }
0x31: {  	_ =	swait.ge @!p0 [sflag:s23], $0x4000  }
0x32: {  	[sflag:s23] =	ssyncset.done @!p0 $0x0  }
0x33: {  	s24 =	simm.s32 @!p0 $0x17E00;
	[sflag:s23] =	ssyncadd.s32 @!p0 $0xFFFFC000;
	s23 =	simm.s32 @!p0 $0x80  }
0x34: {  	[tilespmem:s24], [sflag:$0x2] =	stream.indirect.gather @!p0 [hbm4b:s5+s23], $0x80, s25, s23, $0xb8;
	[tilespmem:$0x1BE00] =	vst v63  }
0x35: {  	_ = 	snop  }
0x36: {  	[spmem:s3] =	stream.indirect.scatter.add.f32 [tilespmem:s16], [sflag:$0x3], $0x80, s14, s15, $0xb8;
	[tilespmem:$0x1BE00] =	vst v63  }
0x37: {  	_ =	swait.ge [sflag:s12], $0x4000  }
0x38: {  	p0 =	sge.u32 s22, s6;
	[sflag:s12] =	ssyncset.done $0x0  }
0x39: {  	s23 =	simm.s32 @p0 $0x2;
	[sflag:s12] =	ssyncadd.s32 $0xFFFFC000  }
0x3a: {  	_ =	swait.ge @p0 [sflag:s23], $0x4000  }
0x3b: {  	[sflag:s23] =	ssyncset.done @p0 $0x0  }
0x3c: {  	[sflag:s23] =	ssyncadd.s32 @p0 $0xFFFFC000;
	s23 =	sadd.s32 @!p0 s21, s8  }
0x3d: {  	s24 =	simm.s32 @!p0 $0x0;
	s25 =	simm.s32 @!p0 $0x13C00;
	s23 =	sadd.s32 @!p0 $0x20, s23  }
0x3e: {  	[tilespmem:s25], [sflag:$0x3] =	stream.linear.gather @!p0 [hbm4b:s23+s24], $0x80, $0x38;
	[tilespmem:$0x1BE00] =	vst v63  }
0x3f: {  	s23 =	simm.s32 @!p0 $0x3  }
0x40: {  	_ =	swait.ge @!p0 [sflag:s23], $0x80  }
0x41: {  	s26 =	sadd.s32 @!p0 s21, s9;
	[sflag:s23] =	ssyncset.done @!p0 $0x0  }
0x42: {  	s28 =	simm.s32 @!p0 $0x13D00;
	s26 =	sadd.s32 @!p0 $0x20, s26;
	[sflag:s23] =	ssyncadd.s32 @!p0 $0xFFFFFF80  }
0x43: {  	[tilespmem:s28], [sflag:$0x3] =	stream.linear.gather @!p0 [hbm4b:s26+s24], $0x80, $0x38;
	[tilespmem:$0x1BE00] =	vst v63  }
0x44: {  	_ =	swait.ge @!p0 [sflag:s23], $0x80  }
0x45: {  	[sflag:s23] =	ssyncset.done @!p0 $0x0  }
0x46: {  	[sflag:s23] =	ssyncadd.s32 @!p0 $0xFFFFFF80;
	s23 =	simm.s32 @!p0 $0x2  }
0x47: {  	_ =	swait.ge @!p0 [sflag:s23], $0x4000  }
0x48: {  	[sflag:s23] =	ssyncset.done @!p0 $0x0  }
0x49: {  	s24 =	simm.s32 @!p0 $0x13E00;
	[sflag:s23] =	ssyncadd.s32 @!p0 $0xFFFFC000;
	s23 =	simm.s32 @!p0 $0x80  }
0x4a: {  	[tilespmem:s24], [sflag:$0x1] =	stream.indirect.gather @!p0 [hbm4b:s5+s23], $0x80, s25, s23, $0xb8;
	[tilespmem:$0x1BE00] =	vst v63  }
0x4b: {  	_ = 	snop  }
0x4c: {  	[spmem:s3] =	stream.indirect.scatter.add.f32 [tilespmem:s18], [sflag:$0x3], $0x80, s17, s15, $0xb8;
	[tilespmem:$0x1BE00] =	vst v63  }
0x4d: {  	_ =	swait.ge [sflag:s12], $0x4000  }
0x4e: {  	s21 =	sadd.s32 $0x20, s21;
	s31 =	rddreg [dreg:$0x4]  }
0x4f: {  	p0 =	sne.s32 s31, s21  }
.Ltmp0:
0x50: {  	_ = 	snop;
	(pc) =	sbr.rel @p0 .LBB2_2-.Ltmp0, $3  }
0x51: {  	_ =	sdelay $0x1  }
0x52: {  	[sflag:s12] =	ssyncset.done $0x0  }
0x53: {  	s22 =	sadd.s32 $0x2, s22;
	[sflag:s12] =	ssyncadd.s32 $0xFFFFC000  }
0x54: {  	s23 =	sadd.s32 $0xFFFFFFFF, s22  }
0x55: {  	p0 =	slt.u32 s23, s6  }
0x56: {  	s23 =	sadd.s32 @p0 s21, s8  }
0x57: {  	s24 =	simm.s32 @p0 $0x0;
	s25 =	simm.s32 @p0 $0x13C80;
	s23 =	sadd.s32 @p0 $0x10, s23  }
0x58: {  	[tilespmem:s25], [sflag:$0x3] =	stream.linear.gather @p0 [hbm4b:s23+s24], $0x80, $0x38;
	[tilespmem:$0x1BE00] =	vst v63  }
0x59: {  	s23 =	simm.s32 @p0 $0x3  }
0x5a: {  	_ =	swait.ge @p0 [sflag:s23], $0x80  }
0x5b: {  	s26 =	sadd.s32 @p0 s21, s9;
	[sflag:s23] =	ssyncset.done @p0 $0x0  }
0x5c: {  	s28 =	simm.s32 @p0 $0x13D80;
	s26 =	sadd.s32 @p0 $0x10, s26;
	[sflag:s23] =	ssyncadd.s32 @p0 $0xFFFFFF80  }
0x5d: {  	[tilespmem:s28], [sflag:$0x3] =	stream.linear.gather @p0 [hbm4b:s26+s24], $0x80, $0x38;
	[tilespmem:$0x1BE00] =	vst v63  }
0x5e: {  	_ =	swait.ge @p0 [sflag:s23], $0x80  }
0x5f: {  	[sflag:s23] =	ssyncset.done @p0 $0x0  }
0x60: {  	[sflag:s23] =	ssyncadd.s32 @p0 $0xFFFFFF80;
	s23 =	simm.s32 @p0 $0x1  }
0x61: {  	_ =	swait.ge @p0 [sflag:s23], $0x4000  }
0x62: {  	[sflag:s23] =	ssyncset.done @p0 $0x0  }
0x63: {  	s24 =	simm.s32 @p0 $0x17E00;
	[sflag:s23] =	ssyncadd.s32 @p0 $0xFFFFC000;
	s23 =	simm.s32 @p0 $0x80  }
0x64: {  	[tilespmem:s24], [sflag:$0x2] =	stream.indirect.gather @p0 [hbm4b:s5+s23], $0x80, s25, s23, $0xb8;
	[tilespmem:$0x1BE00] =	vst v63  }
0x65: {  	s23 =	simm.s32 @!p0 $0x1  }
0x66: {  	_ =	swait.ge @!p0 [sflag:s23], $0x4000  }
0x67: {  	[sflag:s23] =	ssyncset.done @!p0 $0x0  }
0x68: {  	[sflag:s23] =	ssyncadd.s32 @!p0 $0xFFFFC000  }
0x69: {  	[spmem:s3] =	stream.indirect.scatter.add.f32 [tilespmem:s16], [sflag:$0x3], $0x80, s14, s15, $0xb8;
	[tilespmem:$0x1BE00] =	vst v63  }
0x6a: {  	p0 =	slt.u32 s22, s6;
	_ =	swait.ge [sflag:s12], $0x4000  }
0x6b: {  	s22 =	sadd.s32 @p0 s21, s8;
	s23 =	simm.s32 @p0 $0x0;
	[sflag:s12] =	ssyncset.done $0x0  }
0x6c: {  	s24 =	simm.s32 @p0 $0x13C00;
	s22 =	sadd.s32 @p0 $0x20, s22;
	[sflag:s12] =	ssyncadd.s32 $0xFFFFC000  }
0x6d: {  	[tilespmem:s24], [sflag:$0x3] =	stream.linear.gather @p0 [hbm4b:s22+s23], $0x80, $0x38;
	[tilespmem:$0x1BE00] =	vst v63  }
0x6e: {  	s22 =	simm.s32 @p0 $0x3  }
0x6f: {  	_ =	swait.ge @p0 [sflag:s22], $0x80  }
0x70: {  	s21 =	sadd.s32 @p0 s21, s9;
	[sflag:s22] =	ssyncset.done @p0 $0x0  }
0x71: {  	s25 =	simm.s32 @p0 $0x13D00;
	s21 =	sadd.s32 @p0 $0x20, s21;
	[sflag:s22] =	ssyncadd.s32 @p0 $0xFFFFFF80  }
0x72: {  	[tilespmem:s25], [sflag:$0x3] =	stream.linear.gather @p0 [hbm4b:s21+s23], $0x80, $0x38;
	[tilespmem:$0x1BE00] =	vst v63  }
0x73: {  	_ =	swait.ge @p0 [sflag:s22], $0x80  }
0x74: {  	[sflag:s22] =	ssyncset.done @p0 $0x0  }
0x75: {  	s21 =	simm.s32 @p0 $0x2;
	[sflag:s22] =	ssyncadd.s32 @p0 $0xFFFFFF80  }
0x76: {  	_ =	swait.ge @p0 [sflag:s21], $0x4000  }
0x77: {  	[sflag:s21] =	ssyncset.done @p0 $0x0  }
0x78: {  	s22 =	simm.s32 @p0 $0x13E00;
	[sflag:s21] =	ssyncadd.s32 @p0 $0xFFFFC000;
	s21 =	simm.s32 @p0 $0x80  }
0x79: {  	[tilespmem:s22], [sflag:$0x1] =	stream.indirect.gather @p0 [hbm4b:s5+s21], $0x80, s24, s21, $0xb8;
	[tilespmem:$0x1BE00] =	vst v63  }
0x7a: {  	s21 =	simm.s32 @!p0 $0x2  }
0x7b: {  	_ =	swait.ge @!p0 [sflag:s21], $0x4000  }
0x7c: {  	[sflag:s21] =	ssyncset.done @!p0 $0x0  }
0x7d: {  	[sflag:s21] =	ssyncadd.s32 @!p0 $0xFFFFC000  }
0x7e: {  	[spmem:s3] =	stream.indirect.scatter.add.f32 [tilespmem:s18], [sflag:$0x3], $0x80, s17, s15, $0xb8;
	[tilespmem:$0x1BE00] =	vst v63  }
0x7f: {  	_ =	swait.ge [sflag:s12], $0x4000  }
0x80: {  	s20 =	sadd.s32 $0x1, s20;
	[sflag:s12] =	ssyncset.done $0x0  }
0x81: {  	p0 =	sne.s32 s20, s10;
	[sflag:s12] =	ssyncadd.s32 $0xFFFFC000  }
.Ltmp1:
0x82: {  	[bflag:$0x0] =	sbarrier.arrive $0xFFFF;
	(pc) =	sbr.rel @p0 .LBB2_1-.Ltmp1, $4  }
0x83: {  	[hbm:s19], [sflag:s7] =	dma.local [spmem:s11], $0x2780  }
0x84: {  	_ =	swait.ge [sflag:s12], $0x2780  }
0x85: {  	[sflag:s12] =	ssyncset.done $0x0  }
0x86: {  	[sflag:s12] =	ssyncadd.s32 $0xFFFFD880  }
0x87: {  	_ =	sfence.sel $0x180000  }
0x88: {  	[bflag:$0x0] =	sbarrier.arrive $0xFFFF  }
0x89: {  	p0 =	sne.s32 s2, $0x0;
	_ =	strace $0x9000004D  }
0x8a: {  	s0 =	sadd.s32 @!p0 $0x100000, s0;
	[bflag:$0x2] =	sbarrier.arrive $0xFFFF  }
0x8b: {  	[sflag:s0] =	ssyncadd.tile.s32 @!p0 $0x1;
	_ =	shalt  }
.Lfunc_end2:
_tile_overlayer_lowered:
.L_overlay_start_2:
0x8c: {  	(tag) =	ssettag $0x2  }
0x8d: {  	s0 =	rddreg [dreg:$0x0];
	s2 =	stileid.u32  }
0x8e: {  	s1 =	rddreg [dreg:$0x1];
	p0 =	sne.s32 s2, $0x0  }
0x8f: {  	s3 =	rddreg [dreg:$0x2];
	[bflag:$0x3] =	sbarrier.arrive $0xFFFF;
	s2 =	simm.s32 @!p0 $0x1C03  }
0x90: {  	[timem:s3], [sflag:s2] =	dma.local @!p0 [hbm:s0], s1  }
0x91: {  	s0 =	simm.s32 @!p0 $0x3  }
0x92: {  	_ =	swait.ge @!p0 [sflag:s0], s1  }
0x93: {  	s1 =	ssub.s32 @!p0 $0x0, s1;
	[sflag:s0] =	ssyncset.done @!p0 $0x0  }
0x94: {  	[sflag:s0] =	ssyncadd.s32 @!p0 s1  }
0x95: {  	[bflag:$0x3] =	sbarrier.arrive $0xFFFF  }
0x96: {  	_ =	shalt  }

// kernel: kernel.19.cloned.1.call-start
scs
__scs_entry_jumppad:
0x0: {  	(pc) =	sbr.rel $0x88, $3  }
0x1: {  	(tag) =	ssettag $0x0;
	lr =	simm.s32 $0x1  }
0x2: {  	[smem:$0x3F91] =	sst lr;
	_ =	strace $0xD0000000  }
0x3: {  	_ = 	snop  }
0x4: {  	_ = 	snop  }
0x5: {  	_ = 	snop  }
0x6: {  	_ = 	snop  }
0x7: {  	_ = 	snop  }
__scs_overlays_trampoline_lowered:
0x8: {  	[smem:$0x3FA0] =	sst s0  }
0x9: {  	[smem:$0x3FA1] =	sst s1  }
0xa: {  	[smem:$0x3FA2] =	sst s2  }
0xb: {  	[smem:$0x3FA3] =	sst s3  }
0xc: {  	[smem:$0x3FA4] =	sst s4  }
0xd: {  	[smem:$0x3FA5] =	sst s5  }
0xe: {  	[smem:$0x3FA6] =	sst s6  }
0xf: {  	[smem:$0x3FA7] =	sst s7  }
0x10: {  	[smem:$0x3FA8] =	sst s8  }
0x11: {  	[smem:$0x3FA9] =	sst s9;
	s0 =	simm.s32 @!p0 $0x0  }
0x12: {  	s1 =	sld [smem:$0x3F8F];
	s0 =	simm.s32 @p0 $0x1  }
0x13: {  	[smem:$0x3FAA] =	sst s0;
	s0 =	simm.s32 @!p1 $0x0  }
0x14: {  	s2 =	sld [smem:$0x3F8E];
	s0 =	simm.s32 @p1 $0x1  }
0x15: {  	[smem:$0x3FAB] =	sst s0;
	s0 =	simm.s32 @!p2 $0x0  }
0x16: {  	s3 =	sld [smem:$0x3FDB];
	s0 =	simm.s32 @p2 $0x1  }
0x17: {  	s4 =	simm.s32 $0x1BF5;
	[smem:$0x3FAD] =	sst s0  }
0x18: {  	s0 =	sld [smem:$0x3F90];
	_ =	swait.ge [sflag:s4], $0x0  }
0x19: {  	s7 =	sld [smem:$0x3F91]  }
0x1a: {  	s8 =	sadd.s32 $0xFFFFE003, lr  }
0x1b: {  	s9 =	sadd.s32 $0xFFFFFEF7, lr;
	s5 =	simm.s32 $0xFFFFFFFF;
	p2 =	slt.u32 s8, $0xFFFFF086  }
0x1c: {  	p1 =	slt.u32 s9, $0xF7A;
	s5 =	simm.s32 @!p2 $0x0  }
0x1d: {  	s5 =	simm.s32 @p1 $0x1;
	p0 =	seq.s32 s7, s2  }
0x1e: {  	s7 =	smul.u32 @!p0 $0xF7A, s2;
	p2 =	seq.s32 @!p0 s5, $0x0  }
0x1f: {  	s9 =	smul.u32 $0xF7A, s1;
	s8 =	simm.s32 @!p0 $0x1BF5;
	p2 =	por !p2, p0  }
0x20: {  	[sflag:s8] =	ssyncset.s32 @!p0 $0xFFFFF086;
	s6 =	sadd.s32 @!p0 s3, s7;
	s7 =	simm.s32 @!p0 $0x108  }
0x21: {  	s3 =	sadd.s32 s3, s9;
	s6 =	sadd.s32 @!p0 $0x88, s6;
	s7 =	simm.s32 @p2 $0x1082  }
0x22: {  	[simem:s7], [sflag:s8] =	dma.local @!p0 [hbm:s6], $0xF7A  }
0x23: {  	s9 =	sor.u32 $0xD0000000, s2;
	s6 =	simm.s32 $0x108;
	_ =	swait.ge @!p0 [sflag:s8], $0x0  }
0x24: {  	s3 =	sadd.s32 $0x88, s3;
	s6 =	simm.s32 @!p1 $0x1082;
	[sflag:s4] =	ssyncset.s32 $0xFFFFF086  }
0x25: {  	[simem:s6], [sflag:s4] =	dma.local [hbm:s3], $0xF7A  }
0x26: {  	[smem:$0x3F91] =	sst s1;
	(tag) =	ssettag s2;
	_ =	strace s9  }
0x27: {  	s1 =	sld [smem:$0x3FA1]  }
0x28: {  	s2 =	sld [smem:$0x3FA2]  }
0x29: {  	s4 =	sld [smem:$0x3FA4]  }
0x2a: {  	p0 =	seq.s32 s5, $0x0;
	s5 =	sld [smem:$0x3FA5]  }
0x2b: {  	s6 =	sld [smem:$0x3FA6]  }
0x2c: {  	s7 =	sld [smem:$0x3FA7]  }
0x2d: {  	s3 =	simm.s32 $0x108;
	s8 =	sld [smem:$0x3FA8]  }
0x2e: {  	s3 =	simm.s32 @!p0 $0x1082;
	s9 =	sld [smem:$0x3FA9]  }
0x2f: {  	lr =	sadd.s32 s0, s3;
	s0 =	sld [smem:$0x3FA0]  }
0x30: {  	s3 =	sld [smem:$0x3FA3]  }
0x31: {  	[smem:$0x3FAC] =	sst s10  }
0x32: {  	s10 =	sld [smem:$0x3FAA];
	_ =	sdelay $0x3  }
0x33: {  	p0 =	seq.s32 s10, $0x1;
	s10 =	sld [smem:$0x3FAC];
	_ =	sdelay $0x3  }
0x34: {  	[smem:$0x3FAC] =	sst s10  }
0x35: {  	s10 =	sld [smem:$0x3FAB];
	_ =	sdelay $0x3  }
0x36: {  	p1 =	seq.s32 s10, $0x1;
	s10 =	sld [smem:$0x3FAC];
	_ =	sdelay $0x3  }
0x37: {  	[smem:$0x3FAC] =	sst s10  }
0x38: {  	s10 =	sld [smem:$0x3FAD]  }
0x39: {  	_ = 	snop;
	(pc) =	sbr.ind lr, $3  }
0x3a: {  	_ = 	snop  }
0x3b: {  	_ = 	snop  }
0x3c: {  	p2 =	seq.s32 s10, $0x1;
	s10 =	sld [smem:$0x3FAC]  }
0x3d: {  	_ =	shalt  }
0x3e: {  	_ =	shalt  }
0x3f: {  	_ =	shalt  }
0x40: {  	_ =	shalt  }
0x41: {  	_ =	shalt  }
0x42: {  	_ =	shalt  }
0x43: {  	_ =	shalt  }
0x44: {  	_ =	shalt  }
0x45: {  	_ =	shalt  }
0x46: {  	_ =	shalt  }
0x47: {  	_ =	shalt  }
0x48: {  	_ =	shalt  }
0x49: {  	_ =	shalt  }
0x4a: {  	_ =	shalt  }
0x4b: {  	_ =	shalt  }
0x4c: {  	_ =	shalt  }
0x4d: {  	_ =	shalt  }
0x4e: {  	_ =	shalt  }
0x4f: {  	_ =	shalt  }
0x50: {  	_ =	shalt  }
0x51: {  	_ =	shalt  }
0x52: {  	_ =	shalt  }
0x53: {  	_ =	shalt  }
0x54: {  	_ =	shalt  }
0x55: {  	_ =	shalt  }
0x56: {  	_ =	shalt  }
0x57: {  	_ =	shalt  }
0x58: {  	_ =	shalt  }
0x59: {  	_ =	shalt  }
0x5a: {  	_ =	shalt  }
0x5b: {  	_ =	shalt  }
0x5c: {  	_ =	shalt  }
0x5d: {  	_ =	shalt  }
0x5e: {  	_ =	shalt  }
0x5f: {  	_ =	shalt  }
0x60: {  	_ =	shalt  }
0x61: {  	_ =	shalt  }
0x62: {  	_ =	shalt  }
0x63: {  	_ =	shalt  }
0x64: {  	_ =	shalt  }
0x65: {  	_ =	shalt  }
0x66: {  	_ =	shalt  }
0x67: {  	_ =	shalt  }
0x68: {  	_ =	shalt  }
0x69: {  	_ =	shalt  }
0x6a: {  	_ =	shalt  }
0x6b: {  	_ =	shalt  }
0x6c: {  	_ =	shalt  }
0x6d: {  	_ =	shalt  }
0x6e: {  	_ =	shalt  }
0x6f: {  	_ =	shalt  }
0x70: {  	_ =	shalt  }
0x71: {  	_ =	shalt  }
0x72: {  	_ =	shalt  }
0x73: {  	_ =	shalt  }
0x74: {  	_ =	shalt  }
0x75: {  	_ =	shalt  }
0x76: {  	_ =	shalt  }
0x77: {  	_ =	shalt  }
0x78: {  	_ =	shalt  }
0x79: {  	_ =	shalt  }
0x7a: {  	_ =	shalt  }
0x7b: {  	_ =	shalt  }
0x7c: {  	_ =	shalt  }
0x7d: {  	_ =	shalt  }
0x7e: {  	_ =	shalt  }
0x7f: {  	_ =	shalt  }
0x80: {  	_ =	shalt  }
0x81: {  	_ =	shalt  }
0x82: {  	_ =	shalt  }
0x83: {  	_ =	shalt  }
0x84: {  	_ =	shalt  }
0x85: {  	_ =	shalt  }
0x86: {  	_ =	shalt  }
0x87: {  	_ =	shalt  }
.Lfunc_end0:
.L_simem_size_0:
called_computation.3_lowered:
.L_overlay_start_0:
0x88: {  	s2 =	sld [smem:$0x3FD9]  }
0x89: {  	s3 =	sld [smem:$0x3FFE];
	_ =	sdelay $0x1  }
0x8a: {  	s1 =	srdreg.scid  }
0x8b: {  	s0 =	sand.u32 $0x1, s1  }
0x8c: {  	s17 =	sshll.u32 s0, $0xA;
	s2 =	sadd.s32 s3, s2  }
0x8d: {  	s2 =	sadd.s32 s2, s17  }
0x8e: {  	[smem:$0x3FB8] =	sst s2  }
0x8f: {  	_ = 	snop  }
0x90: {  	s2 =	sld [smem:$0x3FD0];
	(tm) =	ssettm $0x1  }
0x91: {  	s18 =	sld [smem:$0x3FFB];
	_ =	sdelay $0x3  }
0x92: {  	_ =	strace s18  }
0x93: {  	s3 =	sld [smem:$0x3FFC];
	_ =	sdelay $0x3  }
0x94: {  	_ =	strace s3  }
0x95: {  	s3 =	sld [smem:$0x3FFD];
	_ =	sdelay $0x3  }
0x96: {  	_ =	strace s3  }
0x97: {  	_ =	strace $0x8FFFFFFF  }
0x98: {  	s19 =	sld [smem:$0x3FDB];
	_ =	sdelay $0x1  }
0x99: {  	s4 =	simm.s32 $_scs_section_size  }
0x9a: {  	s5 =	simm.s32 $_size__tile_overlayer_lowered;
	s6 =	simm.s32 $_tile_overlayer_lowered  }
0x9b: {  	s22 =	simm.s32 $0x1BFF;
	s21 =	sshll.u32 s6, $0x1;
	s3 =	sadd.s32 s4, s19  }
0x9c: {  	s7 =	simm.s32 $0x0;
	s20 =	sshll.u32 s5, $0x1;
	s5 =	sadd.s32 s21, s3  }
0x9d: {  	[timem:s7], [sflag:s22] =	dma.local [hbm:s5], s20  }
0x9e: {  	_ =	swait.ge [sflag:s22], s20  }
0x9f: {  	s4 =	ssub.s32 $0x0, s20;
	[sflag:s22] =	ssyncset.done $0x0  }
0xa0: {  	[sflag:s22] =	ssyncadd.s32 s4;
	_ =	sdelay $0x1  }
0xa1: {  	s23 =	simm.s32 $0x1B8B  }
0xa2: {  	_ =	swait.ge [sflag:s23], $0x1  }
0xa3: {  	[sflag:s23] =	ssyncset.done $0x0  }
0xa4: {  	s25 =	simm.s32 $0x1B8E;
	s24 =	sld [smem:$0x3FFE];
	[sflag:s23] =	ssyncadd.s32 $0xFFFFFFFF  }
0xa5: {  	s26 =	simm.s32 $execute0_lowered;
	[smem:$0x3FD2] =	sst s25  }
0xa6: {  	s5 =	sshll.u32 s26, $0x1;
	_ =	strace $0x8000004F;
	[dreg:$0x1] =	wrdreg $0xFFFFFFFF  }
0xa7: {  	s28 =	simm.s32 $_size_execute0_lowered;
	s3 =	sadd.s32 s3, s5;
	[dreg:$0x0] =	wrdreg $0x0  }
0xa8: {  	s5 =	sshll.u32 s28, $0x1;
	[dreg:$0x2] =	wrdreg s3  }
0xa9: {  	[dreg:$0x3] =	wrdreg s5  }
0xaa: {  	[dreg:$0x4] =	wrdreg $0xC0  }
0xab: {  	_ =	task [dreg:s7], $0x5FFFF  }
0xac: {  	[dreg:$0x1] =	wrdreg $0xFFFFFFFF  }
0xad: {  	[dreg:$0x0] =	wrdreg $0x60  }
0xae: {  	[dreg:$0x2] =	wrdreg s24  }
0xaf: {  	[dreg:$0x3] =	wrdreg s2  }
0xb0: {  	[dreg:$0x4] =	wrdreg $0x0  }
0xb1: {  	[dreg:$0x5] =	wrdreg $0x9  }
0xb2: {  	_ =	task.clear_ibuf [dreg:s7], $0x6FFFF;
	_ =	strace $0x9000004F  }
0xb3: {  	s29 =	simm.s32 $0x9;
	_ =	strace $0x80000051  }
0xb4: {  	_ =	swait.ge [sflag:s29], $0x1  }
0xb5: {  	[sflag:s29] =	ssyncadd.s32 $0xFFFFFFFF  }
0xb6: {  	_ =	strace $0x90000051  }
0xb7: {  	_ =	sfence  }
0xb8: {  	s30 =	sld [smem:$0x0];
	_ =	sdelay $0x2  }
0xb9: {  	s31 =	sshll.u32 s1, $0xD;
	s1 =	sshrl.u32 s1, $0x2  }
0xba: {  	s3 =	sand.u32 $0x4000, s31;
	s1 =	sadd.s32 s1, s30  }
0xbb: {  	s0 =	sor.u32 s3, s0;
	s1 =	sshll.u32 s1, $0x11  }
0xbc: {  	s0 =	sor.u32 s1, s0  }
0xbd: {  	s0 =	sadd.s32 $0x8F2B, s0  }
0xbe: {  	[sflag:s0] =	ssyncadd.remote.s32 $0x1  }
0xbf: {  	_ =	sfence.sel $0xFFFF  }
0xc0: {  	[dreg:$0x0] =	wrdreg $0xFFFFFFFF;
	(pc) =	sbr.abs _section_cstart, $3  }
0xc1: {  	[dreg:$0x1] =	wrdreg $0xFFFFFFFF  }
0xc2: {  	_ =	task.clear_ibuf [dreg:s7], $0x2FFFF;
	_ =	strace $0x9FFFFFFF  }
0xc3: {  	(tm) =	ssettm $0x7FFFFFFF  }
tec
execute0_lowered:
.L_overlay_start_1:
0x0: {  	(tag) =	ssettag $0x1  }
0x1: {  	s6 =	rddreg [dreg:$0x0]  }
0x2: {  	s1 =	rddreg [dreg:$0x1]  }
0x3: {  	s3 =	rddreg [dreg:$0x2]  }
0x4: {  	s0 =	rddreg [dreg:$0x3];
	s4 =	simm.s32 $0x0;
	s2 =	stileid.u32  }
0x5: {  	s5 =	srdreg.scid;
	s14 =	simm.s32 $0x13D00;
	s15 =	simm.s32 $0x80  }
0x6: {  	s16 =	simm.s32 $0x13E00;
	s17 =	simm.s32 $0x13D80;
	s7 =	smul.u32 $0x58, s2  }
0x7: {  	s18 =	simm.s32 $0x17E00;
	[smem:$0x7FF] =	sst s4;
	s9 =	smul.u32 $0x46, s2  }
0x8: {  	s8 =	sand.u32 $0x1, s5;
	s5 =	sadd.s32 $0xD800, s6;
	s11 =	smul.u32 $0x4F000, s2  }
0x9: {  	s30 =	sshll.u32 s2, $0x6;
	s20 =	smul.u32 $0x2780, s2;
	_ =	strace $0x80000050  }
0xa: {  	p0 =	seq.s32 s8, $0x0;
	s28 =	smul.u32 $0x27800, s8;
	s8 =	ssub.s32 $0x2, s8  }
0xb: {  	s7 =	sadd.s32 $0x460, s7;
	s10 =	sshrl.u32 s8, $0x1;
	s29 =	sshrl.u32 s11, $0x2  }
0xc: {  	s7 =	smov.u32 @p0 s9;
	s13 =	sadd.s32 s28, s6;
	s10 =	ssub.s32 s8, s10  }
0xd: {  	s11 =	sadd.s32 s29, s3;
	s7 =	sshll.u32 s7, $0x4;
	s19 =	sadd.s32 $0x66E00, s13  }
0xe: {  	s10 =	smax.u32 s10, $0x1;
	s12 =	sadd.s32 s7, s6;
	s6 =	simm.s32 $0x46  }
0xf: {  	s11 =	sshrl.u32 s11, $0x3;
	s13 =	simm.s32 $0x13C00;
	s6 =	simm.s32 @!p0 $0x58  }
0x10: {  	s7 =	sor.u32 $0x1C03, s30;
	s19 =	sadd.s32 s20, s19;
	s31 =	sshll.u32 s6, $0x4  }
0x11: {  	s8 =	sadd.s32 $0x5D000, s12;
	s9 =	sadd.s32 $0x3A00, s12;
	s12 =	sadd.s32 $0xFFFFFFE0, s31  }
0x12: {  	s20 =	simm.s32 $0x0;
	[dreg:$0x4] =	wrdreg s12;
	s12 =	simm.s32 $0x3  }
.LBB2_1:
0x13: {  	[spmem:s11], [sflag:s7] =	dma.local [hbm:s1], $0x2780  }
0x14: {  	_ =	swait.ge [sflag:s12], $0x2780  }
0x15: {  	[sflag:s12] =	ssyncset.done $0x0  }
0x16: {  	[sflag:s12] =	ssyncadd.s32 $0xFFFFD880  }
0x17: {  	[bflag:$0x0] =	sbarrier.arrive $0xFFFF  }
0x18: {  	[tilespmem:s13], [sflag:$0x3] =	stream.linear.gather [hbm4b:s8+s4], $0x80, $0x38;
	[tilespmem:$0x1BE00] =	vst v63  }
0x19: {  	_ =	swait.ge [sflag:s12], $0x80  }
0x1a: {  	[sflag:s12] =	ssyncset.done $0x0  }
0x1b: {  	[sflag:s12] =	ssyncadd.s32 $0xFFFFFF80  }
0x1c: {  	[tilespmem:s14], [sflag:$0x3] =	stream.linear.gather [hbm4b:s9+s4], $0x80, $0x38;
	[tilespmem:$0x1BE00] =	vst v63  }
0x1d: {  	_ =	swait.ge [sflag:s12], $0x80  }
0x1e: {  	[sflag:s12] =	ssyncset.done $0x0  }
0x1f: {  	s22 =	simm.s32 $0x2;
	s21 =	simm.s32 $0x0;
	[sflag:s12] =	ssyncadd.s32 $0xFFFFFF80  }
0x20: {  	[tilespmem:s16], [sflag:$0x1] =	stream.indirect.gather [hbm4b:s5+s15], $0x80, s13, s15, $0xb8;
	[tilespmem:$0x1BE00] =	vst v63  }
.LBB2_2:
0x21: {  	s23 =	sadd.s32 $0xFFFFFFFF, s22  }
0x22: {  	p0 =	sge.u32 s23, s6  }
0x23: {  	s23 =	simm.s32 @p0 $0x1  }
0x24: {  	_ =	swait.ge @p0 [sflag:s23], $0x4000  }
0x25: {  	[sflag:s23] =	ssyncset.done @p0 $0x0  }
0x26: {  	[sflag:s23] =	ssyncadd.s32 @p0 $0xFFFFC000;
	s23 =	sadd.s32 @!p0 s21, s8  }
0x27: {  	s24 =	simm.s32 @!p0 $0x0;
	s25 =	simm.s32 @!p0 $0x13C80;
	s23 =	sadd.s32 @!p0 $0x10, s23  }
0x28: {  	[tilespmem:s25], [sflag:$0x3] =	stream.linear.gather @!p0 [hbm4b:s23+s24], $0x80, $0x38;
	[tilespmem:$0x1BE00] =	vst v63  }
0x29: {  	s23 =	simm.s32 @!p0 $0x3  }
0x2a: {  	_ =	swait.ge @!p0 [sflag:s23], $0x80  }
0x2b: {  	s26 =	sadd.s32 @!p0 s21, s9;
	[sflag:s23] =	ssyncset.done @!p0 $0x0  }
0x2c: {  	s28 =	simm.s32 @!p0 $0x13D80;
	s26 =	sadd.s32 @!p0 $0x10, s26;
	[sflag:s23] =	ssyncadd.s32 @!p0 $0xFFFFFF80  }
0x2d: {  	[tilespmem:s28], [sflag:$0x3] =	stream.linear.gather @!p0 [hbm4b:s26+s24], $0x80, $0x38;
	[tilespmem:$0x1BE00] =	vst v63  }
0x2e: {  	_ =	swait.ge @!p0 [sflag:s23], $0x80  }
0x2f: {  	[sflag:s23] =	ssyncset.done @!p0 $0x0  }
0x30: {  	[sflag:s23] =	ssyncadd.s32 @!p0 $0xFFFFFF80;
	s23 =	simm.s32 @!p0 $0x1  }
0x31: {  	_ =	swait.ge @!p0 [sflag:s23], $0x4000  }
0x32: {  	[sflag:s23] =	ssyncset.done @!p0 $0x0  }
0x33: {  	s24 =	simm.s32 @!p0 $0x17E00;
	[sflag:s23] =	ssyncadd.s32 @!p0 $0xFFFFC000;
	s23 =	simm.s32 @!p0 $0x80  }
0x34: {  	[tilespmem:s24], [sflag:$0x2] =	stream.indirect.gather @!p0 [hbm4b:s5+s23], $0x80, s25, s23, $0xb8;
	[tilespmem:$0x1BE00] =	vst v63  }
0x35: {  	_ = 	snop  }
0x36: {  	[spmem:s3] =	stream.indirect.scatter.add.f32 [tilespmem:s16], [sflag:$0x3], $0x80, s14, s15, $0xb8;
	[tilespmem:$0x1BE00] =	vst v63  }
0x37: {  	_ =	swait.ge [sflag:s12], $0x4000  }
0x38: {  	p0 =	sge.u32 s22, s6;
	[sflag:s12] =	ssyncset.done $0x0  }
0x39: {  	s23 =	simm.s32 @p0 $0x2;
	[sflag:s12] =	ssyncadd.s32 $0xFFFFC000  }
0x3a: {  	_ =	swait.ge @p0 [sflag:s23], $0x4000  }
0x3b: {  	[sflag:s23] =	ssyncset.done @p0 $0x0  }
0x3c: {  	[sflag:s23] =	ssyncadd.s32 @p0 $0xFFFFC000;
	s23 =	sadd.s32 @!p0 s21, s8  }
0x3d: {  	s24 =	simm.s32 @!p0 $0x0;
	s25 =	simm.s32 @!p0 $0x13C00;
	s23 =	sadd.s32 @!p0 $0x20, s23  }
0x3e: {  	[tilespmem:s25], [sflag:$0x3] =	stream.linear.gather @!p0 [hbm4b:s23+s24], $0x80, $0x38;
	[tilespmem:$0x1BE00] =	vst v63  }
0x3f: {  	s23 =	simm.s32 @!p0 $0x3  }
0x40: {  	_ =	swait.ge @!p0 [sflag:s23], $0x80  }
0x41: {  	s26 =	sadd.s32 @!p0 s21, s9;
	[sflag:s23] =	ssyncset.done @!p0 $0x0  }
0x42: {  	s28 =	simm.s32 @!p0 $0x13D00;
	s26 =	sadd.s32 @!p0 $0x20, s26;
	[sflag:s23] =	ssyncadd.s32 @!p0 $0xFFFFFF80  }
0x43: {  	[tilespmem:s28], [sflag:$0x3] =	stream.linear.gather @!p0 [hbm4b:s26+s24], $0x80, $0x38;
	[tilespmem:$0x1BE00] =	vst v63  }
0x44: {  	_ =	swait.ge @!p0 [sflag:s23], $0x80  }
0x45: {  	[sflag:s23] =	ssyncset.done @!p0 $0x0  }
0x46: {  	[sflag:s23] =	ssyncadd.s32 @!p0 $0xFFFFFF80;
	s23 =	simm.s32 @!p0 $0x2  }
0x47: {  	_ =	swait.ge @!p0 [sflag:s23], $0x4000  }
0x48: {  	[sflag:s23] =	ssyncset.done @!p0 $0x0  }
0x49: {  	s24 =	simm.s32 @!p0 $0x13E00;
	[sflag:s23] =	ssyncadd.s32 @!p0 $0xFFFFC000;
	s23 =	simm.s32 @!p0 $0x80  }
0x4a: {  	[tilespmem:s24], [sflag:$0x1] =	stream.indirect.gather @!p0 [hbm4b:s5+s23], $0x80, s25, s23, $0xb8;
	[tilespmem:$0x1BE00] =	vst v63  }
0x4b: {  	_ = 	snop  }
0x4c: {  	[spmem:s3] =	stream.indirect.scatter.add.f32 [tilespmem:s18], [sflag:$0x3], $0x80, s17, s15, $0xb8;
	[tilespmem:$0x1BE00] =	vst v63  }
0x4d: {  	_ =	swait.ge [sflag:s12], $0x4000  }
0x4e: {  	s21 =	sadd.s32 $0x20, s21;
	s31 =	rddreg [dreg:$0x4]  }
0x4f: {  	p0 =	sne.s32 s31, s21  }
.Ltmp0:
0x50: {  	_ = 	snop;
	(pc) =	sbr.rel @p0 .LBB2_2-.Ltmp0, $3  }
0x51: {  	_ =	sdelay $0x1  }
0x52: {  	[sflag:s12] =	ssyncset.done $0x0  }
0x53: {  	s22 =	sadd.s32 $0x2, s22;
	[sflag:s12] =	ssyncadd.s32 $0xFFFFC000  }
0x54: {  	s23 =	sadd.s32 $0xFFFFFFFF, s22  }
0x55: {  	p0 =	slt.u32 s23, s6  }
0x56: {  	s23 =	sadd.s32 @p0 s21, s8  }
0x57: {  	s24 =	simm.s32 @p0 $0x0;
	s25 =	simm.s32 @p0 $0x13C80;
	s23 =	sadd.s32 @p0 $0x10, s23  }
0x58: {  	[tilespmem:s25], [sflag:$0x3] =	stream.linear.gather @p0 [hbm4b:s23+s24], $0x80, $0x38;
	[tilespmem:$0x1BE00] =	vst v63  }
0x59: {  	s23 =	simm.s32 @p0 $0x3  }
0x5a: {  	_ =	swait.ge @p0 [sflag:s23], $0x80  }
0x5b: {  	s26 =	sadd.s32 @p0 s21, s9;
	[sflag:s23] =	ssyncset.done @p0 $0x0  }
0x5c: {  	s28 =	simm.s32 @p0 $0x13D80;
	s26 =	sadd.s32 @p0 $0x10, s26;
	[sflag:s23] =	ssyncadd.s32 @p0 $0xFFFFFF80  }
0x5d: {  	[tilespmem:s28], [sflag:$0x3] =	stream.linear.gather @p0 [hbm4b:s26+s24], $0x80, $0x38;
	[tilespmem:$0x1BE00] =	vst v63  }
0x5e: {  	_ =	swait.ge @p0 [sflag:s23], $0x80  }
0x5f: {  	[sflag:s23] =	ssyncset.done @p0 $0x0  }
0x60: {  	[sflag:s23] =	ssyncadd.s32 @p0 $0xFFFFFF80;
	s23 =	simm.s32 @p0 $0x1  }
0x61: {  	_ =	swait.ge @p0 [sflag:s23], $0x4000  }
0x62: {  	[sflag:s23] =	ssyncset.done @p0 $0x0  }
0x63: {  	s24 =	simm.s32 @p0 $0x17E00;
	[sflag:s23] =	ssyncadd.s32 @p0 $0xFFFFC000;
	s23 =	simm.s32 @p0 $0x80  }
0x64: {  	[tilespmem:s24], [sflag:$0x2] =	stream.indirect.gather @p0 [hbm4b:s5+s23], $0x80, s25, s23, $0xb8;
	[tilespmem:$0x1BE00] =	vst v63  }
0x65: {  	s23 =	simm.s32 @!p0 $0x1  }
0x66: {  	_ =	swait.ge @!p0 [sflag:s23], $0x4000  }
0x67: {  	[sflag:s23] =	ssyncset.done @!p0 $0x0  }
0x68: {  	[sflag:s23] =	ssyncadd.s32 @!p0 $0xFFFFC000  }
0x69: {  	[spmem:s3] =	stream.indirect.scatter.add.f32 [tilespmem:s16], [sflag:$0x3], $0x80, s14, s15, $0xb8;
	[tilespmem:$0x1BE00] =	vst v63  }
0x6a: {  	p0 =	slt.u32 s22, s6;
	_ =	swait.ge [sflag:s12], $0x4000  }
0x6b: {  	s22 =	sadd.s32 @p0 s21, s8;
	s23 =	simm.s32 @p0 $0x0;
	[sflag:s12] =	ssyncset.done $0x0  }
0x6c: {  	s24 =	simm.s32 @p0 $0x13C00;
	s22 =	sadd.s32 @p0 $0x20, s22;
	[sflag:s12] =	ssyncadd.s32 $0xFFFFC000  }
0x6d: {  	[tilespmem:s24], [sflag:$0x3] =	stream.linear.gather @p0 [hbm4b:s22+s23], $0x80, $0x38;
	[tilespmem:$0x1BE00] =	vst v63  }
0x6e: {  	s22 =	simm.s32 @p0 $0x3  }
0x6f: {  	_ =	swait.ge @p0 [sflag:s22], $0x80  }
0x70: {  	s21 =	sadd.s32 @p0 s21, s9;
	[sflag:s22] =	ssyncset.done @p0 $0x0  }
0x71: {  	s25 =	simm.s32 @p0 $0x13D00;
	s21 =	sadd.s32 @p0 $0x20, s21;
	[sflag:s22] =	ssyncadd.s32 @p0 $0xFFFFFF80  }
0x72: {  	[tilespmem:s25], [sflag:$0x3] =	stream.linear.gather @p0 [hbm4b:s21+s23], $0x80, $0x38;
	[tilespmem:$0x1BE00] =	vst v63  }
0x73: {  	_ =	swait.ge @p0 [sflag:s22], $0x80  }
0x74: {  	[sflag:s22] =	ssyncset.done @p0 $0x0  }
0x75: {  	s21 =	simm.s32 @p0 $0x2;
	[sflag:s22] =	ssyncadd.s32 @p0 $0xFFFFFF80  }
0x76: {  	_ =	swait.ge @p0 [sflag:s21], $0x4000  }
0x77: {  	[sflag:s21] =	ssyncset.done @p0 $0x0  }
0x78: {  	s22 =	simm.s32 @p0 $0x13E00;
	[sflag:s21] =	ssyncadd.s32 @p0 $0xFFFFC000;
	s21 =	simm.s32 @p0 $0x80  }
0x79: {  	[tilespmem:s22], [sflag:$0x1] =	stream.indirect.gather @p0 [hbm4b:s5+s21], $0x80, s24, s21, $0xb8;
	[tilespmem:$0x1BE00] =	vst v63  }
0x7a: {  	s21 =	simm.s32 @!p0 $0x2  }
0x7b: {  	_ =	swait.ge @!p0 [sflag:s21], $0x4000  }
0x7c: {  	[sflag:s21] =	ssyncset.done @!p0 $0x0  }
0x7d: {  	[sflag:s21] =	ssyncadd.s32 @!p0 $0xFFFFC000  }
0x7e: {  	[spmem:s3] =	stream.indirect.scatter.add.f32 [tilespmem:s18], [sflag:$0x3], $0x80, s17, s15, $0xb8;
	[tilespmem:$0x1BE00] =	vst v63  }
0x7f: {  	_ =	swait.ge [sflag:s12], $0x4000  }
0x80: {  	s20 =	sadd.s32 $0x1, s20;
	[sflag:s12] =	ssyncset.done $0x0  }
0x81: {  	p0 =	sne.s32 s20, s10;
	[sflag:s12] =	ssyncadd.s32 $0xFFFFC000  }
.Ltmp1:
0x82: {  	[bflag:$0x0] =	sbarrier.arrive $0xFFFF;
	(pc) =	sbr.rel @p0 .LBB2_1-.Ltmp1, $4  }
0x83: {  	[hbm:s19], [sflag:s7] =	dma.local [spmem:s11], $0x2780  }
0x84: {  	_ =	swait.ge [sflag:s12], $0x2780  }
0x85: {  	[sflag:s12] =	ssyncset.done $0x0  }
0x86: {  	[sflag:s12] =	ssyncadd.s32 $0xFFFFD880  }
0x87: {  	_ =	sfence.sel $0x180000  }
0x88: {  	[bflag:$0x0] =	sbarrier.arrive $0xFFFF  }
0x89: {  	p0 =	sne.s32 s2, $0x0;
	_ =	strace $0x90000050  }
0x8a: {  	s0 =	sadd.s32 @!p0 $0x100000, s0;
	[bflag:$0x2] =	sbarrier.arrive $0xFFFF  }
0x8b: {  	[sflag:s0] =	ssyncadd.tile.s32 @!p0 $0x1;
	_ =	shalt  }
.Lfunc_end2:
_tile_overlayer_lowered:
.L_overlay_start_2:
0x8c: {  	(tag) =	ssettag $0x2  }
0x8d: {  	s0 =	rddreg [dreg:$0x0];
	s2 =	stileid.u32  }
0x8e: {  	s1 =	rddreg [dreg:$0x1];
	p0 =	sne.s32 s2, $0x0  }
0x8f: {  	s3 =	rddreg [dreg:$0x2];
	[bflag:$0x3] =	sbarrier.arrive $0xFFFF;
	s2 =	simm.s32 @!p0 $0x1C03  }
0x90: {  	[timem:s3], [sflag:s2] =	dma.local @!p0 [hbm:s0], s1  }
0x91: {  	s0 =	simm.s32 @!p0 $0x3  }
0x92: {  	_ =	swait.ge @!p0 [sflag:s0], s1  }
0x93: {  	s1 =	ssub.s32 @!p0 $0x0, s1;
	[sflag:s0] =	ssyncset.done @!p0 $0x0  }
0x94: {  	[sflag:s0] =	ssyncadd.s32 @!p0 s1  }
0x95: {  	[bflag:$0x3] =	sbarrier.arrive $0xFFFF  }
0x96: {  	_ =	shalt  }

</sc_bundles>
